<compile_context>
chip_gen: v7x
topology: tpu7x:2x2x1
jax: 0.10.2.dev20260603
libtpu: 0.0.44.dev20260713+nightly
codegen_flags: <defaults>
</compile_context>

<pallas_src>
import functools

import jax
import jax.numpy as jnp
from jax import lax
from jax.experimental import pallas as pl
from jax.experimental.pallas import tpu as pltpu
from jax.experimental.pallas import tpu_sc as plsc

NC = 2
NS = 16
LANES = 16

CHUNK = 64


def _sc_partial_sums(x, scope1d, sc_rows, d, nbags):
    nworkers = NC * NS
    rows_per_worker = sc_rows // nworkers
    nchunks = rows_per_worker // CHUNK
    nj = d // LANES
    mesh = plsc.VectorSubcoreMesh(core_axis_name="c", subcore_axis_name="s")

    @functools.partial(
        pl.kernel,
        out_type=jax.ShapeDtypeStruct((nworkers, nbags, d), jnp.float32),
        mesh=mesh,
        scratch_types=[
            pltpu.VMEM((2, CHUNK, d), jnp.float32),
            pltpu.VMEM((nbags + 8, ), jnp.int32),
            pltpu.VMEM((nbags, d), jnp.float32),
            pltpu.SemaphoreType.DMA,
            pltpu.SemaphoreType.DMA,
        ],
    )
    def body(x_hbm, scope_hbm, out_hbm, xbuf, cutsv, acc, sem0, sem1):
        c = lax.axis_index("c")
        s = lax.axis_index("s")
        wid = c * NS + s
        base = wid * rows_per_worker

        pltpu.make_async_copy(
            x_hbm.at[pl.ds(base, CHUNK)], xbuf.at[0], sem0).start()
        pltpu.sync_copy(scope_hbm, cutsv.at[pl.ds(0, nbags + 1)])

        def zrow(i, carry):
            for j in range(nj):
                acc[i, pl.ds(j * LANES, LANES)] = jnp.zeros(
                    (LANES,), jnp.float32)
            return carry
        lax.fori_loop(0, nbags, zrow, 0)

        def start_chunk(g0, slot_idx, s_a):
            pltpu.make_async_copy(
                x_hbm.at[pl.ds(g0, CHUNK)], xbuf.at[slot_idx], s_a).start()

        def wait_chunk(slot_idx, s_a):
            pltpu.make_async_copy(
                x_hbm.at[pl.ds(base, CHUNK)], xbuf.at[slot_idx], s_a).wait()

        cuts_vec = cutsv[pl.ds(1, nbags)]
        cut_s = [cuts_vec[i] for i in range(nbags)]

        def bag_of(row):
            b = jnp.int32(0)
            for i in range(nbags):
                b = b + jnp.where(cut_s[i] <= row, 1, 0).astype(jnp.int32)
            return b

        def cut_at(b):
            cn = jnp.int32(0)
            for i in range(nbags):
                cn = cn + jnp.where(b == i, cut_s[i], 0).astype(jnp.int32)
            return cn

        GRP = 16

        def chunk_body(g, carry):
            nxt = g + 1
            even_nxt = lax.rem(nxt, 2) == 0

            @pl.when((nxt < nchunks) & even_nxt)
            def _start_even():
                start_chunk(base + nxt * CHUNK, 0, sem0)

            @pl.when((nxt < nchunks) & jnp.logical_not(even_nxt))
            def _start_odd():
                start_chunk(base + nxt * CHUNK, 1, sem1)

            even_cur = lax.rem(g, 2) == 0

            @pl.when(even_cur)
            def _wait_even():
                wait_chunk(0, sem0)

            @pl.when(jnp.logical_not(even_cur))
            def _wait_odd():
                wait_chunk(1, sem1)

            slot = lax.rem(g, 2)
            cs = base + g * CHUNK

            def group(v, c):
                r0 = v * GRP
                row0 = cs + r0
                b = bag_of(row0)
                cutn = cut_at(b)
                uniform = cutn >= row0 + GRP

                def fast():
                    for j in range(nj):
                        sl = pl.ds(j * LANES, LANES)
                        vals = [xbuf[slot, r0 + k, sl] for k in range(GRP)]
                        while len(vals) > 1:
                            vals = [
                                vals[2 * i] + vals[2 * i + 1]
                                for i in range(len(vals) // 2)
                            ] + vals[2 * (len(vals) // 2):]
                        plsc.addupdate(acc.at[b, sl], vals[0])

                def slow():
                    def srow(k, cc):
                        bk = bag_of(row0 + k)
                        for j in range(nj):
                            sl = pl.ds(j * LANES, LANES)
                            plsc.addupdate(acc.at[bk, sl],
                                           xbuf[slot, r0 + k, sl])
                        return cc
                    lax.fori_loop(0, GRP, srow, 0)

                lax.cond(uniform, fast, slow)
                return c

            lax.fori_loop(0, CHUNK // GRP, group, 0)
            return carry

        lax.fori_loop(0, nchunks, chunk_body, 0)

        pltpu.sync_copy(acc, out_hbm.at[wid])

    return body(x, scope1d)


def _tc_onehot_sums(x, scope_f32, sc_rows, total, d, nbags, blk):
    nblk = (total - sc_rows) // blk

    def body(scope_ref, x_ref, out_ref):
        k = pl.program_id(0)
        sc = scope_ref[...].astype(jnp.float32)
        up = sc[1:, :]
        lo = sc[:-1, :]
        r = (jax.lax.broadcasted_iota(jnp.int32, (1, blk), 1)
             + (sc_rows + k * blk)).astype(jnp.float32)
        m = ((r < up).astype(jnp.float32) - (r < lo).astype(jnp.float32))
        part = jax.lax.dot_general(
            m, x_ref[...], (((1,), (0,)), ((), ())),
            preferred_element_type=jnp.float32)

        @pl.when(k == 0)
        def _init():
            out_ref[...] = part

        @pl.when(k > 0)
        def _accum():
            out_ref[...] = out_ref[...] + part

    return pl.pallas_call(
        body,
        grid=(nblk,),
        out_shape=jax.ShapeDtypeStruct((nbags, d), jnp.float32),
        in_specs=[
            pl.BlockSpec((nbags + 1, 1), lambda k: (0, 0),
                         memory_space=pltpu.VMEM),
            pl.BlockSpec((blk, d), lambda k: (sc_rows // blk + k, 0)),
        ],
        out_specs=pl.BlockSpec((nbags, d), lambda k: (0, 0)),
    )(scope_f32, x)


def _tc_project(partials, tc_part, w, bias2d, scope2d, flag):
    nbags = partials.shape[1]
    ncls = w.shape[0]

    def body(part_ref, tcp_ref, wt_ref, bias_ref, scope_ref, flag_ref,
             out_ref):
        sums = jnp.sum(part_ref[...], axis=0) + tcp_ref[...]
        sc = scope_ref[...]
        lengths = (sc[1:, :] - sc[:-1, :]).astype(jnp.float32)
        means = sums / lengths
        logits = jax.lax.dot_general(
            means, wt_ref[...], (((1,), (1,)), ((), ())),
            preferred_element_type=jnp.float32) + bias_ref[...]
        mx = jnp.max(logits, axis=1, keepdims=True)
        e = jnp.exp(logits - mx)
        sm = e / jnp.sum(e, axis=1, keepdims=True)
        out_ref[...] = jnp.where(flag_ref[0, 0] == 1, logits, sm)

    return pl.pallas_call(
        body,
        out_shape=jax.ShapeDtypeStruct((nbags, ncls), jnp.float32),
        in_specs=[
            pl.BlockSpec(memory_space=pltpu.VMEM),
            pl.BlockSpec(memory_space=pltpu.VMEM),
            pl.BlockSpec(memory_space=pltpu.VMEM),
            pl.BlockSpec(memory_space=pltpu.VMEM),
            pl.BlockSpec(memory_space=pltpu.VMEM),
            pl.BlockSpec(memory_space=pltpu.SMEM),
        ],
    )(partials, tc_part, w, bias2d, scope2d, flag)


def kernel(x, W, bias, input_scope, is_train):
    total, d = x.shape
    scope = jnp.asarray(input_scope, jnp.int32)
    nbags = scope.shape[0] - 1
    flag = jnp.asarray(is_train, jnp.int32).reshape(1, 1)
    scope2d = scope.reshape(nbags + 1, 1)

    sc_rows = (total * 5) // 16
    tc_part = _tc_onehot_sums(x, scope2d, sc_rows, total, d, nbags, 2048)
    partials = _sc_partial_sums(x, scope, sc_rows, d, nbags)
    return _tc_project(partials, tc_part, W, bias.reshape(1, -1),
                       scope2d, flag)

# --- scband reference (transcript-rebuilt; emitter-appended) ---
"""Pipeline reference for scband-average-85478439125353 (READ-ONLY COPY).

The authoritative reference and input builder live on the scoring server;
editing this copy changes nothing except your own understanding.
"""

import jax, jax.numpy as jnp
import numpy as np

B = 16
TOTAL = 32768
D = 256
NUM_CLASSES = 53


def setup_inputs(seed: int = 0) -> dict:
    key = jax.random.key(seed)
    k1, k2, k3 = jax.random.split(key, 3)
    x = jax.random.normal(k1, (TOTAL, D), dtype=jnp.float32)
    # xavier_uniform for relation matrix [num_classes, hidden]
    limit = float(np.sqrt(6.0 / (NUM_CLASSES + D)))
    W = jax.random.uniform(k2, (NUM_CLASSES, D), dtype=jnp.float32, minval=-limit, maxval=limit)
    bias = jax.random.normal(k3, (NUM_CLASSES,), dtype=jnp.float32)
    # bag boundaries: strictly increasing, start 0, end TOTAL (no empty bags)
    rng = np.random.default_rng(0)
    cuts = np.sort(rng.choice(np.arange(1, TOTAL), size=B - 1, replace=False))
    input_scope = np.concatenate([[0], cuts, [TOTAL]]).astype(np.int64)
    return {"x": x, "W": W, "bias": bias, "input_scope": input_scope, "is_train": True}


def reference(x, W, bias, input_scope, is_train):
    scope = jnp.asarray(input_scope)
    nbags = scope.shape[0] - 1
    total = x.shape[0]
    lengths = scope[1:] - scope[:-1]
    seg_ids = jnp.searchsorted(scope, jnp.arange(total), side='right') - 1
    # per-bag mean over ragged segments (faithful to torch.mean over x[a:b])
    sums = jax.ops.segment_sum(x, seg_ids, num_segments=nbags)
    means = sums / lengths.astype(x.dtype)[:, None]
    logits = jnp.matmul(means, W.T) + bias
    return jnp.where(is_train, logits, jax.nn.softmax(logits, axis=1))

if __name__ == "__main__":
    import jax
    _d = setup_inputs()
    print(jax.jit(kernel)(*tuple(_d.values())))

</pallas_src>

<mosaic_0001>
#map = affine_map<(d0, d1) -> (0, 0)>
#map1 = affine_map<(d0, d1) -> (0)>
#map2 = affine_map<(d0, d1) -> (0, 0, 0)>
module attributes {stable_mosaic.version = 14 : i64} {
  func.func @body(%arg0: i32, %arg1: i32, %arg2: memref<32768x256xf32, #tpu.memory_space<hbm>>, %arg3: memref<17xi32, #tpu.memory_space<hbm>>, %arg4: memref<32x16x256xf32, #tpu.memory_space<hbm>>, %arg5: memref<2x64x256xf32, #tpu.memory_space<vmem>>, %arg6: memref<24xi32, #tpu.memory_space<vmem>>, %arg7: memref<16x256xf32, #tpu.memory_space<vmem>>, %arg8: memref<!tpu.dma_semaphore, #tpu.memory_space<semaphore_mem>>, %arg9: memref<!tpu.dma_semaphore, #tpu.memory_space<semaphore_mem>>) attributes {dimension_semantics = [#tpu.dimension_semantics<core_parallel>, #tpu.dimension_semantics<subcore_parallel>], iteration_bounds = array<i64: 2, 16>, scalar_prefetch = 0 : i64, scratch_operands = 5 : i64, tpu.core_type = #tpu.core_type<sc_vector_subcore>, window_params = [{transform_indices = #map}, {transform_indices = #map1}, {transform_indices = #map2}]} {
    %mul3A = arith.constant 16 : i32
    %mul3A_0 = arith.muli %arg0, %mul3A : i32
    %add3A = arith.addi %mul3A_0, %arg1 : i32
    %mul3A_1 = arith.constant 320 : i32
    %mul3A_2 = arith.muli %add3A, %mul3A_1 : i32
    %dma_start3A = arith.constant 0 : i32
    %dma_start3A_3 = arith.constant 0 : i32
    %dma_start3A_4 = arith.constant 0 : i32
    %dma_start3A_5 = tpu.memref_slice %arg5[%dma_start3A, %dma_start3A_3, %dma_start3A_4] : memref<2x64x256xf32, #tpu.memory_space<vmem>> -> memref<1x64x256xf32, #tpu.memory_space<vmem>>
    %dma_start3A_6 = tpu.memref_squeeze %dma_start3A_5 : memref<1x64x256xf32, #tpu.memory_space<vmem>> -> memref<64x256xf32, #tpu.memory_space<vmem>>
    %dma_start3A_7 = arith.constant 0 : i32
    %dma_start3A_8 = tpu.memref_slice %arg2[%mul3A_2, %dma_start3A_7] : memref<32768x256xf32, #tpu.memory_space<hbm>> -> memref<64x256xf32, #tpu.memory_space<hbm>>
    %dma_start3A_9 = arith.constant 0 : i32
    %dma_start3A_10 = arith.constant 0 : i32
    %dma_start3A_11 = tpu.memref_slice %arg5[%dma_start3A, %dma_start3A_9, %dma_start3A_10] : memref<2x64x256xf32, #tpu.memory_space<vmem>> -> memref<1x64x256xf32, #tpu.memory_space<vmem>>
    %dma_start3A_12 = tpu.memref_squeeze %dma_start3A_11 : memref<1x64x256xf32, #tpu.memory_space<vmem>> -> memref<64x256xf32, #tpu.memory_space<vmem>>
    %dma_start3A_13 = arith.constant 0 : i32
    %dma_start3A_14 = tpu.memref_slice %arg2[%mul3A_2, %dma_start3A_13] : memref<32768x256xf32, #tpu.memory_space<hbm>> -> memref<64x256xf32, #tpu.memory_space<hbm>>
    tpu.enqueue_dma source(%dma_start3A_14 : memref<64x256xf32, #tpu.memory_space<hbm>>) target(%dma_start3A_12 : memref<64x256xf32, #tpu.memory_space<vmem>>) target_semaphore(%arg8 : memref<!tpu.dma_semaphore, #tpu.memory_space<semaphore_mem>>)
    "tpu.region"() ({
      %run_scoped3A = tpu.sem_alloc : memref<!tpu.dma_semaphore, #tpu.memory_space<semaphore_mem>>
      %dma_start3A_58 = arith.constant 0 : i32
      %dma_start3A_59 = tpu.memref_slice %arg6[%dma_start3A_58] : memref<24xi32, #tpu.memory_space<vmem>> -> memref<17xi32, #tpu.memory_space<vmem>>
      %dma_start3A_60 = arith.constant 0 : i32
      %dma_start3A_61 = tpu.memref_slice %arg6[%dma_start3A_60] : memref<24xi32, #tpu.memory_space<vmem>> -> memref<17xi32, #tpu.memory_space<vmem>>
      tpu.enqueue_dma source(%arg3 : memref<17xi32, #tpu.memory_space<hbm>>) target(%dma_start3A_61 : memref<17xi32, #tpu.memory_space<vmem>>) target_semaphore(%run_scoped3A : memref<!tpu.dma_semaphore, #tpu.memory_space<semaphore_mem>>)
      %dma_wait3A = arith.constant 0 : i32
      %dma_wait3A_62 = tpu.memref_slice %arg6[%dma_wait3A] : memref<24xi32, #tpu.memory_space<vmem>> -> memref<17xi32, #tpu.memory_space<vmem>>
      %dma_wait3A_63 = arith.constant 0 : i32
      %dma_wait3A_64 = tpu.memref_slice %arg6[%dma_wait3A_63] : memref<24xi32, #tpu.memory_space<vmem>> -> memref<17xi32, #tpu.memory_space<vmem>>
      tpu.wait_dma2 semaphore(%run_scoped3A : memref<!tpu.dma_semaphore, #tpu.memory_space<semaphore_mem>>) src(%arg3 : memref<17xi32, #tpu.memory_space<hbm>>) dst(%dma_wait3A_64 : memref<17xi32, #tpu.memory_space<vmem>>)
      tpu.yield
    }) : () -> ()
    %scan3A = arith.constant 0 : i32
    %scan3A_15 = arith.constant 0 : i32
    %scan3A_16 = arith.constant 16 : i32
    %scan3A_17 = arith.addi %scan3A_15, %scan3A_16 : i32
    %scan3A_18 = arith.constant 1 : i32
    scf.for %scan3A_58 = %scan3A_15 to %scan3A_17 step %scan3A_18  : i32 {
      %broadcast_in_dim3A = arith.constant 0.000000e+00 : f32
      %broadcast_in_dim3A_59 = vector.broadcast %broadcast_in_dim3A : f32 to vector<16xf32>
      %swap3A = arith.index_cast %scan3A_58 : i32 to index
      %swap3A_60 = arith.constant 0 : index
      %swap3A_61 = tpu.vector_load %arg7[%swap3A, %swap3A_60] {strides = array<i32>} : memref<16x256xf32, #tpu.memory_space<vmem>>, vector<1x16xf32>,
      %swap3A_62 = vector.shape_cast %swap3A_61 : vector<1x16xf32> to vector<16xf32>
      %swap3A_63 = vector.shape_cast %broadcast_in_dim3A_59 : vector<16xf32> to vector<1x16xf32>
      tpu.vector_store %arg7[%swap3A, %swap3A_60], %swap3A_63 {strides = array<i32>} : memref<16x256xf32, #tpu.memory_space<vmem>>, vector<1x16xf32>,
      %broadcast_in_dim3A_64 = arith.constant 0.000000e+00 : f32
      %broadcast_in_dim3A_65 = vector.broadcast %broadcast_in_dim3A_64 : f32 to vector<16xf32>
      %swap3A_66 = arith.index_cast %scan3A_58 : i32 to index
      %swap3A_67 = arith.constant 16 : index
      %swap3A_68 = tpu.vector_load %arg7[%swap3A_66, %swap3A_67] {strides = array<i32>} : memref<16x256xf32, #tpu.memory_space<vmem>>, vector<1x16xf32>,
      %swap3A_69 = vector.shape_cast %swap3A_68 : vector<1x16xf32> to vector<16xf32>
      %swap3A_70 = vector.shape_cast %broadcast_in_dim3A_65 : vector<16xf32> to vector<1x16xf32>
      tpu.vector_store %arg7[%swap3A_66, %swap3A_67], %swap3A_70 {strides = array<i32>} : memref<16x256xf32, #tpu.memory_space<vmem>>, vector<1x16xf32>,
      %broadcast_in_dim3A_71 = arith.constant 0.000000e+00 : f32
      %broadcast_in_dim3A_72 = vector.broadcast %broadcast_in_dim3A_71 : f32 to vector<16xf32>
      %swap3A_73 = arith.index_cast %scan3A_58 : i32 to index
      %swap3A_74 = arith.constant 32 : index
      %swap3A_75 = tpu.vector_load %arg7[%swap3A_73, %swap3A_74] {strides = array<i32>} : memref<16x256xf32, #tpu.memory_space<vmem>>, vector<1x16xf32>,
      %swap3A_76 = vector.shape_cast %swap3A_75 : vector<1x16xf32> to vector<16xf32>
      %swap3A_77 = vector.shape_cast %broadcast_in_dim3A_72 : vector<16xf32> to vector<1x16xf32>
      tpu.vector_store %arg7[%swap3A_73, %swap3A_74], %swap3A_77 {strides = array<i32>} : memref<16x256xf32, #tpu.memory_space<vmem>>, vector<1x16xf32>,
      %broadcast_in_dim3A_78 = arith.constant 0.000000e+00 : f32
      %broadcast_in_dim3A_79 = vector.broadcast %broadcast_in_dim3A_78 : f32 to vector<16xf32>
      %swap3A_80 = arith.index_cast %scan3A_58 : i32 to index
      %swap3A_81 = arith.constant 48 : index
      %swap3A_82 = tpu.vector_load %arg7[%swap3A_80, %swap3A_81] {strides = array<i32>} : memref<16x256xf32, #tpu.memory_space<vmem>>, vector<1x16xf32>,
      %swap3A_83 = vector.shape_cast %swap3A_82 : vector<1x16xf32> to vector<16xf32>
      %swap3A_84 = vector.shape_cast %broadcast_in_dim3A_79 : vector<16xf32> to vector<1x16xf32>
      tpu.vector_store %arg7[%swap3A_80, %swap3A_81], %swap3A_84 {strides = array<i32>} : memref<16x256xf32, #tpu.memory_space<vmem>>, vector<1x16xf32>,
      %broadcast_in_dim3A_85 = arith.constant 0.000000e+00 : f32
      %broadcast_in_dim3A_86 = vector.broadcast %broadcast_in_dim3A_85 : f32 to vector<16xf32>
      %swap3A_87 = arith.index_cast %scan3A_58 : i32 to index
      %swap3A_88 = arith.constant 64 : index
      %swap3A_89 = tpu.vector_load %arg7[%swap3A_87, %swap3A_88] {strides = array<i32>} : memref<16x256xf32, #tpu.memory_space<vmem>>, vector<1x16xf32>,
      %swap3A_90 = vector.shape_cast %swap3A_89 : vector<1x16xf32> to vector<16xf32>
      %swap3A_91 = vector.shape_cast %broadcast_in_dim3A_86 : vector<16xf32> to vector<1x16xf32>
      tpu.vector_store %arg7[%swap3A_87, %swap3A_88], %swap3A_91 {strides = array<i32>} : memref<16x256xf32, #tpu.memory_space<vmem>>, vector<1x16xf32>,
      %broadcast_in_dim3A_92 = arith.constant 0.000000e+00 : f32
      %broadcast_in_dim3A_93 = vector.broadcast %broadcast_in_dim3A_92 : f32 to vector<16xf32>
      %swap3A_94 = arith.index_cast %scan3A_58 : i32 to index
      %swap3A_95 = arith.constant 80 : index
      %swap3A_96 = tpu.vector_load %arg7[%swap3A_94, %swap3A_95] {strides = array<i32>} : memref<16x256xf32, #tpu.memory_space<vmem>>, vector<1x16xf32>,
      %swap3A_97 = vector.shape_cast %swap3A_96 : vector<1x16xf32> to vector<16xf32>
      %swap3A_98 = vector.shape_cast %broadcast_in_dim3A_93 : vector<16xf32> to vector<1x16xf32>
      tpu.vector_store %arg7[%swap3A_94, %swap3A_95], %swap3A_98 {strides = array<i32>} : memref<16x256xf32, #tpu.memory_space<vmem>>, vector<1x16xf32>,
      %broadcast_in_dim3A_99 = arith.constant 0.000000e+00 : f32
      %broadcast_in_dim3A_100 = vector.broadcast %broadcast_in_dim3A_99 : f32 to vector<16xf32>
      %swap3A_101 = arith.index_cast %scan3A_58 : i32 to index
      %swap3A_102 = arith.constant 96 : index
      %swap3A_103 = tpu.vector_load %arg7[%swap3A_101, %swap3A_102] {strides = array<i32>} : memref<16x256xf32, #tpu.memory_space<vmem>>, vector<1x16xf32>,
      %swap3A_104 = vector.shape_cast %swap3A_103 : vector<1x16xf32> to vector<16xf32>
      %swap3A_105 = vector.shape_cast %broadcast_in_dim3A_100 : vector<16xf32> to vector<1x16xf32>
      tpu.vector_store %arg7[%swap3A_101, %swap3A_102], %swap3A_105 {strides = array<i32>} : memref<16x256xf32, #tpu.memory_space<vmem>>, vector<1x16xf32>,
      %broadcast_in_dim3A_106 = arith.constant 0.000000e+00 : f32
      %broadcast_in_dim3A_107 = vector.broadcast %broadcast_in_dim3A_106 : f32 to vector<16xf32>
      %swap3A_108 = arith.index_cast %scan3A_58 : i32 to index
      %swap3A_109 = arith.constant 112 : index
      %swap3A_110 = tpu.vector_load %arg7[%swap3A_108, %swap3A_109] {strides = array<i32>} : memref<16x256xf32, #tpu.memory_space<vmem>>, vector<1x16xf32>,
      %swap3A_111 = vector.shape_cast %swap3A_110 : vector<1x16xf32> to vector<16xf32>
      %swap3A_112 = vector.shape_cast %broadcast_in_dim3A_107 : vector<16xf32> to vector<1x16xf32>
      tpu.vector_store %arg7[%swap3A_108, %swap3A_109], %swap3A_112 {strides = array<i32>} : memref<16x256xf32, #tpu.memory_space<vmem>>, vector<1x16xf32>,
      %broadcast_in_dim3A_113 = arith.constant 0.000000e+00 : f32
      %broadcast_in_dim3A_114 = vector.broadcast %broadcast_in_dim3A_113 : f32 to vector<16xf32>
      %swap3A_115 = arith.index_cast %scan3A_58 : i32 to index
      %swap3A_116 = arith.constant 128 : index
      %swap3A_117 = tpu.vector_load %arg7[%swap3A_115, %swap3A_116] {strides = array<i32>} : memref<16x256xf32, #tpu.memory_space<vmem>>, vector<1x16xf32>,
      %swap3A_118 = vector.shape_cast %swap3A_117 : vector<1x16xf32> to vector<16xf32>
      %swap3A_119 = vector.shape_cast %broadcast_in_dim3A_114 : vector<16xf32> to vector<1x16xf32>
      tpu.vector_store %arg7[%swap3A_115, %swap3A_116], %swap3A_119 {strides = array<i32>} : memref<16x256xf32, #tpu.memory_space<vmem>>, vector<1x16xf32>,
      %broadcast_in_dim3A_120 = arith.constant 0.000000e+00 : f32
      %broadcast_in_dim3A_121 = vector.broadcast %broadcast_in_dim3A_120 : f32 to vector<16xf32>
      %swap3A_122 = arith.index_cast %scan3A_58 : i32 to index
      %swap3A_123 = arith.constant 144 : index
      %swap3A_124 = tpu.vector_load %arg7[%swap3A_122, %swap3A_123] {strides = array<i32>} : memref<16x256xf32, #tpu.memory_space<vmem>>, vector<1x16xf32>,
      %swap3A_125 = vector.shape_cast %swap3A_124 : vector<1x16xf32> to vector<16xf32>
      %swap3A_126 = vector.shape_cast %broadcast_in_dim3A_121 : vector<16xf32> to vector<1x16xf32>
      tpu.vector_store %arg7[%swap3A_122, %swap3A_123], %swap3A_126 {strides = array<i32>} : memref<16x256xf32, #tpu.memory_space<vmem>>, vector<1x16xf32>,
      %broadcast_in_dim3A_127 = arith.constant 0.000000e+00 : f32
      %broadcast_in_dim3A_128 = vector.broadcast %broadcast_in_dim3A_127 : f32 to vector<16xf32>
      %swap3A_129 = arith.index_cast %scan3A_58 : i32 to index
      %swap3A_130 = arith.constant 160 : index
      %swap3A_131 = tpu.vector_load %arg7[%swap3A_129, %swap3A_130] {strides = array<i32>} : memref<16x256xf32, #tpu.memory_space<vmem>>, vector<1x16xf32>,
      %swap3A_132 = vector.shape_cast %swap3A_131 : vector<1x16xf32> to vector<16xf32>
      %swap3A_133 = vector.shape_cast %broadcast_in_dim3A_128 : vector<16xf32> to vector<1x16xf32>
      tpu.vector_store %arg7[%swap3A_129, %swap3A_130], %swap3A_133 {strides = array<i32>} : memref<16x256xf32, #tpu.memory_space<vmem>>, vector<1x16xf32>,
      %broadcast_in_dim3A_134 = arith.constant 0.000000e+00 : f32
      %broadcast_in_dim3A_135 = vector.broadcast %broadcast_in_dim3A_134 : f32 to vector<16xf32>
      %swap3A_136 = arith.index_cast %scan3A_58 : i32 to index
      %swap3A_137 = arith.constant 176 : index
      %swap3A_138 = tpu.vector_load %arg7[%swap3A_136, %swap3A_137] {strides = array<i32>} : memref<16x256xf32, #tpu.memory_space<vmem>>, vector<1x16xf32>,
      %swap3A_139 = vector.shape_cast %swap3A_138 : vector<1x16xf32> to vector<16xf32>
      %swap3A_140 = vector.shape_cast %broadcast_in_dim3A_135 : vector<16xf32> to vector<1x16xf32>
      tpu.vector_store %arg7[%swap3A_136, %swap3A_137], %swap3A_140 {strides = array<i32>} : memref<16x256xf32, #tpu.memory_space<vmem>>, vector<1x16xf32>,
      %broadcast_in_dim3A_141 = arith.constant 0.000000e+00 : f32
      %broadcast_in_dim3A_142 = vector.broadcast %broadcast_in_dim3A_141 : f32 to vector<16xf32>
      %swap3A_143 = arith.index_cast %scan3A_58 : i32 to index
      %swap3A_144 = arith.constant 192 : index
      %swap3A_145 = tpu.vector_load %arg7[%swap3A_143, %swap3A_144] {strides = array<i32>} : memref<16x256xf32, #tpu.memory_space<vmem>>, vector<1x16xf32>,
      %swap3A_146 = vector.shape_cast %swap3A_145 : vector<1x16xf32> to vector<16xf32>
      %swap3A_147 = vector.shape_cast %broadcast_in_dim3A_142 : vector<16xf32> to vector<1x16xf32>
      tpu.vector_store %arg7[%swap3A_143, %swap3A_144], %swap3A_147 {strides = array<i32>} : memref<16x256xf32, #tpu.memory_space<vmem>>, vector<1x16xf32>,
      %broadcast_in_dim3A_148 = arith.constant 0.000000e+00 : f32
      %broadcast_in_dim3A_149 = vector.broadcast %broadcast_in_dim3A_148 : f32 to vector<16xf32>
      %swap3A_150 = arith.index_cast %scan3A_58 : i32 to index
      %swap3A_151 = arith.constant 208 : index
      %swap3A_152 = tpu.vector_load %arg7[%swap3A_150, %swap3A_151] {strides = array<i32>} : memref<16x256xf32, #tpu.memory_space<vmem>>, vector<1x16xf32>,
      %swap3A_153 = vector.shape_cast %swap3A_152 : vector<1x16xf32> to vector<16xf32>
      %swap3A_154 = vector.shape_cast %broadcast_in_dim3A_149 : vector<16xf32> to vector<1x16xf32>
      tpu.vector_store %arg7[%swap3A_150, %swap3A_151], %swap3A_154 {strides = array<i32>} : memref<16x256xf32, #tpu.memory_space<vmem>>, vector<1x16xf32>,
      %broadcast_in_dim3A_155 = arith.constant 0.000000e+00 : f32
      %broadcast_in_dim3A_156 = vector.broadcast %broadcast_in_dim3A_155 : f32 to vector<16xf32>
      %swap3A_157 = arith.index_cast %scan3A_58 : i32 to index
      %swap3A_158 = arith.constant 224 : index
      %swap3A_159 = tpu.vector_load %arg7[%swap3A_157, %swap3A_158] {strides = array<i32>} : memref<16x256xf32, #tpu.memory_space<vmem>>, vector<1x16xf32>,
      %swap3A_160 = vector.shape_cast %swap3A_159 : vector<1x16xf32> to vector<16xf32>
      %swap3A_161 = vector.shape_cast %broadcast_in_dim3A_156 : vector<16xf32> to vector<1x16xf32>
      tpu.vector_store %arg7[%swap3A_157, %swap3A_158], %swap3A_161 {strides = array<i32>} : memref<16x256xf32, #tpu.memory_space<vmem>>, vector<1x16xf32>,
      %broadcast_in_dim3A_162 = arith.constant 0.000000e+00 : f32
      %broadcast_in_dim3A_163 = vector.broadcast %broadcast_in_dim3A_162 : f32 to vector<16xf32>
      %swap3A_164 = arith.index_cast %scan3A_58 : i32 to index
      %swap3A_165 = arith.constant 240 : index
      %swap3A_166 = tpu.vector_load %arg7[%swap3A_164, %swap3A_165] {strides = array<i32>} : memref<16x256xf32, #tpu.memory_space<vmem>>, vector<1x16xf32>,
      %swap3A_167 = vector.shape_cast %swap3A_166 : vector<1x16xf32> to vector<16xf32>
      %swap3A_168 = vector.shape_cast %broadcast_in_dim3A_163 : vector<16xf32> to vector<1x16xf32>
      tpu.vector_store %arg7[%swap3A_164, %swap3A_165], %swap3A_168 {strides = array<i32>} : memref<16x256xf32, #tpu.memory_space<vmem>>, vector<1x16xf32>,
    }
    %scan3A_19 = arith.constant 16 : i32
    %get3A = arith.constant 1 : index
    %get3A_20 = tpu.vector_load %arg6[%get3A] {strides = array<i32>} : memref<24xi32, #tpu.memory_space<vmem>>, vector<16xi32>,
    %get3A_21 = vector.shape_cast %get3A_20 : vector<16xi32> to vector<16xi32>
    %slice3A = vector.extract_strided_slice %get3A_21 {offsets = [0], sizes = [1], strides = [1]} : vector<16xi32> to vector<1xi32>
    %squeeze3A = vector.extract %slice3A[0] : i32 from vector<1xi32>
    %slice3A_22 = vector.extract_strided_slice %get3A_21 {offsets = [1], sizes = [1], strides = [1]} : vector<16xi32> to vector<1xi32>
    %squeeze3A_23 = vector.extract %slice3A_22[0] : i32 from vector<1xi32>
    %slice3A_24 = vector.extract_strided_slice %get3A_21 {offsets = [2], sizes = [1], strides = [1]} : vector<16xi32> to vector<1xi32>
    %squeeze3A_25 = vector.extract %slice3A_24[0] : i32 from vector<1xi32>
    %slice3A_26 = vector.extract_strided_slice %get3A_21 {offsets = [3], sizes = [1], strides = [1]} : vector<16xi32> to vector<1xi32>
    %squeeze3A_27 = vector.extract %slice3A_26[0] : i32 from vector<1xi32>
    %slice3A_28 = vector.extract_strided_slice %get3A_21 {offsets = [4], sizes = [1], strides = [1]} : vector<16xi32> to vector<1xi32>
    %squeeze3A_29 = vector.extract %slice3A_28[0] : i32 from vector<1xi32>
    %slice3A_30 = vector.extract_strided_slice %get3A_21 {offsets = [5], sizes = [1], strides = [1]} : vector<16xi32> to vector<1xi32>
    %squeeze3A_31 = vector.extract %slice3A_30[0] : i32 from vector<1xi32>
    %slice3A_32 = vector.extract_strided_slice %get3A_21 {offsets = [6], sizes = [1], strides = [1]} : vector<16xi32> to vector<1xi32>
    %squeeze3A_33 = vector.extract %slice3A_32[0] : i32 from vector<1xi32>
    %slice3A_34 = vector.extract_strided_slice %get3A_21 {offsets = [7], sizes = [1], strides = [1]} : vector<16xi32> to vector<1xi32>
    %squeeze3A_35 = vector.extract %slice3A_34[0] : i32 from vector<1xi32>
    %slice3A_36 = vector.extract_strided_slice %get3A_21 {offsets = [8], sizes = [1], strides = [1]} : vector<16xi32> to vector<1xi32>
    %squeeze3A_37 = vector.extract %slice3A_36[0] : i32 from vector<1xi32>
    %slice3A_38 = vector.extract_strided_slice %get3A_21 {offsets = [9], sizes = [1], strides = [1]} : vector<16xi32> to vector<1xi32>
    %squeeze3A_39 = vector.extract %slice3A_38[0] : i32 from vector<1xi32>
    %slice3A_40 = vector.extract_strided_slice %get3A_21 {offsets = [10], sizes = [1], strides = [1]} : vector<16xi32> to vector<1xi32>
    %squeeze3A_41 = vector.extract %slice3A_40[0] : i32 from vector<1xi32>
    %slice3A_42 = vector.extract_strided_slice %get3A_21 {offsets = [11], sizes = [1], strides = [1]} : vector<16xi32> to vector<1xi32>
    %squeeze3A_43 = vector.extract %slice3A_42[0] : i32 from vector<1xi32>
    %slice3A_44 = vector.extract_strided_slice %get3A_21 {offsets = [12], sizes = [1], strides = [1]} : vector<16xi32> to vector<1xi32>
    %squeeze3A_45 = vector.extract %slice3A_44[0] : i32 from vector<1xi32>
    %slice3A_46 = vector.extract_strided_slice %get3A_21 {offsets = [13], sizes = [1], strides = [1]} : vector<16xi32> to vector<1xi32>
    %squeeze3A_47 = vector.extract %slice3A_46[0] : i32 from vector<1xi32>
    %slice3A_48 = vector.extract_strided_slice %get3A_21 {offsets = [14], sizes = [1], strides = [1]} : vector<16xi32> to vector<1xi32>
    %squeeze3A_49 = vector.extract %slice3A_48[0] : i32 from vector<1xi32>
    %slice3A_50 = vector.extract_strided_slice %get3A_21 {offsets = [15], sizes = [1], strides = [1]} : vector<16xi32> to vector<1xi32>
    %squeeze3A_51 = vector.extract %slice3A_50[0] : i32 from vector<1xi32>
    %scan3A_52 = arith.constant 0 : i32
    %scan3A_53 = arith.constant 0 : i32
    %scan3A_54 = arith.constant 5 : i32
    %scan3A_55 = arith.addi %scan3A_53, %scan3A_54 : i32
    %scan3A_56 = arith.constant 1 : i32
    scf.for %scan3A_58 = %scan3A_53 to %scan3A_55 step %scan3A_56  : i32 {
      %add3A_59 = arith.constant 1 : i32
      %add3A_60 = arith.addi %scan3A_58, %add3A_59 : i32
      %rem3A = arith.constant 2 : i32
      %rem3A_61 = arith.remsi %add3A_60, %rem3A : i32
      %eq3A = arith.constant 0 : i32
      %eq3A_62 = arith.cmpi eq, %rem3A_61, %eq3A : i32
      %lt3A = arith.constant 5 : i32
      %lt3A_63 = arith.cmpi slt, %add3A_60, %lt3A : i32
      %and3A = arith.andi %lt3A_63, %eq3A_62 : i1
      %convert_element_type3A = arith.extui %and3A : i1 to i32
      %cond3A = arith.constant 0 : i32
      %cond3A_64 = arith.cmpi ne, %convert_element_type3A, %cond3A : i32
      scf.if %cond3A_64 {
        %mul3A_95 = arith.constant 64 : i32
        %mul3A_96 = arith.muli %add3A_60, %mul3A_95 : i32
        %add3A_97 = arith.addi %mul3A_2, %mul3A_96 : i32
        %dma_start3A_98 = arith.constant 0 : i32
        %dma_start3A_99 = arith.constant 0 : i32
        %dma_start3A_100 = arith.constant 0 : i32
        %dma_start3A_101 = tpu.memref_slice %arg5[%dma_start3A_98, %dma_start3A_99, %dma_start3A_100] : memref<2x64x256xf32, #tpu.memory_space<vmem>> -> memref<1x64x256xf32, #tpu.memory_space<vmem>>
        %dma_start3A_102 = tpu.memref_squeeze %dma_start3A_101 : memref<1x64x256xf32, #tpu.memory_space<vmem>> -> memref<64x256xf32, #tpu.memory_space<vmem>>
        %dma_start3A_103 = arith.constant 0 : i32
        %dma_start3A_104 = tpu.memref_slice %arg2[%add3A_97, %dma_start3A_103] : memref<32768x256xf32, #tpu.memory_space<hbm>> -> memref<64x256xf32, #tpu.memory_space<hbm>>
        %dma_start3A_105 = arith.constant 0 : i32
        %dma_start3A_106 = arith.constant 0 : i32
        %dma_start3A_107 = tpu.memref_slice %arg5[%dma_start3A_98, %dma_start3A_105, %dma_start3A_106] : memref<2x64x256xf32, #tpu.memory_space<vmem>> -> memref<1x64x256xf32, #tpu.memory_space<vmem>>
        %dma_start3A_108 = tpu.memref_squeeze %dma_start3A_107 : memref<1x64x256xf32, #tpu.memory_space<vmem>> -> memref<64x256xf32, #tpu.memory_space<vmem>>
        %dma_start3A_109 = arith.constant 0 : i32
        %dma_start3A_110 = tpu.memref_slice %arg2[%add3A_97, %dma_start3A_109] : memref<32768x256xf32, #tpu.memory_space<hbm>> -> memref<64x256xf32, #tpu.memory_space<hbm>>
        tpu.enqueue_dma source(%dma_start3A_110 : memref<64x256xf32, #tpu.memory_space<hbm>>) target(%dma_start3A_108 : memref<64x256xf32, #tpu.memory_space<vmem>>) target_semaphore(%arg8 : memref<!tpu.dma_semaphore, #tpu.memory_space<semaphore_mem>>)
      } else {
      }
      %lt3A_65 = arith.constant 5 : i32
      %lt3A_66 = arith.cmpi slt, %add3A_60, %lt3A_65 : i32
      %not3A = arith.constant true
      %not3A_67 = arith.xori %eq3A_62, %not3A : i1
      %and3A_68 = arith.andi %lt3A_66, %not3A_67 : i1
      %convert_element_type3A_69 = arith.extui %and3A_68 : i1 to i32
      %cond3A_70 = arith.constant 0 : i32
      %cond3A_71 = arith.cmpi ne, %convert_element_type3A_69, %cond3A_70 : i32
      scf.if %cond3A_71 {
        %mul3A_95 = arith.constant 64 : i32
        %mul3A_96 = arith.muli %add3A_60, %mul3A_95 : i32
        %add3A_97 = arith.addi %mul3A_2, %mul3A_96 : i32
        %dma_start3A_98 = arith.constant 1 : i32
        %dma_start3A_99 = arith.constant 0 : i32
        %dma_start3A_100 = arith.constant 0 : i32
        %dma_start3A_101 = tpu.memref_slice %arg5[%dma_start3A_98, %dma_start3A_99, %dma_start3A_100] : memref<2x64x256xf32, #tpu.memory_space<vmem>> -> memref<1x64x256xf32, #tpu.memory_space<vmem>>
        %dma_start3A_102 = tpu.memref_squeeze %dma_start3A_101 : memref<1x64x256xf32, #tpu.memory_space<vmem>> -> memref<64x256xf32, #tpu.memory_space<vmem>>
        %dma_start3A_103 = arith.constant 0 : i32
        %dma_start3A_104 = tpu.memref_slice %arg2[%add3A_97, %dma_start3A_103] : memref<32768x256xf32, #tpu.memory_space<hbm>> -> memref<64x256xf32, #tpu.memory_space<hbm>>
        %dma_start3A_105 = arith.constant 0 : i32
        %dma_start3A_106 = arith.constant 0 : i32
        %dma_start3A_107 = tpu.memref_slice %arg5[%dma_start3A_98, %dma_start3A_105, %dma_start3A_106] : memref<2x64x256xf32, #tpu.memory_space<vmem>> -> memref<1x64x256xf32, #tpu.memory_space<vmem>>
        %dma_start3A_108 = tpu.memref_squeeze %dma_start3A_107 : memref<1x64x256xf32, #tpu.memory_space<vmem>> -> memref<64x256xf32, #tpu.memory_space<vmem>>
        %dma_start3A_109 = arith.constant 0 : i32
        %dma_start3A_110 = tpu.memref_slice %arg2[%add3A_97, %dma_start3A_109] : memref<32768x256xf32, #tpu.memory_space<hbm>> -> memref<64x256xf32, #tpu.memory_space<hbm>>
        tpu.enqueue_dma source(%dma_start3A_110 : memref<64x256xf32, #tpu.memory_space<hbm>>) target(%dma_start3A_108 : memref<64x256xf32, #tpu.memory_space<vmem>>) target_semaphore(%arg9 : memref<!tpu.dma_semaphore, #tpu.memory_space<semaphore_mem>>)
      } else {
      }
      %rem3A_72 = arith.constant 2 : i32
      %rem3A_73 = arith.remsi %scan3A_58, %rem3A_72 : i32
      %eq3A_74 = arith.constant 0 : i32
      %eq3A_75 = arith.cmpi eq, %rem3A_73, %eq3A_74 : i32
      %convert_element_type3A_76 = arith.extui %eq3A_75 : i1 to i32
      %cond3A_77 = arith.constant 0 : i32
      %cond3A_78 = arith.cmpi ne, %convert_element_type3A_76, %cond3A_77 : i32
      scf.if %cond3A_78 {
        %dma_wait3A = arith.constant 0 : i32
        %dma_wait3A_95 = arith.constant 0 : i32
        %dma_wait3A_96 = arith.constant 0 : i32
        %dma_wait3A_97 = tpu.memref_slice %arg5[%dma_wait3A, %dma_wait3A_95, %dma_wait3A_96] : memref<2x64x256xf32, #tpu.memory_space<vmem>> -> memref<1x64x256xf32, #tpu.memory_space<vmem>>
        %dma_wait3A_98 = tpu.memref_squeeze %dma_wait3A_97 : memref<1x64x256xf32, #tpu.memory_space<vmem>> -> memref<64x256xf32, #tpu.memory_space<vmem>>
        %dma_wait3A_99 = arith.constant 0 : i32
        %dma_wait3A_100 = tpu.memref_slice %arg2[%mul3A_2, %dma_wait3A_99] : memref<32768x256xf32, #tpu.memory_space<hbm>> -> memref<64x256xf32, #tpu.memory_space<hbm>>
        %dma_wait3A_101 = arith.constant 0 : i32
        %dma_wait3A_102 = arith.constant 0 : i32
        %dma_wait3A_103 = tpu.memref_slice %arg5[%dma_wait3A, %dma_wait3A_101, %dma_wait3A_102] : memref<2x64x256xf32, #tpu.memory_space<vmem>> -> memref<1x64x256xf32, #tpu.memory_space<vmem>>
        %dma_wait3A_104 = tpu.memref_squeeze %dma_wait3A_103 : memref<1x64x256xf32, #tpu.memory_space<vmem>> -> memref<64x256xf32, #tpu.memory_space<vmem>>
        %dma_wait3A_105 = arith.constant 0 : i32
        %dma_wait3A_106 = tpu.memref_slice %arg2[%mul3A_2, %dma_wait3A_105] : memref<32768x256xf32, #tpu.memory_space<hbm>> -> memref<64x256xf32, #tpu.memory_space<hbm>>
        tpu.wait_dma2 semaphore(%arg8 : memref<!tpu.dma_semaphore, #tpu.memory_space<semaphore_mem>>) src(%dma_wait3A_106 : memref<64x256xf32, #tpu.memory_space<hbm>>) dst(%dma_wait3A_104 : memref<64x256xf32, #tpu.memory_space<vmem>>)
      } else {
      }
      %not3A_79 = arith.constant true
      %not3A_80 = arith.xori %eq3A_75, %not3A_79 : i1
      %convert_element_type3A_81 = arith.extui %not3A_80 : i1 to i32
      %cond3A_82 = arith.constant 0 : i32
      %cond3A_83 = arith.cmpi ne, %convert_element_type3A_81, %cond3A_82 : i32
      scf.if %cond3A_83 {
        %dma_wait3A = arith.constant 1 : i32
        %dma_wait3A_95 = arith.constant 0 : i32
        %dma_wait3A_96 = arith.constant 0 : i32
        %dma_wait3A_97 = tpu.memref_slice %arg5[%dma_wait3A, %dma_wait3A_95, %dma_wait3A_96] : memref<2x64x256xf32, #tpu.memory_space<vmem>> -> memref<1x64x256xf32, #tpu.memory_space<vmem>>
        %dma_wait3A_98 = tpu.memref_squeeze %dma_wait3A_97 : memref<1x64x256xf32, #tpu.memory_space<vmem>> -> memref<64x256xf32, #tpu.memory_space<vmem>>
        %dma_wait3A_99 = arith.constant 0 : i32
        %dma_wait3A_100 = tpu.memref_slice %arg2[%mul3A_2, %dma_wait3A_99] : memref<32768x256xf32, #tpu.memory_space<hbm>> -> memref<64x256xf32, #tpu.memory_space<hbm>>
        %dma_wait3A_101 = arith.constant 0 : i32
        %dma_wait3A_102 = arith.constant 0 : i32
        %dma_wait3A_103 = tpu.memref_slice %arg5[%dma_wait3A, %dma_wait3A_101, %dma_wait3A_102] : memref<2x64x256xf32, #tpu.memory_space<vmem>> -> memref<1x64x256xf32, #tpu.memory_space<vmem>>
        %dma_wait3A_104 = tpu.memref_squeeze %dma_wait3A_103 : memref<1x64x256xf32, #tpu.memory_space<vmem>> -> memref<64x256xf32, #tpu.memory_space<vmem>>
        %dma_wait3A_105 = arith.constant 0 : i32
        %dma_wait3A_106 = tpu.memref_slice %arg2[%mul3A_2, %dma_wait3A_105] : memref<32768x256xf32, #tpu.memory_space<hbm>> -> memref<64x256xf32, #tpu.memory_space<hbm>>
        tpu.wait_dma2 semaphore(%arg9 : memref<!tpu.dma_semaphore, #tpu.memory_space<semaphore_mem>>) src(%dma_wait3A_106 : memref<64x256xf32, #tpu.memory_space<hbm>>) dst(%dma_wait3A_104 : memref<64x256xf32, #tpu.memory_space<vmem>>)
      } else {
      }
      %rem3A_84 = arith.constant 2 : i32
      %rem3A_85 = arith.remsi %scan3A_58, %rem3A_84 : i32
      %mul3A_86 = arith.constant 64 : i32
      %mul3A_87 = arith.muli %scan3A_58, %mul3A_86 : i32
      %add3A_88 = arith.addi %mul3A_2, %mul3A_87 : i32
      %scan3A_89 = arith.constant 0 : i32
      %scan3A_90 = arith.constant 0 : i32
      %scan3A_91 = arith.constant 4 : i32
      %scan3A_92 = arith.addi %scan3A_90, %scan3A_91 : i32
      %scan3A_93 = arith.constant 1 : i32
      scf.for %scan3A_95 = %scan3A_90 to %scan3A_92 step %scan3A_93  : i32 {
        %mul3A_96 = arith.constant 16 : i32
        %mul3A_97 = arith.muli %scan3A_95, %mul3A_96 : i32
        %add3A_98 = arith.addi %add3A_88, %mul3A_97 : i32
        %le3A = arith.cmpi sle, %squeeze3A, %add3A_98 : i32
        %jit3A = arith.constant 1 : i32
        %jit3A_99 = arith.constant 0 : i32
        %select_n3A = arith.select %le3A, %jit3A, %jit3A_99 : i32
        %add3A_100 = arith.constant 0 : i32
        %add3A_101 = arith.addi %add3A_100, %select_n3A : i32
        %le3A_102 = arith.cmpi sle, %squeeze3A_23, %add3A_98 : i32
        %jit3A_103 = arith.constant 1 : i32
        %jit3A_104 = arith.constant 0 : i32
        %select_n3A_105 = arith.select %le3A_102, %jit3A_103, %jit3A_104 : i32
        %add3A_106 = arith.addi %add3A_101, %select_n3A_105 : i32
        %le3A_107 = arith.cmpi sle, %squeeze3A_25, %add3A_98 : i32
        %jit3A_108 = arith.constant 1 : i32
        %jit3A_109 = arith.constant 0 : i32
        %select_n3A_110 = arith.select %le3A_107, %jit3A_108, %jit3A_109 : i32
        %add3A_111 = arith.addi %add3A_106, %select_n3A_110 : i32
        %le3A_112 = arith.cmpi sle, %squeeze3A_27, %add3A_98 : i32
        %jit3A_113 = arith.constant 1 : i32
        %jit3A_114 = arith.constant 0 : i32
        %select_n3A_115 = arith.select %le3A_112, %jit3A_113, %jit3A_114 : i32
        %add3A_116 = arith.addi %add3A_111, %select_n3A_115 : i32
        %le3A_117 = arith.cmpi sle, %squeeze3A_29, %add3A_98 : i32
        %jit3A_118 = arith.constant 1 : i32
        %jit3A_119 = arith.constant 0 : i32
        %select_n3A_120 = arith.select %le3A_117, %jit3A_118, %jit3A_119 : i32
        %add3A_121 = arith.addi %add3A_116, %select_n3A_120 : i32
        %le3A_122 = arith.cmpi sle, %squeeze3A_31, %add3A_98 : i32
        %jit3A_123 = arith.constant 1 : i32
        %jit3A_124 = arith.constant 0 : i32
        %select_n3A_125 = arith.select %le3A_122, %jit3A_123, %jit3A_124 : i32
        %add3A_126 = arith.addi %add3A_121, %select_n3A_125 : i32
        %le3A_127 = arith.cmpi sle, %squeeze3A_33, %add3A_98 : i32
        %jit3A_128 = arith.constant 1 : i32
        %jit3A_129 = arith.constant 0 : i32
        %select_n3A_130 = arith.select %le3A_127, %jit3A_128, %jit3A_129 : i32
        %add3A_131 = arith.addi %add3A_126, %select_n3A_130 : i32
        %le3A_132 = arith.cmpi sle, %squeeze3A_35, %add3A_98 : i32
        %jit3A_133 = arith.constant 1 : i32
        %jit3A_134 = arith.constant 0 : i32
        %select_n3A_135 = arith.select %le3A_132, %jit3A_133, %jit3A_134 : i32
        %add3A_136 = arith.addi %add3A_131, %select_n3A_135 : i32
        %le3A_137 = arith.cmpi sle, %squeeze3A_37, %add3A_98 : i32
        %jit3A_138 = arith.constant 1 : i32
        %jit3A_139 = arith.constant 0 : i32
        %select_n3A_140 = arith.select %le3A_137, %jit3A_138, %jit3A_139 : i32
        %add3A_141 = arith.addi %add3A_136, %select_n3A_140 : i32
        %le3A_142 = arith.cmpi sle, %squeeze3A_39, %add3A_98 : i32
        %jit3A_143 = arith.constant 1 : i32
        %jit3A_144 = arith.constant 0 : i32
        %select_n3A_145 = arith.select %le3A_142, %jit3A_143, %jit3A_144 : i32
        %add3A_146 = arith.addi %add3A_141, %select_n3A_145 : i32
        %le3A_147 = arith.cmpi sle, %squeeze3A_41, %add3A_98 : i32
        %jit3A_148 = arith.constant 1 : i32
        %jit3A_149 = arith.constant 0 : i32
        %select_n3A_150 = arith.select %le3A_147, %jit3A_148, %jit3A_149 : i32
        %add3A_151 = arith.addi %add3A_146, %select_n3A_150 : i32
        %le3A_152 = arith.cmpi sle, %squeeze3A_43, %add3A_98 : i32
        %jit3A_153 = arith.constant 1 : i32
        %jit3A_154 = arith.constant 0 : i32
        %select_n3A_155 = arith.select %le3A_152, %jit3A_153, %jit3A_154 : i32
        %add3A_156 = arith.addi %add3A_151, %select_n3A_155 : i32
        %le3A_157 = arith.cmpi sle, %squeeze3A_45, %add3A_98 : i32
        %jit3A_158 = arith.constant 1 : i32
        %jit3A_159 = arith.constant 0 : i32
        %select_n3A_160 = arith.select %le3A_157, %jit3A_158, %jit3A_159 : i32
        %add3A_161 = arith.addi %add3A_156, %select_n3A_160 : i32
        %le3A_162 = arith.cmpi sle, %squeeze3A_47, %add3A_98 : i32
        %jit3A_163 = arith.constant 1 : i32
        %jit3A_164 = arith.constant 0 : i32
        %select_n3A_165 = arith.select %le3A_162, %jit3A_163, %jit3A_164 : i32
        %add3A_166 = arith.addi %add3A_161, %select_n3A_165 : i32
        %le3A_167 = arith.cmpi sle, %squeeze3A_49, %add3A_98 : i32
        %jit3A_168 = arith.constant 1 : i32
        %jit3A_169 = arith.constant 0 : i32
        %select_n3A_170 = arith.select %le3A_167, %jit3A_168, %jit3A_169 : i32
        %add3A_171 = arith.addi %add3A_166, %select_n3A_170 : i32
        %le3A_172 = arith.cmpi sle, %squeeze3A_51, %add3A_98 : i32
        %jit3A_173 = arith.constant 1 : i32
        %jit3A_174 = arith.constant 0 : i32
        %select_n3A_175 = arith.select %le3A_172, %jit3A_173, %jit3A_174 : i32
        %add3A_176 = arith.addi %add3A_171, %select_n3A_175 : i32
        %eq3A_177 = arith.constant 0 : i32
        %eq3A_178 = arith.cmpi eq, %add3A_176, %eq3A_177 : i32
        %jit3A_179 = arith.constant 0 : i32
        %select_n3A_180 = arith.select %eq3A_178, %squeeze3A, %jit3A_179 : i32
        %add3A_181 = arith.constant 0 : i32
        %add3A_182 = arith.addi %add3A_181, %select_n3A_180 : i32
        %eq3A_183 = arith.constant 1 : i32
        %eq3A_184 = arith.cmpi eq, %add3A_176, %eq3A_183 : i32
        %jit3A_185 = arith.constant 0 : i32
        %select_n3A_186 = arith.select %eq3A_184, %squeeze3A_23, %jit3A_185 : i32
        %add3A_187 = arith.addi %add3A_182, %select_n3A_186 : i32
        %eq3A_188 = arith.constant 2 : i32
        %eq3A_189 = arith.cmpi eq, %add3A_176, %eq3A_188 : i32
        %jit3A_190 = arith.constant 0 : i32
        %select_n3A_191 = arith.select %eq3A_189, %squeeze3A_25, %jit3A_190 : i32
        %add3A_192 = arith.addi %add3A_187, %select_n3A_191 : i32
        %eq3A_193 = arith.constant 3 : i32
        %eq3A_194 = arith.cmpi eq, %add3A_176, %eq3A_193 : i32
        %jit3A_195 = arith.constant 0 : i32
        %select_n3A_196 = arith.select %eq3A_194, %squeeze3A_27, %jit3A_195 : i32
        %add3A_197 = arith.addi %add3A_192, %select_n3A_196 : i32
        %eq3A_198 = arith.constant 4 : i32
        %eq3A_199 = arith.cmpi eq, %add3A_176, %eq3A_198 : i32
        %jit3A_200 = arith.constant 0 : i32
        %select_n3A_201 = arith.select %eq3A_199, %squeeze3A_29, %jit3A_200 : i32
        %add3A_202 = arith.addi %add3A_197, %select_n3A_201 : i32
        %eq3A_203 = arith.constant 5 : i32
        %eq3A_204 = arith.cmpi eq, %add3A_176, %eq3A_203 : i32
        %jit3A_205 = arith.constant 0 : i32
        %select_n3A_206 = arith.select %eq3A_204, %squeeze3A_31, %jit3A_205 : i32
        %add3A_207 = arith.addi %add3A_202, %select_n3A_206 : i32
        %eq3A_208 = arith.constant 6 : i32
        %eq3A_209 = arith.cmpi eq, %add3A_176, %eq3A_208 : i32
        %jit3A_210 = arith.constant 0 : i32
        %select_n3A_211 = arith.select %eq3A_209, %squeeze3A_33, %jit3A_210 : i32
        %add3A_212 = arith.addi %add3A_207, %select_n3A_211 : i32
        %eq3A_213 = arith.constant 7 : i32
        %eq3A_214 = arith.cmpi eq, %add3A_176, %eq3A_213 : i32
        %jit3A_215 = arith.constant 0 : i32
        %select_n3A_216 = arith.select %eq3A_214, %squeeze3A_35, %jit3A_215 : i32
        %add3A_217 = arith.addi %add3A_212, %select_n3A_216 : i32
        %eq3A_218 = arith.constant 8 : i32
        %eq3A_219 = arith.cmpi eq, %add3A_176, %eq3A_218 : i32
        %jit3A_220 = arith.constant 0 : i32
        %select_n3A_221 = arith.select %eq3A_219, %squeeze3A_37, %jit3A_220 : i32
        %add3A_222 = arith.addi %add3A_217, %select_n3A_221 : i32
        %eq3A_223 = arith.constant 9 : i32
        %eq3A_224 = arith.cmpi eq, %add3A_176, %eq3A_223 : i32
        %jit3A_225 = arith.constant 0 : i32
        %select_n3A_226 = arith.select %eq3A_224, %squeeze3A_39, %jit3A_225 : i32
        %add3A_227 = arith.addi %add3A_222, %select_n3A_226 : i32
        %eq3A_228 = arith.constant 10 : i32
        %eq3A_229 = arith.cmpi eq, %add3A_176, %eq3A_228 : i32
        %jit3A_230 = arith.constant 0 : i32
        %select_n3A_231 = arith.select %eq3A_229, %squeeze3A_41, %jit3A_230 : i32
        %add3A_232 = arith.addi %add3A_227, %select_n3A_231 : i32
        %eq3A_233 = arith.constant 11 : i32
        %eq3A_234 = arith.cmpi eq, %add3A_176, %eq3A_233 : i32
        %jit3A_235 = arith.constant 0 : i32
        %select_n3A_236 = arith.select %eq3A_234, %squeeze3A_43, %jit3A_235 : i32
        %add3A_237 = arith.addi %add3A_232, %select_n3A_236 : i32
        %eq3A_238 = arith.constant 12 : i32
        %eq3A_239 = arith.cmpi eq, %add3A_176, %eq3A_238 : i32
        %jit3A_240 = arith.constant 0 : i32
        %select_n3A_241 = arith.select %eq3A_239, %squeeze3A_45, %jit3A_240 : i32
        %add3A_242 = arith.addi %add3A_237, %select_n3A_241 : i32
        %eq3A_243 = arith.constant 13 : i32
        %eq3A_244 = arith.cmpi eq, %add3A_176, %eq3A_243 : i32
        %jit3A_245 = arith.constant 0 : i32
        %select_n3A_246 = arith.select %eq3A_244, %squeeze3A_47, %jit3A_245 : i32
        %add3A_247 = arith.addi %add3A_242, %select_n3A_246 : i32
        %eq3A_248 = arith.constant 14 : i32
        %eq3A_249 = arith.cmpi eq, %add3A_176, %eq3A_248 : i32
        %jit3A_250 = arith.constant 0 : i32
        %select_n3A_251 = arith.select %eq3A_249, %squeeze3A_49, %jit3A_250 : i32
        %add3A_252 = arith.addi %add3A_247, %select_n3A_251 : i32
        %eq3A_253 = arith.constant 15 : i32
        %eq3A_254 = arith.cmpi eq, %add3A_176, %eq3A_253 : i32
        %jit3A_255 = arith.constant 0 : i32
        %select_n3A_256 = arith.select %eq3A_254, %squeeze3A_51, %jit3A_255 : i32
        %add3A_257 = arith.addi %add3A_252, %select_n3A_256 : i32
        %add3A_258 = arith.constant 16 : i32
        %add3A_259 = arith.addi %add3A_98, %add3A_258 : i32
        %ge3A = arith.cmpi sge, %add3A_257, %add3A_259 : i32
        %convert_element_type3A_260 = arith.extui %ge3A : i1 to i32
        %cond3A_261 = arith.constant 0 : i32
        %cond3A_262 = arith.cmpi ne, %convert_element_type3A_260, %cond3A_261 : i32
        scf.if %cond3A_262 {
          %add3A_263 = arith.constant 0 : i32
          %add3A_264 = arith.addi %mul3A_97, %add3A_263 : i32
          %get3A_265 = arith.index_cast %rem3A_85 : i32 to index
          %get3A_266 = arith.index_cast %add3A_264 : i32 to index
          %get3A_267 = arith.constant 0 : index
          %get3A_268 = tpu.vector_load %arg5[%get3A_265, %get3A_266, %get3A_267] {strides = array<i32>} : memref<2x64x256xf32, #tpu.memory_space<vmem>>, vector<1x1x16xf32>,
          %get3A_269 = vector.shape_cast %get3A_268 : vector<1x1x16xf32> to vector<16xf32>
          %add3A_270 = arith.constant 1 : i32
          %add3A_271 = arith.addi %mul3A_97, %add3A_270 : i32
          %get3A_272 = arith.index_cast %rem3A_85 : i32 to index
          %get3A_273 = arith.index_cast %add3A_271 : i32 to index
          %get3A_274 = arith.constant 0 : index
          %get3A_275 = tpu.vector_load %arg5[%get3A_272, %get3A_273, %get3A_274] {strides = array<i32>} : memref<2x64x256xf32, #tpu.memory_space<vmem>>, vector<1x1x16xf32>,
          %get3A_276 = vector.shape_cast %get3A_275 : vector<1x1x16xf32> to vector<16xf32>
          %add3A_277 = arith.constant 2 : i32
          %add3A_278 = arith.addi %mul3A_97, %add3A_277 : i32
          %get3A_279 = arith.index_cast %rem3A_85 : i32 to index
          %get3A_280 = arith.index_cast %add3A_278 : i32 to index
          %get3A_281 = arith.constant 0 : index
          %get3A_282 = tpu.vector_load %arg5[%get3A_279, %get3A_280, %get3A_281] {strides = array<i32>} : memref<2x64x256xf32, #tpu.memory_space<vmem>>, vector<1x1x16xf32>,
          %get3A_283 = vector.shape_cast %get3A_282 : vector<1x1x16xf32> to vector<16xf32>
          %add3A_284 = arith.constant 3 : i32
          %add3A_285 = arith.addi %mul3A_97, %add3A_284 : i32
          %get3A_286 = arith.index_cast %rem3A_85 : i32 to index
          %get3A_287 = arith.index_cast %add3A_285 : i32 to index
          %get3A_288 = arith.constant 0 : index
          %get3A_289 = tpu.vector_load %arg5[%get3A_286, %get3A_287, %get3A_288] {strides = array<i32>} : memref<2x64x256xf32, #tpu.memory_space<vmem>>, vector<1x1x16xf32>,
          %get3A_290 = vector.shape_cast %get3A_289 : vector<1x1x16xf32> to vector<16xf32>
          %add3A_291 = arith.constant 4 : i32
          %add3A_292 = arith.addi %mul3A_97, %add3A_291 : i32
          %get3A_293 = arith.index_cast %rem3A_85 : i32 to index
          %get3A_294 = arith.index_cast %add3A_292 : i32 to index
          %get3A_295 = arith.constant 0 : index
          %get3A_296 = tpu.vector_load %arg5[%get3A_293, %get3A_294, %get3A_295] {strides = array<i32>} : memref<2x64x256xf32, #tpu.memory_space<vmem>>, vector<1x1x16xf32>,
          %get3A_297 = vector.shape_cast %get3A_296 : vector<1x1x16xf32> to vector<16xf32>
          %add3A_298 = arith.constant 5 : i32
          %add3A_299 = arith.addi %mul3A_97, %add3A_298 : i32
          %get3A_300 = arith.index_cast %rem3A_85 : i32 to index
          %get3A_301 = arith.index_cast %add3A_299 : i32 to index
          %get3A_302 = arith.constant 0 : index
          %get3A_303 = tpu.vector_load %arg5[%get3A_300, %get3A_301, %get3A_302] {strides = array<i32>} : memref<2x64x256xf32, #tpu.memory_space<vmem>>, vector<1x1x16xf32>,
          %get3A_304 = vector.shape_cast %get3A_303 : vector<1x1x16xf32> to vector<16xf32>
          %add3A_305 = arith.constant 6 : i32
          %add3A_306 = arith.addi %mul3A_97, %add3A_305 : i32
          %get3A_307 = arith.index_cast %rem3A_85 : i32 to index
          %get3A_308 = arith.index_cast %add3A_306 : i32 to index
          %get3A_309 = arith.constant 0 : index
          %get3A_310 = tpu.vector_load %arg5[%get3A_307, %get3A_308, %get3A_309] {strides = array<i32>} : memref<2x64x256xf32, #tpu.memory_space<vmem>>, vector<1x1x16xf32>,
          %get3A_311 = vector.shape_cast %get3A_310 : vector<1x1x16xf32> to vector<16xf32>
          %add3A_312 = arith.constant 7 : i32
          %add3A_313 = arith.addi %mul3A_97, %add3A_312 : i32
          %get3A_314 = arith.index_cast %rem3A_85 : i32 to index
          %get3A_315 = arith.index_cast %add3A_313 : i32 to index
          %get3A_316 = arith.constant 0 : index
          %get3A_317 = tpu.vector_load %arg5[%get3A_314, %get3A_315, %get3A_316] {strides = array<i32>} : memref<2x64x256xf32, #tpu.memory_space<vmem>>, vector<1x1x16xf32>,
          %get3A_318 = vector.shape_cast %get3A_317 : vector<1x1x16xf32> to vector<16xf32>
          %add3A_319 = arith.constant 8 : i32
          %add3A_320 = arith.addi %mul3A_97, %add3A_319 : i32
          %get3A_321 = arith.index_cast %rem3A_85 : i32 to index
          %get3A_322 = arith.index_cast %add3A_320 : i32 to index
          %get3A_323 = arith.constant 0 : index
          %get3A_324 = tpu.vector_load %arg5[%get3A_321, %get3A_322, %get3A_323] {strides = array<i32>} : memref<2x64x256xf32, #tpu.memory_space<vmem>>, vector<1x1x16xf32>,
          %get3A_325 = vector.shape_cast %get3A_324 : vector<1x1x16xf32> to vector<16xf32>
          %add3A_326 = arith.constant 9 : i32
          %add3A_327 = arith.addi %mul3A_97, %add3A_326 : i32
          %get3A_328 = arith.index_cast %rem3A_85 : i32 to index
          %get3A_329 = arith.index_cast %add3A_327 : i32 to index
          %get3A_330 = arith.constant 0 : index
          %get3A_331 = tpu.vector_load %arg5[%get3A_328, %get3A_329, %get3A_330] {strides = array<i32>} : memref<2x64x256xf32, #tpu.memory_space<vmem>>, vector<1x1x16xf32>,
          %get3A_332 = vector.shape_cast %get3A_331 : vector<1x1x16xf32> to vector<16xf32>
          %add3A_333 = arith.constant 10 : i32
          %add3A_334 = arith.addi %mul3A_97, %add3A_333 : i32
          %get3A_335 = arith.index_cast %rem3A_85 : i32 to index
          %get3A_336 = arith.index_cast %add3A_334 : i32 to index
          %get3A_337 = arith.constant 0 : index
          %get3A_338 = tpu.vector_load %arg5[%get3A_335, %get3A_336, %get3A_337] {strides = array<i32>} : memref<2x64x256xf32, #tpu.memory_space<vmem>>, vector<1x1x16xf32>,
          %get3A_339 = vector.shape_cast %get3A_338 : vector<1x1x16xf32> to vector<16xf32>
          %add3A_340 = arith.constant 11 : i32
          %add3A_341 = arith.addi %mul3A_97, %add3A_340 : i32
          %get3A_342 = arith.index_cast %rem3A_85 : i32 to index
          %get3A_343 = arith.index_cast %add3A_341 : i32 to index
          %get3A_344 = arith.constant 0 : index
          %get3A_345 = tpu.vector_load %arg5[%get3A_342, %get3A_343, %get3A_344] {strides = array<i32>} : memref<2x64x256xf32, #tpu.memory_space<vmem>>, vector<1x1x16xf32>,
          %get3A_346 = vector.shape_cast %get3A_345 : vector<1x1x16xf32> to vector<16xf32>
          %add3A_347 = arith.constant 12 : i32
          %add3A_348 = arith.addi %mul3A_97, %add3A_347 : i32
          %get3A_349 = arith.index_cast %rem3A_85 : i32 to index
          %get3A_350 = arith.index_cast %add3A_348 : i32 to index
          %get3A_351 = arith.constant 0 : index
          %get3A_352 = tpu.vector_load %arg5[%get3A_349, %get3A_350, %get3A_351] {strides = array<i32>} : memref<2x64x256xf32, #tpu.memory_space<vmem>>, vector<1x1x16xf32>,
          %get3A_353 = vector.shape_cast %get3A_352 : vector<1x1x16xf32> to vector<16xf32>
          %add3A_354 = arith.constant 13 : i32
          %add3A_355 = arith.addi %mul3A_97, %add3A_354 : i32
          %get3A_356 = arith.index_cast %rem3A_85 : i32 to index
          %get3A_357 = arith.index_cast %add3A_355 : i32 to index
          %get3A_358 = arith.constant 0 : index
          %get3A_359 = tpu.vector_load %arg5[%get3A_356, %get3A_357, %get3A_358] {strides = array<i32>} : memref<2x64x256xf32, #tpu.memory_space<vmem>>, vector<1x1x16xf32>,
          %get3A_360 = vector.shape_cast %get3A_359 : vector<1x1x16xf32> to vector<16xf32>
          %add3A_361 = arith.constant 14 : i32
          %add3A_362 = arith.addi %mul3A_97, %add3A_361 : i32
          %get3A_363 = arith.index_cast %rem3A_85 : i32 to index
          %get3A_364 = arith.index_cast %add3A_362 : i32 to index
          %get3A_365 = arith.constant 0 : index
          %get3A_366 = tpu.vector_load %arg5[%get3A_363, %get3A_364, %get3A_365] {strides = array<i32>} : memref<2x64x256xf32, #tpu.memory_space<vmem>>, vector<1x1x16xf32>,
          %get3A_367 = vector.shape_cast %get3A_366 : vector<1x1x16xf32> to vector<16xf32>
          %add3A_368 = arith.constant 15 : i32
          %add3A_369 = arith.addi %mul3A_97, %add3A_368 : i32
          %get3A_370 = arith.index_cast %rem3A_85 : i32 to index
          %get3A_371 = arith.index_cast %add3A_369 : i32 to index
          %get3A_372 = arith.constant 0 : index
          %get3A_373 = tpu.vector_load %arg5[%get3A_370, %get3A_371, %get3A_372] {strides = array<i32>} : memref<2x64x256xf32, #tpu.memory_space<vmem>>, vector<1x1x16xf32>,
          %get3A_374 = vector.shape_cast %get3A_373 : vector<1x1x16xf32> to vector<16xf32>
          %add3A_375 = arith.addf %get3A_269, %get3A_276 : vector<16xf32>
          %add3A_376 = arith.addf %get3A_283, %get3A_290 : vector<16xf32>
          %add3A_377 = arith.addf %get3A_297, %get3A_304 : vector<16xf32>
          %add3A_378 = arith.addf %get3A_311, %get3A_318 : vector<16xf32>
          %add3A_379 = arith.addf %get3A_325, %get3A_332 : vector<16xf32>
          %add3A_380 = arith.addf %get3A_339, %get3A_346 : vector<16xf32>
          %add3A_381 = arith.addf %get3A_353, %get3A_360 : vector<16xf32>
          %add3A_382 = arith.addf %get3A_367, %get3A_374 : vector<16xf32>
          %add3A_383 = arith.addf %add3A_375, %add3A_376 : vector<16xf32>
          %add3A_384 = arith.addf %add3A_377, %add3A_378 : vector<16xf32>
          %add3A_385 = arith.addf %add3A_379, %add3A_380 : vector<16xf32>
          %add3A_386 = arith.addf %add3A_381, %add3A_382 : vector<16xf32>
          %add3A_387 = arith.addf %add3A_383, %add3A_384 : vector<16xf32>
          %add3A_388 = arith.addf %add3A_385, %add3A_386 : vector<16xf32>
          %add3A_389 = arith.addf %add3A_387, %add3A_388 : vector<16xf32>
          %swap3A = arith.index_cast %add3A_176 : i32 to index
          %swap3A_390 = arith.constant 0 : index
          %swap3A_391 = tpu.vector_load %arg7[%swap3A, %swap3A_390] {strides = array<i32>} : memref<16x256xf32, #tpu.memory_space<vmem>>, vector<1x16xf32>,
          %swap3A_392 = vector.shape_cast %swap3A_391 : vector<1x16xf32> to vector<16xf32>
          %swap3A_393 = vector.shape_cast %add3A_389 : vector<16xf32> to vector<1x16xf32>
          tpu.vector_store %arg7[%swap3A, %swap3A_390], %swap3A_393 {add = true, strides = array<i32>} : memref<16x256xf32, #tpu.memory_space<vmem>>, vector<1x16xf32>,
          %add3A_394 = arith.constant 0 : i32
          %add3A_395 = arith.addi %mul3A_97, %add3A_394 : i32
          %get3A_396 = arith.index_cast %rem3A_85 : i32 to index
          %get3A_397 = arith.index_cast %add3A_395 : i32 to index
          %get3A_398 = arith.constant 16 : index
          %get3A_399 = tpu.vector_load %arg5[%get3A_396, %get3A_397, %get3A_398] {strides = array<i32>} : memref<2x64x256xf32, #tpu.memory_space<vmem>>, vector<1x1x16xf32>,
          %get3A_400 = vector.shape_cast %get3A_399 : vector<1x1x16xf32> to vector<16xf32>
          %add3A_401 = arith.constant 1 : i32
          %add3A_402 = arith.addi %mul3A_97, %add3A_401 : i32
          %get3A_403 = arith.index_cast %rem3A_85 : i32 to index
          %get3A_404 = arith.index_cast %add3A_402 : i32 to index
          %get3A_405 = arith.constant 16 : index
          %get3A_406 = tpu.vector_load %arg5[%get3A_403, %get3A_404, %get3A_405] {strides = array<i32>} : memref<2x64x256xf32, #tpu.memory_space<vmem>>, vector<1x1x16xf32>,
          %get3A_407 = vector.shape_cast %get3A_406 : vector<1x1x16xf32> to vector<16xf32>
          %add3A_408 = arith.constant 2 : i32
          %add3A_409 = arith.addi %mul3A_97, %add3A_408 : i32
          %get3A_410 = arith.index_cast %rem3A_85 : i32 to index
          %get3A_411 = arith.index_cast %add3A_409 : i32 to index
          %get3A_412 = arith.constant 16 : index
          %get3A_413 = tpu.vector_load %arg5[%get3A_410, %get3A_411, %get3A_412] {strides = array<i32>} : memref<2x64x256xf32, #tpu.memory_space<vmem>>, vector<1x1x16xf32>,
          %get3A_414 = vector.shape_cast %get3A_413 : vector<1x1x16xf32> to vector<16xf32>
          %add3A_415 = arith.constant 3 : i32
          %add3A_416 = arith.addi %mul3A_97, %add3A_415 : i32
          %get3A_417 = arith.index_cast %rem3A_85 : i32 to index
          %get3A_418 = arith.index_cast %add3A_416 : i32 to index
          %get3A_419 = arith.constant 16 : index
          %get3A_420 = tpu.vector_load %arg5[%get3A_417, %get3A_418, %get3A_419] {strides = array<i32>} : memref<2x64x256xf32, #tpu.memory_space<vmem>>, vector<1x1x16xf32>,
          %get3A_421 = vector.shape_cast %get3A_420 : vector<1x1x16xf32> to vector<16xf32>
          %add3A_422 = arith.constant 4 : i32
          %add3A_423 = arith.addi %mul3A_97, %add3A_422 : i32
          %get3A_424 = arith.index_cast %rem3A_85 : i32 to index
          %get3A_425 = arith.index_cast %add3A_423 : i32 to index
          %get3A_426 = arith.constant 16 : index
          %get3A_427 = tpu.vector_load %arg5[%get3A_424, %get3A_425, %get3A_426] {strides = array<i32>} : memref<2x64x256xf32, #tpu.memory_space<vmem>>, vector<1x1x16xf32>,
          %get3A_428 = vector.shape_cast %get3A_427 : vector<1x1x16xf32> to vector<16xf32>
          %add3A_429 = arith.constant 5 : i32
          %add3A_430 = arith.addi %mul3A_97, %add3A_429 : i32
          %get3A_431 = arith.index_cast %rem3A_85 : i32 to index
          %get3A_432 = arith.index_cast %add3A_430 : i32 to index
          %get3A_433 = arith.constant 16 : index
          %get3A_434 = tpu.vector_load %arg5[%get3A_431, %get3A_432, %get3A_433] {strides = array<i32>} : memref<2x64x256xf32, #tpu.memory_space<vmem>>, vector<1x1x16xf32>,
          %get3A_435 = vector.shape_cast %get3A_434 : vector<1x1x16xf32> to vector<16xf32>
          %add3A_436 = arith.constant 6 : i32
          %add3A_437 = arith.addi %mul3A_97, %add3A_436 : i32
          %get3A_438 = arith.index_cast %rem3A_85 : i32 to index
          %get3A_439 = arith.index_cast %add3A_437 : i32 to index
          %get3A_440 = arith.constant 16 : index
          %get3A_441 = tpu.vector_load %arg5[%get3A_438, %get3A_439, %get3A_440] {strides = array<i32>} : memref<2x64x256xf32, #tpu.memory_space<vmem>>, vector<1x1x16xf32>,
          %get3A_442 = vector.shape_cast %get3A_441 : vector<1x1x16xf32> to vector<16xf32>
          %add3A_443 = arith.constant 7 : i32
          %add3A_444 = arith.addi %mul3A_97, %add3A_443 : i32
          %get3A_445 = arith.index_cast %rem3A_85 : i32 to index
          %get3A_446 = arith.index_cast %add3A_444 : i32 to index
          %get3A_447 = arith.constant 16 : index
          %get3A_448 = tpu.vector_load %arg5[%get3A_445, %get3A_446, %get3A_447] {strides = array<i32>} : memref<2x64x256xf32, #tpu.memory_space<vmem>>, vector<1x1x16xf32>,
          %get3A_449 = vector.shape_cast %get3A_448 : vector<1x1x16xf32> to vector<16xf32>
          %add3A_450 = arith.constant 8 : i32
          %add3A_451 = arith.addi %mul3A_97, %add3A_450 : i32
          %get3A_452 = arith.index_cast %rem3A_85 : i32 to index
          %get3A_453 = arith.index_cast %add3A_451 : i32 to index
          %get3A_454 = arith.constant 16 : index
          %get3A_455 = tpu.vector_load %arg5[%get3A_452, %get3A_453, %get3A_454] {strides = array<i32>} : memref<2x64x256xf32, #tpu.memory_space<vmem>>, vector<1x1x16xf32>,
          %get3A_456 = vector.shape_cast %get3A_455 : vector<1x1x16xf32> to vector<16xf32>
          %add3A_457 = arith.constant 9 : i32
          %add3A_458 = arith.addi %mul3A_97, %add3A_457 : i32
          %get3A_459 = arith.index_cast %rem3A_85 : i32 to index
          %get3A_460 = arith.index_cast %add3A_458 : i32 to index
          %get3A_461 = arith.constant 16 : index
          %get3A_462 = tpu.vector_load %arg5[%get3A_459, %get3A_460, %get3A_461] {strides = array<i32>} : memref<2x64x256xf32, #tpu.memory_space<vmem>>, vector<1x1x16xf32>,
          %get3A_463 = vector.shape_cast %get3A_462 : vector<1x1x16xf32> to vector<16xf32>
          %add3A_464 = arith.constant 10 : i32
          %add3A_465 = arith.addi %mul3A_97, %add3A_464 : i32
          %get3A_466 = arith.index_cast %rem3A_85 : i32 to index
          %get3A_467 = arith.index_cast %add3A_465 : i32 to index
          %get3A_468 = arith.constant 16 : index
          %get3A_469 = tpu.vector_load %arg5[%get3A_466, %get3A_467, %get3A_468] {strides = array<i32>} : memref<2x64x256xf32, #tpu.memory_space<vmem>>, vector<1x1x16xf32>,
          %get3A_470 = vector.shape_cast %get3A_469 : vector<1x1x16xf32> to vector<16xf32>
          %add3A_471 = arith.constant 11 : i32
          %add3A_472 = arith.addi %mul3A_97, %add3A_471 : i32
          %get3A_473 = arith.index_cast %rem3A_85 : i32 to index
          %get3A_474 = arith.index_cast %add3A_472 : i32 to index
          %get3A_475 = arith.constant 16 : index
          %get3A_476 = tpu.vector_load %arg5[%get3A_473, %get3A_474, %get3A_475] {strides = array<i32>} : memref<2x64x256xf32, #tpu.memory_space<vmem>>, vector<1x1x16xf32>,
          %get3A_477 = vector.shape_cast %get3A_476 : vector<1x1x16xf32> to vector<16xf32>
          %add3A_478 = arith.constant 12 : i32
          %add3A_479 = arith.addi %mul3A_97, %add3A_478 : i32
          %get3A_480 = arith.index_cast %rem3A_85 : i32 to index
          %get3A_481 = arith.index_cast %add3A_479 : i32 to index
          %get3A_482 = arith.constant 16 : index
          %get3A_483 = tpu.vector_load %arg5[%get3A_480, %get3A_481, %get3A_482] {strides = array<i32>} : memref<2x64x256xf32, #tpu.memory_space<vmem>>, vector<1x1x16xf32>,
          %get3A_484 = vector.shape_cast %get3A_483 : vector<1x1x16xf32> to vector<16xf32>
          %add3A_485 = arith.constant 13 : i32
          %add3A_486 = arith.addi %mul3A_97, %add3A_485 : i32
          %get3A_487 = arith.index_cast %rem3A_85 : i32 to index
          %get3A_488 = arith.index_cast %add3A_486 : i32 to index
          %get3A_489 = arith.constant 16 : index
          %get3A_490 = tpu.vector_load %arg5[%get3A_487, %get3A_488, %get3A_489] {strides = array<i32>} : memref<2x64x256xf32, #tpu.memory_space<vmem>>, vector<1x1x16xf32>,
          %get3A_491 = vector.shape_cast %get3A_490 : vector<1x1x16xf32> to vector<16xf32>
          %add3A_492 = arith.constant 14 : i32
          %add3A_493 = arith.addi %mul3A_97, %add3A_492 : i32
          %get3A_494 = arith.index_cast %rem3A_85 : i32 to index
          %get3A_495 = arith.index_cast %add3A_493 : i32 to index
          %get3A_496 = arith.constant 16 : index
          %get3A_497 = tpu.vector_load %arg5[%get3A_494, %get3A_495, %get3A_496] {strides = array<i32>} : memref<2x64x256xf32, #tpu.memory_space<vmem>>, vector<1x1x16xf32>,
          %get3A_498 = vector.shape_cast %get3A_497 : vector<1x1x16xf32> to vector<16xf32>
          %add3A_499 = arith.constant 15 : i32
          %add3A_500 = arith.addi %mul3A_97, %add3A_499 : i32
          %get3A_501 = arith.index_cast %rem3A_85 : i32 to index
          %get3A_502 = arith.index_cast %add3A_500 : i32 to index
          %get3A_503 = arith.constant 16 : index
          %get3A_504 = tpu.vector_load %arg5[%get3A_501, %get3A_502, %get3A_503] {strides = array<i32>} : memref<2x64x256xf32, #tpu.memory_space<vmem>>, vector<1x1x16xf32>,
          %get3A_505 = vector.shape_cast %get3A_504 : vector<1x1x16xf32> to vector<16xf32>
          %add3A_506 = arith.addf %get3A_400, %get3A_407 : vector<16xf32>
          %add3A_507 = arith.addf %get3A_414, %get3A_421 : vector<16xf32>
          %add3A_508 = arith.addf %get3A_428, %get3A_435 : vector<16xf32>
          %add3A_509 = arith.addf %get3A_442, %get3A_449 : vector<16xf32>
          %add3A_510 = arith.addf %get3A_456, %get3A_463 : vector<16xf32>
          %add3A_511 = arith.addf %get3A_470, %get3A_477 : vector<16xf32>
          %add3A_512 = arith.addf %get3A_484, %get3A_491 : vector<16xf32>
          %add3A_513 = arith.addf %get3A_498, %get3A_505 : vector<16xf32>
          %add3A_514 = arith.addf %add3A_506, %add3A_507 : vector<16xf32>
          %add3A_515 = arith.addf %add3A_508, %add3A_509 : vector<16xf32>
          %add3A_516 = arith.addf %add3A_510, %add3A_511 : vector<16xf32>
          %add3A_517 = arith.addf %add3A_512, %add3A_513 : vector<16xf32>
          %add3A_518 = arith.addf %add3A_514, %add3A_515 : vector<16xf32>
          %add3A_519 = arith.addf %add3A_516, %add3A_517 : vector<16xf32>
          %add3A_520 = arith.addf %add3A_518, %add3A_519 : vector<16xf32>
          %swap3A_521 = arith.index_cast %add3A_176 : i32 to index
          %swap3A_522 = arith.constant 16 : index
          %swap3A_523 = tpu.vector_load %arg7[%swap3A_521, %swap3A_522] {strides = array<i32>} : memref<16x256xf32, #tpu.memory_space<vmem>>, vector<1x16xf32>,
          %swap3A_524 = vector.shape_cast %swap3A_523 : vector<1x16xf32> to vector<16xf32>
          %swap3A_525 = vector.shape_cast %add3A_520 : vector<16xf32> to vector<1x16xf32>
          tpu.vector_store %arg7[%swap3A_521, %swap3A_522], %swap3A_525 {add = true, strides = array<i32>} : memref<16x256xf32, #tpu.memory_space<vmem>>, vector<1x16xf32>,
          %add3A_526 = arith.constant 0 : i32
          %add3A_527 = arith.addi %mul3A_97, %add3A_526 : i32
          %get3A_528 = arith.index_cast %rem3A_85 : i32 to index
          %get3A_529 = arith.index_cast %add3A_527 : i32 to index
          %get3A_530 = arith.constant 32 : index
          %get3A_531 = tpu.vector_load %arg5[%get3A_528, %get3A_529, %get3A_530] {strides = array<i32>} : memref<2x64x256xf32, #tpu.memory_space<vmem>>, vector<1x1x16xf32>,
          %get3A_532 = vector.shape_cast %get3A_531 : vector<1x1x16xf32> to vector<16xf32>
          %add3A_533 = arith.constant 1 : i32
          %add3A_534 = arith.addi %mul3A_97, %add3A_533 : i32
          %get3A_535 = arith.index_cast %rem3A_85 : i32 to index
          %get3A_536 = arith.index_cast %add3A_534 : i32 to index
          %get3A_537 = arith.constant 32 : index
          %get3A_538 = tpu.vector_load %arg5[%get3A_535, %get3A_536, %get3A_537] {strides = array<i32>} : memref<2x64x256xf32, #tpu.memory_space<vmem>>, vector<1x1x16xf32>,
          %get3A_539 = vector.shape_cast %get3A_538 : vector<1x1x16xf32> to vector<16xf32>
          %add3A_540 = arith.constant 2 : i32
          %add3A_541 = arith.addi %mul3A_97, %add3A_540 : i32
          %get3A_542 = arith.index_cast %rem3A_85 : i32 to index
          %get3A_543 = arith.index_cast %add3A_541 : i32 to index
          %get3A_544 = arith.constant 32 : index
          %get3A_545 = tpu.vector_load %arg5[%get3A_542, %get3A_543, %get3A_544] {strides = array<i32>} : memref<2x64x256xf32, #tpu.memory_space<vmem>>, vector<1x1x16xf32>,
          %get3A_546 = vector.shape_cast %get3A_545 : vector<1x1x16xf32> to vector<16xf32>
          %add3A_547 = arith.constant 3 : i32
          %add3A_548 = arith.addi %mul3A_97, %add3A_547 : i32
          %get3A_549 = arith.index_cast %rem3A_85 : i32 to index
          %get3A_550 = arith.index_cast %add3A_548 : i32 to index
          %get3A_551 = arith.constant 32 : index
          %get3A_552 = tpu.vector_load %arg5[%get3A_549, %get3A_550, %get3A_551] {strides = array<i32>} : memref<2x64x256xf32, #tpu.memory_space<vmem>>, vector<1x1x16xf32>,
          %get3A_553 = vector.shape_cast %get3A_552 : vector<1x1x16xf32> to vector<16xf32>
          %add3A_554 = arith.constant 4 : i32
          %add3A_555 = arith.addi %mul3A_97, %add3A_554 : i32
          %get3A_556 = arith.index_cast %rem3A_85 : i32 to index
          %get3A_557 = arith.index_cast %add3A_555 : i32 to index
          %get3A_558 = arith.constant 32 : index
          %get3A_559 = tpu.vector_load %arg5[%get3A_556, %get3A_557, %get3A_558] {strides = array<i32>} : memref<2x64x256xf32, #tpu.memory_space<vmem>>, vector<1x1x16xf32>,
          %get3A_560 = vector.shape_cast %get3A_559 : vector<1x1x16xf32> to vector<16xf32>
          %add3A_561 = arith.constant 5 : i32
          %add3A_562 = arith.addi %mul3A_97, %add3A_561 : i32
          %get3A_563 = arith.index_cast %rem3A_85 : i32 to index
          %get3A_564 = arith.index_cast %add3A_562 : i32 to index
          %get3A_565 = arith.constant 32 : index
          %get3A_566 = tpu.vector_load %arg5[%get3A_563, %get3A_564, %get3A_565] {strides = array<i32>} : memref<2x64x256xf32, #tpu.memory_space<vmem>>, vector<1x1x16xf32>,
          %get3A_567 = vector.shape_cast %get3A_566 : vector<1x1x16xf32> to vector<16xf32>
          %add3A_568 = arith.constant 6 : i32
          %add3A_569 = arith.addi %mul3A_97, %add3A_568 : i32
          %get3A_570 = arith.index_cast %rem3A_85 : i32 to index
          %get3A_571 = arith.index_cast %add3A_569 : i32 to index
          %get3A_572 = arith.constant 32 : index
          %get3A_573 = tpu.vector_load %arg5[%get3A_570, %get3A_571, %get3A_572] {strides = array<i32>} : memref<2x64x256xf32, #tpu.memory_space<vmem>>, vector<1x1x16xf32>,
          %get3A_574 = vector.shape_cast %get3A_573 : vector<1x1x16xf32> to vector<16xf32>
          %add3A_575 = arith.constant 7 : i32
          %add3A_576 = arith.addi %mul3A_97, %add3A_575 : i32
          %get3A_577 = arith.index_cast %rem3A_85 : i32 to index
          %get3A_578 = arith.index_cast %add3A_576 : i32 to index
          %get3A_579 = arith.constant 32 : index
          %get3A_580 = tpu.vector_load %arg5[%get3A_577, %get3A_578, %get3A_579] {strides = array<i32>} : memref<2x64x256xf32, #tpu.memory_space<vmem>>, vector<1x1x16xf32>,
          %get3A_581 = vector.shape_cast %get3A_580 : vector<1x1x16xf32> to vector<16xf32>
          %add3A_582 = arith.constant 8 : i32
          %add3A_583 = arith.addi %mul3A_97, %add3A_582 : i32
          %get3A_584 = arith.index_cast %rem3A_85 : i32 to index
          %get3A_585 = arith.index_cast %add3A_583 : i32 to index
          %get3A_586 = arith.constant 32 : index
          %get3A_587 = tpu.vector_load %arg5[%get3A_584, %get3A_585, %get3A_586] {strides = array<i32>} : memref<2x64x256xf32, #tpu.memory_space<vmem>>, vector<1x1x16xf32>,
          %get3A_588 = vector.shape_cast %get3A_587 : vector<1x1x16xf32> to vector<16xf32>
          %add3A_589 = arith.constant 9 : i32
          %add3A_590 = arith.addi %mul3A_97, %add3A_589 : i32
          %get3A_591 = arith.index_cast %rem3A_85 : i32 to index
          %get3A_592 = arith.index_cast %add3A_590 : i32 to index
          %get3A_593 = arith.constant 32 : index
          %get3A_594 = tpu.vector_load %arg5[%get3A_591, %get3A_592, %get3A_593] {strides = array<i32>} : memref<2x64x256xf32, #tpu.memory_space<vmem>>, vector<1x1x16xf32>,
          %get3A_595 = vector.shape_cast %get3A_594 : vector<1x1x16xf32> to vector<16xf32>
          %add3A_596 = arith.constant 10 : i32
          %add3A_597 = arith.addi %mul3A_97, %add3A_596 : i32
          %get3A_598 = arith.index_cast %rem3A_85 : i32 to index
          %get3A_599 = arith.index_cast %add3A_597 : i32 to index
          %get3A_600 = arith.constant 32 : index
          %get3A_601 = tpu.vector_load %arg5[%get3A_598, %get3A_599, %get3A_600] {strides = array<i32>} : memref<2x64x256xf32, #tpu.memory_space<vmem>>, vector<1x1x16xf32>,
          %get3A_602 = vector.shape_cast %get3A_601 : vector<1x1x16xf32> to vector<16xf32>
          %add3A_603 = arith.constant 11 : i32
          %add3A_604 = arith.addi %mul3A_97, %add3A_603 : i32
          %get3A_605 = arith.index_cast %rem3A_85 : i32 to index
          %get3A_606 = arith.index_cast %add3A_604 : i32 to index
          %get3A_607 = arith.constant 32 : index
          %get3A_608 = tpu.vector_load %arg5[%get3A_605, %get3A_606, %get3A_607] {strides = array<i32>} : memref<2x64x256xf32, #tpu.memory_space<vmem>>, vector<1x1x16xf32>,
          %get3A_609 = vector.shape_cast %get3A_608 : vector<1x1x16xf32> to vector<16xf32>
          %add3A_610 = arith.constant 12 : i32
          %add3A_611 = arith.addi %mul3A_97, %add3A_610 : i32
          %get3A_612 = arith.index_cast %rem3A_85 : i32 to index
          %get3A_613 = arith.index_cast %add3A_611 : i32 to index
          %get3A_614 = arith.constant 32 : index
          %get3A_615 = tpu.vector_load %arg5[%get3A_612, %get3A_613, %get3A_614] {strides = array<i32>} : memref<2x64x256xf32, #tpu.memory_space<vmem>>, vector<1x1x16xf32>,
          %get3A_616 = vector.shape_cast %get3A_615 : vector<1x1x16xf32> to vector<16xf32>
          %add3A_617 = arith.constant 13 : i32
          %add3A_618 = arith.addi %mul3A_97, %add3A_617 : i32
          %get3A_619 = arith.index_cast %rem3A_85 : i32 to index
          %get3A_620 = arith.index_cast %add3A_618 : i32 to index
          %get3A_621 = arith.constant 32 : index
          %get3A_622 = tpu.vector_load %arg5[%get3A_619, %get3A_620, %get3A_621] {strides = array<i32>} : memref<2x64x256xf32, #tpu.memory_space<vmem>>, vector<1x1x16xf32>,
          %get3A_623 = vector.shape_cast %get3A_622 : vector<1x1x16xf32> to vector<16xf32>
          %add3A_624 = arith.constant 14 : i32
          %add3A_625 = arith.addi %mul3A_97, %add3A_624 : i32
          %get3A_626 = arith.index_cast %rem3A_85 : i32 to index
          %get3A_627 = arith.index_cast %add3A_625 : i32 to index
          %get3A_628 = arith.constant 32 : index
          %get3A_629 = tpu.vector_load %arg5[%get3A_626, %get3A_627, %get3A_628] {strides = array<i32>} : memref<2x64x256xf32, #tpu.memory_space<vmem>>, vector<1x1x16xf32>,
          %get3A_630 = vector.shape_cast %get3A_629 : vector<1x1x16xf32> to vector<16xf32>
          %add3A_631 = arith.constant 15 : i32
          %add3A_632 = arith.addi %mul3A_97, %add3A_631 : i32
          %get3A_633 = arith.index_cast %rem3A_85 : i32 to index
          %get3A_634 = arith.index_cast %add3A_632 : i32 to index
          %get3A_635 = arith.constant 32 : index
          %get3A_636 = tpu.vector_load %arg5[%get3A_633, %get3A_634, %get3A_635] {strides = array<i32>} : memref<2x64x256xf32, #tpu.memory_space<vmem>>, vector<1x1x16xf32>,
          %get3A_637 = vector.shape_cast %get3A_636 : vector<1x1x16xf32> to vector<16xf32>
          %add3A_638 = arith.addf %get3A_532, %get3A_539 : vector<16xf32>
          %add3A_639 = arith.addf %get3A_546, %get3A_553 : vector<16xf32>
          %add3A_640 = arith.addf %get3A_560, %get3A_567 : vector<16xf32>
          %add3A_641 = arith.addf %get3A_574, %get3A_581 : vector<16xf32>
          %add3A_642 = arith.addf %get3A_588, %get3A_595 : vector<16xf32>
          %add3A_643 = arith.addf %get3A_602, %get3A_609 : vector<16xf32>
          %add3A_644 = arith.addf %get3A_616, %get3A_623 : vector<16xf32>
          %add3A_645 = arith.addf %get3A_630, %get3A_637 : vector<16xf32>
          %add3A_646 = arith.addf %add3A_638, %add3A_639 : vector<16xf32>
          %add3A_647 = arith.addf %add3A_640, %add3A_641 : vector<16xf32>
          %add3A_648 = arith.addf %add3A_642, %add3A_643 : vector<16xf32>
          %add3A_649 = arith.addf %add3A_644, %add3A_645 : vector<16xf32>
          %add3A_650 = arith.addf %add3A_646, %add3A_647 : vector<16xf32>
          %add3A_651 = arith.addf %add3A_648, %add3A_649 : vector<16xf32>
          %add3A_652 = arith.addf %add3A_650, %add3A_651 : vector<16xf32>
          %swap3A_653 = arith.index_cast %add3A_176 : i32 to index
          %swap3A_654 = arith.constant 32 : index
          %swap3A_655 = tpu.vector_load %arg7[%swap3A_653, %swap3A_654] {strides = array<i32>} : memref<16x256xf32, #tpu.memory_space<vmem>>, vector<1x16xf32>,
          %swap3A_656 = vector.shape_cast %swap3A_655 : vector<1x16xf32> to vector<16xf32>
          %swap3A_657 = vector.shape_cast %add3A_652 : vector<16xf32> to vector<1x16xf32>
          tpu.vector_store %arg7[%swap3A_653, %swap3A_654], %swap3A_657 {add = true, strides = array<i32>} : memref<16x256xf32, #tpu.memory_space<vmem>>, vector<1x16xf32>,
          %add3A_658 = arith.constant 0 : i32
          %add3A_659 = arith.addi %mul3A_97, %add3A_658 : i32
          %get3A_660 = arith.index_cast %rem3A_85 : i32 to index
          %get3A_661 = arith.index_cast %add3A_659 : i32 to index
          %get3A_662 = arith.constant 48 : index
          %get3A_663 = tpu.vector_load %arg5[%get3A_660, %get3A_661, %get3A_662] {strides = array<i32>} : memref<2x64x256xf32, #tpu.memory_space<vmem>>, vector<1x1x16xf32>,
          %get3A_664 = vector.shape_cast %get3A_663 : vector<1x1x16xf32> to vector<16xf32>
          %add3A_665 = arith.constant 1 : i32
          %add3A_666 = arith.addi %mul3A_97, %add3A_665 : i32
          %get3A_667 = arith.index_cast %rem3A_85 : i32 to index
          %get3A_668 = arith.index_cast %add3A_666 : i32 to index
          %get3A_669 = arith.constant 48 : index
          %get3A_670 = tpu.vector_load %arg5[%get3A_667, %get3A_668, %get3A_669] {strides = array<i32>} : memref<2x64x256xf32, #tpu.memory_space<vmem>>, vector<1x1x16xf32>,
          %get3A_671 = vector.shape_cast %get3A_670 : vector<1x1x16xf32> to vector<16xf32>
          %add3A_672 = arith.constant 2 : i32
          %add3A_673 = arith.addi %mul3A_97, %add3A_672 : i32
          %get3A_674 = arith.index_cast %rem3A_85 : i32 to index
          %get3A_675 = arith.index_cast %add3A_673 : i32 to index
          %get3A_676 = arith.constant 48 : index
          %get3A_677 = tpu.vector_load %arg5[%get3A_674, %get3A_675, %get3A_676] {strides = array<i32>} : memref<2x64x256xf32, #tpu.memory_space<vmem>>, vector<1x1x16xf32>,
          %get3A_678 = vector.shape_cast %get3A_677 : vector<1x1x16xf32> to vector<16xf32>
          %add3A_679 = arith.constant 3 : i32
          %add3A_680 = arith.addi %mul3A_97, %add3A_679 : i32
          %get3A_681 = arith.index_cast %rem3A_85 : i32 to index
          %get3A_682 = arith.index_cast %add3A_680 : i32 to index
          %get3A_683 = arith.constant 48 : index
          %get3A_684 = tpu.vector_load %arg5[%get3A_681, %get3A_682, %get3A_683] {strides = array<i32>} : memref<2x64x256xf32, #tpu.memory_space<vmem>>, vector<1x1x16xf32>,
          %get3A_685 = vector.shape_cast %get3A_684 : vector<1x1x16xf32> to vector<16xf32>
          %add3A_686 = arith.constant 4 : i32
          %add3A_687 = arith.addi %mul3A_97, %add3A_686 : i32
          %get3A_688 = arith.index_cast %rem3A_85 : i32 to index
          %get3A_689 = arith.index_cast %add3A_687 : i32 to index
          %get3A_690 = arith.constant 48 : index
          %get3A_691 = tpu.vector_load %arg5[%get3A_688, %get3A_689, %get3A_690] {strides = array<i32>} : memref<2x64x256xf32, #tpu.memory_space<vmem>>, vector<1x1x16xf32>,
          %get3A_692 = vector.shape_cast %get3A_691 : vector<1x1x16xf32> to vector<16xf32>
          %add3A_693 = arith.constant 5 : i32
          %add3A_694 = arith.addi %mul3A_97, %add3A_693 : i32
          %get3A_695 = arith.index_cast %rem3A_85 : i32 to index
          %get3A_696 = arith.index_cast %add3A_694 : i32 to index
          %get3A_697 = arith.constant 48 : index
          %get3A_698 = tpu.vector_load %arg5[%get3A_695, %get3A_696, %get3A_697] {strides = array<i32>} : memref<2x64x256xf32, #tpu.memory_space<vmem>>, vector<1x1x16xf32>,
          %get3A_699 = vector.shape_cast %get3A_698 : vector<1x1x16xf32> to vector<16xf32>
          %add3A_700 = arith.constant 6 : i32
          %add3A_701 = arith.addi %mul3A_97, %add3A_700 : i32
          %get3A_702 = arith.index_cast %rem3A_85 : i32 to index
          %get3A_703 = arith.index_cast %add3A_701 : i32 to index
          %get3A_704 = arith.constant 48 : index
          %get3A_705 = tpu.vector_load %arg5[%get3A_702, %get3A_703, %get3A_704] {strides = array<i32>} : memref<2x64x256xf32, #tpu.memory_space<vmem>>, vector<1x1x16xf32>,
          %get3A_706 = vector.shape_cast %get3A_705 : vector<1x1x16xf32> to vector<16xf32>
          %add3A_707 = arith.constant 7 : i32
          %add3A_708 = arith.addi %mul3A_97, %add3A_707 : i32
          %get3A_709 = arith.index_cast %rem3A_85 : i32 to index
          %get3A_710 = arith.index_cast %add3A_708 : i32 to index
          %get3A_711 = arith.constant 48 : index
          %get3A_712 = tpu.vector_load %arg5[%get3A_709, %get3A_710, %get3A_711] {strides = array<i32>} : memref<2x64x256xf32, #tpu.memory_space<vmem>>, vector<1x1x16xf32>,
          %get3A_713 = vector.shape_cast %get3A_712 : vector<1x1x16xf32> to vector<16xf32>
          %add3A_714 = arith.constant 8 : i32
          %add3A_715 = arith.addi %mul3A_97, %add3A_714 : i32
          %get3A_716 = arith.index_cast %rem3A_85 : i32 to index
          %get3A_717 = arith.index_cast %add3A_715 : i32 to index
          %get3A_718 = arith.constant 48 : index
          %get3A_719 = tpu.vector_load %arg5[%get3A_716, %get3A_717, %get3A_718] {strides = array<i32>} : memref<2x64x256xf32, #tpu.memory_space<vmem>>, vector<1x1x16xf32>,
          %get3A_720 = vector.shape_cast %get3A_719 : vector<1x1x16xf32> to vector<16xf32>
          %add3A_721 = arith.constant 9 : i32
          %add3A_722 = arith.addi %mul3A_97, %add3A_721 : i32
          %get3A_723 = arith.index_cast %rem3A_85 : i32 to index
          %get3A_724 = arith.index_cast %add3A_722 : i32 to index
          %get3A_725 = arith.constant 48 : index
          %get3A_726 = tpu.vector_load %arg5[%get3A_723, %get3A_724, %get3A_725] {strides = array<i32>} : memref<2x64x256xf32, #tpu.memory_space<vmem>>, vector<1x1x16xf32>,
          %get3A_727 = vector.shape_cast %get3A_726 : vector<1x1x16xf32> to vector<16xf32>
          %add3A_728 = arith.constant 10 : i32
          %add3A_729 = arith.addi %mul3A_97, %add3A_728 : i32
          %get3A_730 = arith.index_cast %rem3A_85 : i32 to index
          %get3A_731 = arith.index_cast %add3A_729 : i32 to index
          %get3A_732 = arith.constant 48 : index
          %get3A_733 = tpu.vector_load %arg5[%get3A_730, %get3A_731, %get3A_732] {strides = array<i32>} : memref<2x64x256xf32, #tpu.memory_space<vmem>>, vector<1x1x16xf32>,
          %get3A_734 = vector.shape_cast %get3A_733 : vector<1x1x16xf32> to vector<16xf32>
          %add3A_735 = arith.constant 11 : i32
          %add3A_736 = arith.addi %mul3A_97, %add3A_735 : i32
          %get3A_737 = arith.index_cast %rem3A_85 : i32 to index
          %get3A_738 = arith.index_cast %add3A_736 : i32 to index
          %get3A_739 = arith.constant 48 : index
          %get3A_740 = tpu.vector_load %arg5[%get3A_737, %get3A_738, %get3A_739] {strides = array<i32>} : memref<2x64x256xf32, #tpu.memory_space<vmem>>, vector<1x1x16xf32>,
          %get3A_741 = vector.shape_cast %get3A_740 : vector<1x1x16xf32> to vector<16xf32>
          %add3A_742 = arith.constant 12 : i32
          %add3A_743 = arith.addi %mul3A_97, %add3A_742 : i32
          %get3A_744 = arith.index_cast %rem3A_85 : i32 to index
          %get3A_745 = arith.index_cast %add3A_743 : i32 to index
          %get3A_746 = arith.constant 48 : index
          %get3A_747 = tpu.vector_load %arg5[%get3A_744, %get3A_745, %get3A_746] {strides = array<i32>} : memref<2x64x256xf32, #tpu.memory_space<vmem>>, vector<1x1x16xf32>,
          %get3A_748 = vector.shape_cast %get3A_747 : vector<1x1x16xf32> to vector<16xf32>
          %add3A_749 = arith.constant 13 : i32
          %add3A_750 = arith.addi %mul3A_97, %add3A_749 : i32
          %get3A_751 = arith.index_cast %rem3A_85 : i32 to index
          %get3A_752 = arith.index_cast %add3A_750 : i32 to index
          %get3A_753 = arith.constant 48 : index
          %get3A_754 = tpu.vector_load %arg5[%get3A_751, %get3A_752, %get3A_753] {strides = array<i32>} : memref<2x64x256xf32, #tpu.memory_space<vmem>>, vector<1x1x16xf32>,
          %get3A_755 = vector.shape_cast %get3A_754 : vector<1x1x16xf32> to vector<16xf32>
          %add3A_756 = arith.constant 14 : i32
          %add3A_757 = arith.addi %mul3A_97, %add3A_756 : i32
          %get3A_758 = arith.index_cast %rem3A_85 : i32 to index
          %get3A_759 = arith.index_cast %add3A_757 : i32 to index
          %get3A_760 = arith.constant 48 : index
          %get3A_761 = tpu.vector_load %arg5[%get3A_758, %get3A_759, %get3A_760] {strides = array<i32>} : memref<2x64x256xf32, #tpu.memory_space<vmem>>, vector<1x1x16xf32>,
          %get3A_762 = vector.shape_cast %get3A_761 : vector<1x1x16xf32> to vector<16xf32>
          %add3A_763 = arith.constant 15 : i32
          %add3A_764 = arith.addi %mul3A_97, %add3A_763 : i32
          %get3A_765 = arith.index_cast %rem3A_85 : i32 to index
          %get3A_766 = arith.index_cast %add3A_764 : i32 to index
          %get3A_767 = arith.constant 48 : index
          %get3A_768 = tpu.vector_load %arg5[%get3A_765, %get3A_766, %get3A_767] {strides = array<i32>} : memref<2x64x256xf32, #tpu.memory_space<vmem>>, vector<1x1x16xf32>,
          %get3A_769 = vector.shape_cast %get3A_768 : vector<1x1x16xf32> to vector<16xf32>
          %add3A_770 = arith.addf %get3A_664, %get3A_671 : vector<16xf32>
          %add3A_771 = arith.addf %get3A_678, %get3A_685 : vector<16xf32>
          %add3A_772 = arith.addf %get3A_692, %get3A_699 : vector<16xf32>
          %add3A_773 = arith.addf %get3A_706, %get3A_713 : vector<16xf32>
          %add3A_774 = arith.addf %get3A_720, %get3A_727 : vector<16xf32>
          %add3A_775 = arith.addf %get3A_734, %get3A_741 : vector<16xf32>
          %add3A_776 = arith.addf %get3A_748, %get3A_755 : vector<16xf32>
          %add3A_777 = arith.addf %get3A_762, %get3A_769 : vector<16xf32>
          %add3A_778 = arith.addf %add3A_770, %add3A_771 : vector<16xf32>
          %add3A_779 = arith.addf %add3A_772, %add3A_773 : vector<16xf32>
          %add3A_780 = arith.addf %add3A_774, %add3A_775 : vector<16xf32>
          %add3A_781 = arith.addf %add3A_776, %add3A_777 : vector<16xf32>
          %add3A_782 = arith.addf %add3A_778, %add3A_779 : vector<16xf32>
          %add3A_783 = arith.addf %add3A_780, %add3A_781 : vector<16xf32>
          %add3A_784 = arith.addf %add3A_782, %add3A_783 : vector<16xf32>
          %swap3A_785 = arith.index_cast %add3A_176 : i32 to index
          %swap3A_786 = arith.constant 48 : index
          %swap3A_787 = tpu.vector_load %arg7[%swap3A_785, %swap3A_786] {strides = array<i32>} : memref<16x256xf32, #tpu.memory_space<vmem>>, vector<1x16xf32>,
          %swap3A_788 = vector.shape_cast %swap3A_787 : vector<1x16xf32> to vector<16xf32>
          %swap3A_789 = vector.shape_cast %add3A_784 : vector<16xf32> to vector<1x16xf32>
          tpu.vector_store %arg7[%swap3A_785, %swap3A_786], %swap3A_789 {add = true, strides = array<i32>} : memref<16x256xf32, #tpu.memory_space<vmem>>, vector<1x16xf32>,
          %add3A_790 = arith.constant 0 : i32
          %add3A_791 = arith.addi %mul3A_97, %add3A_790 : i32
          %get3A_792 = arith.index_cast %rem3A_85 : i32 to index
          %get3A_793 = arith.index_cast %add3A_791 : i32 to index
          %get3A_794 = arith.constant 64 : index
          %get3A_795 = tpu.vector_load %arg5[%get3A_792, %get3A_793, %get3A_794] {strides = array<i32>} : memref<2x64x256xf32, #tpu.memory_space<vmem>>, vector<1x1x16xf32>,
          %get3A_796 = vector.shape_cast %get3A_795 : vector<1x1x16xf32> to vector<16xf32>
          %add3A_797 = arith.constant 1 : i32
          %add3A_798 = arith.addi %mul3A_97, %add3A_797 : i32
          %get3A_799 = arith.index_cast %rem3A_85 : i32 to index
          %get3A_800 = arith.index_cast %add3A_798 : i32 to index
          %get3A_801 = arith.constant 64 : index
          %get3A_802 = tpu.vector_load %arg5[%get3A_799, %get3A_800, %get3A_801] {strides = array<i32>} : memref<2x64x256xf32, #tpu.memory_space<vmem>>, vector<1x1x16xf32>,
          %get3A_803 = vector.shape_cast %get3A_802 : vector<1x1x16xf32> to vector<16xf32>
          %add3A_804 = arith.constant 2 : i32
          %add3A_805 = arith.addi %mul3A_97, %add3A_804 : i32
          %get3A_806 = arith.index_cast %rem3A_85 : i32 to index
          %get3A_807 = arith.index_cast %add3A_805 : i32 to index
          %get3A_808 = arith.constant 64 : index
          %get3A_809 = tpu.vector_load %arg5[%get3A_806, %get3A_807, %get3A_808] {strides = array<i32>} : memref<2x64x256xf32, #tpu.memory_space<vmem>>, vector<1x1x16xf32>,
          %get3A_810 = vector.shape_cast %get3A_809 : vector<1x1x16xf32> to vector<16xf32>
          %add3A_811 = arith.constant 3 : i32
          %add3A_812 = arith.addi %mul3A_97, %add3A_811 : i32
          %get3A_813 = arith.index_cast %rem3A_85 : i32 to index
          %get3A_814 = arith.index_cast %add3A_812 : i32 to index
          %get3A_815 = arith.constant 64 : index
          %get3A_816 = tpu.vector_load %arg5[%get3A_813, %get3A_814, %get3A_815] {strides = array<i32>} : memref<2x64x256xf32, #tpu.memory_space<vmem>>, vector<1x1x16xf32>,
          %get3A_817 = vector.shape_cast %get3A_816 : vector<1x1x16xf32> to vector<16xf32>
          %add3A_818 = arith.constant 4 : i32
          %add3A_819 = arith.addi %mul3A_97, %add3A_818 : i32
          %get3A_820 = arith.index_cast %rem3A_85 : i32 to index
          %get3A_821 = arith.index_cast %add3A_819 : i32 to index
          %get3A_822 = arith.constant 64 : index
          %get3A_823 = tpu.vector_load %arg5[%get3A_820, %get3A_821, %get3A_822] {strides = array<i32>} : memref<2x64x256xf32, #tpu.memory_space<vmem>>, vector<1x1x16xf32>,
          %get3A_824 = vector.shape_cast %get3A_823 : vector<1x1x16xf32> to vector<16xf32>
          %add3A_825 = arith.constant 5 : i32
          %add3A_826 = arith.addi %mul3A_97, %add3A_825 : i32
          %get3A_827 = arith.index_cast %rem3A_85 : i32 to index
          %get3A_828 = arith.index_cast %add3A_826 : i32 to index
          %get3A_829 = arith.constant 64 : index
          %get3A_830 = tpu.vector_load %arg5[%get3A_827, %get3A_828, %get3A_829] {strides = array<i32>} : memref<2x64x256xf32, #tpu.memory_space<vmem>>, vector<1x1x16xf32>,
          %get3A_831 = vector.shape_cast %get3A_830 : vector<1x1x16xf32> to vector<16xf32>
          %add3A_832 = arith.constant 6 : i32
          %add3A_833 = arith.addi %mul3A_97, %add3A_832 : i32
          %get3A_834 = arith.index_cast %rem3A_85 : i32 to index
          %get3A_835 = arith.index_cast %add3A_833 : i32 to index
          %get3A_836 = arith.constant 64 : index
          %get3A_837 = tpu.vector_load %arg5[%get3A_834, %get3A_835, %get3A_836] {strides = array<i32>} : memref<2x64x256xf32, #tpu.memory_space<vmem>>, vector<1x1x16xf32>,
          %get3A_838 = vector.shape_cast %get3A_837 : vector<1x1x16xf32> to vector<16xf32>
          %add3A_839 = arith.constant 7 : i32
          %add3A_840 = arith.addi %mul3A_97, %add3A_839 : i32
          %get3A_841 = arith.index_cast %rem3A_85 : i32 to index
          %get3A_842 = arith.index_cast %add3A_840 : i32 to index
          %get3A_843 = arith.constant 64 : index
          %get3A_844 = tpu.vector_load %arg5[%get3A_841, %get3A_842, %get3A_843] {strides = array<i32>} : memref<2x64x256xf32, #tpu.memory_space<vmem>>, vector<1x1x16xf32>,
          %get3A_845 = vector.shape_cast %get3A_844 : vector<1x1x16xf32> to vector<16xf32>
          %add3A_846 = arith.constant 8 : i32
          %add3A_847 = arith.addi %mul3A_97, %add3A_846 : i32
          %get3A_848 = arith.index_cast %rem3A_85 : i32 to index
          %get3A_849 = arith.index_cast %add3A_847 : i32 to index
          %get3A_850 = arith.constant 64 : index
          %get3A_851 = tpu.vector_load %arg5[%get3A_848, %get3A_849, %get3A_850] {strides = array<i32>} : memref<2x64x256xf32, #tpu.memory_space<vmem>>, vector<1x1x16xf32>,
          %get3A_852 = vector.shape_cast %get3A_851 : vector<1x1x16xf32> to vector<16xf32>
          %add3A_853 = arith.constant 9 : i32
          %add3A_854 = arith.addi %mul3A_97, %add3A_853 : i32
          %get3A_855 = arith.index_cast %rem3A_85 : i32 to index
          %get3A_856 = arith.index_cast %add3A_854 : i32 to index
          %get3A_857 = arith.constant 64 : index
          %get3A_858 = tpu.vector_load %arg5[%get3A_855, %get3A_856, %get3A_857] {strides = array<i32>} : memref<2x64x256xf32, #tpu.memory_space<vmem>>, vector<1x1x16xf32>,
          %get3A_859 = vector.shape_cast %get3A_858 : vector<1x1x16xf32> to vector<16xf32>
          %add3A_860 = arith.constant 10 : i32
          %add3A_861 = arith.addi %mul3A_97, %add3A_860 : i32
          %get3A_862 = arith.index_cast %rem3A_85 : i32 to index
          %get3A_863 = arith.index_cast %add3A_861 : i32 to index
          %get3A_864 = arith.constant 64 : index
          %get3A_865 = tpu.vector_load %arg5[%get3A_862, %get3A_863, %get3A_864] {strides = array<i32>} : memref<2x64x256xf32, #tpu.memory_space<vmem>>, vector<1x1x16xf32>,
          %get3A_866 = vector.shape_cast %get3A_865 : vector<1x1x16xf32> to vector<16xf32>
          %add3A_867 = arith.constant 11 : i32
          %add3A_868 = arith.addi %mul3A_97, %add3A_867 : i32
          %get3A_869 = arith.index_cast %rem3A_85 : i32 to index
          %get3A_870 = arith.index_cast %add3A_868 : i32 to index
          %get3A_871 = arith.constant 64 : index
          %get3A_872 = tpu.vector_load %arg5[%get3A_869, %get3A_870, %get3A_871] {strides = array<i32>} : memref<2x64x256xf32, #tpu.memory_space<vmem>>, vector<1x1x16xf32>,
          %get3A_873 = vector.shape_cast %get3A_872 : vector<1x1x16xf32> to vector<16xf32>
          %add3A_874 = arith.constant 12 : i32
          %add3A_875 = arith.addi %mul3A_97, %add3A_874 : i32
          %get3A_876 = arith.index_cast %rem3A_85 : i32 to index
          %get3A_877 = arith.index_cast %add3A_875 : i32 to index
          %get3A_878 = arith.constant 64 : index
          %get3A_879 = tpu.vector_load %arg5[%get3A_876, %get3A_877, %get3A_878] {strides = array<i32>} : memref<2x64x256xf32, #tpu.memory_space<vmem>>, vector<1x1x16xf32>,
          %get3A_880 = vector.shape_cast %get3A_879 : vector<1x1x16xf32> to vector<16xf32>
          %add3A_881 = arith.constant 13 : i32
          %add3A_882 = arith.addi %mul3A_97, %add3A_881 : i32
          %get3A_883 = arith.index_cast %rem3A_85 : i32 to index
          %get3A_884 = arith.index_cast %add3A_882 : i32 to index
          %get3A_885 = arith.constant 64 : index
          %get3A_886 = tpu.vector_load %arg5[%get3A_883, %get3A_884, %get3A_885] {strides = array<i32>} : memref<2x64x256xf32, #tpu.memory_space<vmem>>, vector<1x1x16xf32>,
          %get3A_887 = vector.shape_cast %get3A_886 : vector<1x1x16xf32> to vector<16xf32>
          %add3A_888 = arith.constant 14 : i32
          %add3A_889 = arith.addi %mul3A_97, %add3A_888 : i32
          %get3A_890 = arith.index_cast %rem3A_85 : i32 to index
          %get3A_891 = arith.index_cast %add3A_889 : i32 to index
          %get3A_892 = arith.constant 64 : index
          %get3A_893 = tpu.vector_load %arg5[%get3A_890, %get3A_891, %get3A_892] {strides = array<i32>} : memref<2x64x256xf32, #tpu.memory_space<vmem>>, vector<1x1x16xf32>,
          %get3A_894 = vector.shape_cast %get3A_893 : vector<1x1x16xf32> to vector<16xf32>
          %add3A_895 = arith.constant 15 : i32
          %add3A_896 = arith.addi %mul3A_97, %add3A_895 : i32
          %get3A_897 = arith.index_cast %rem3A_85 : i32 to index
          %get3A_898 = arith.index_cast %add3A_896 : i32 to index
          %get3A_899 = arith.constant 64 : index
          %get3A_900 = tpu.vector_load %arg5[%get3A_897, %get3A_898, %get3A_899] {strides = array<i32>} : memref<2x64x256xf32, #tpu.memory_space<vmem>>, vector<1x1x16xf32>,
          %get3A_901 = vector.shape_cast %get3A_900 : vector<1x1x16xf32> to vector<16xf32>
          %add3A_902 = arith.addf %get3A_796, %get3A_803 : vector<16xf32>
          %add3A_903 = arith.addf %get3A_810, %get3A_817 : vector<16xf32>
          %add3A_904 = arith.addf %get3A_824, %get3A_831 : vector<16xf32>
          %add3A_905 = arith.addf %get3A_838, %get3A_845 : vector<16xf32>
          %add3A_906 = arith.addf %get3A_852, %get3A_859 : vector<16xf32>
          %add3A_907 = arith.addf %get3A_866, %get3A_873 : vector<16xf32>
          %add3A_908 = arith.addf %get3A_880, %get3A_887 : vector<16xf32>
          %add3A_909 = arith.addf %get3A_894, %get3A_901 : vector<16xf32>
          %add3A_910 = arith.addf %add3A_902, %add3A_903 : vector<16xf32>
          %add3A_911 = arith.addf %add3A_904, %add3A_905 : vector<16xf32>
          %add3A_912 = arith.addf %add3A_906, %add3A_907 : vector<16xf32>
          %add3A_913 = arith.addf %add3A_908, %add3A_909 : vector<16xf32>
          %add3A_914 = arith.addf %add3A_910, %add3A_911 : vector<16xf32>
          %add3A_915 = arith.addf %add3A_912, %add3A_913 : vector<16xf32>
          %add3A_916 = arith.addf %add3A_914, %add3A_915 : vector<16xf32>
          %swap3A_917 = arith.index_cast %add3A_176 : i32 to index
          %swap3A_918 = arith.constant 64 : index
          %swap3A_919 = tpu.vector_load %arg7[%swap3A_917, %swap3A_918] {strides = array<i32>} : memref<16x256xf32, #tpu.memory_space<vmem>>, vector<1x16xf32>,
          %swap3A_920 = vector.shape_cast %swap3A_919 : vector<1x16xf32> to vector<16xf32>
          %swap3A_921 = vector.shape_cast %add3A_916 : vector<16xf32> to vector<1x16xf32>
          tpu.vector_store %arg7[%swap3A_917, %swap3A_918], %swap3A_921 {add = true, strides = array<i32>} : memref<16x256xf32, #tpu.memory_space<vmem>>, vector<1x16xf32>,
          %add3A_922 = arith.constant 0 : i32
          %add3A_923 = arith.addi %mul3A_97, %add3A_922 : i32
          %get3A_924 = arith.index_cast %rem3A_85 : i32 to index
          %get3A_925 = arith.index_cast %add3A_923 : i32 to index
          %get3A_926 = arith.constant 80 : index
          %get3A_927 = tpu.vector_load %arg5[%get3A_924, %get3A_925, %get3A_926] {strides = array<i32>} : memref<2x64x256xf32, #tpu.memory_space<vmem>>, vector<1x1x16xf32>,
          %get3A_928 = vector.shape_cast %get3A_927 : vector<1x1x16xf32> to vector<16xf32>
          %add3A_929 = arith.constant 1 : i32
          %add3A_930 = arith.addi %mul3A_97, %add3A_929 : i32
          %get3A_931 = arith.index_cast %rem3A_85 : i32 to index
          %get3A_932 = arith.index_cast %add3A_930 : i32 to index
          %get3A_933 = arith.constant 80 : index
          %get3A_934 = tpu.vector_load %arg5[%get3A_931, %get3A_932, %get3A_933] {strides = array<i32>} : memref<2x64x256xf32, #tpu.memory_space<vmem>>, vector<1x1x16xf32>,
          %get3A_935 = vector.shape_cast %get3A_934 : vector<1x1x16xf32> to vector<16xf32>
          %add3A_936 = arith.constant 2 : i32
          %add3A_937 = arith.addi %mul3A_97, %add3A_936 : i32
          %get3A_938 = arith.index_cast %rem3A_85 : i32 to index
          %get3A_939 = arith.index_cast %add3A_937 : i32 to index
          %get3A_940 = arith.constant 80 : index
          %get3A_941 = tpu.vector_load %arg5[%get3A_938, %get3A_939, %get3A_940] {strides = array<i32>} : memref<2x64x256xf32, #tpu.memory_space<vmem>>, vector<1x1x16xf32>,
          %get3A_942 = vector.shape_cast %get3A_941 : vector<1x1x16xf32> to vector<16xf32>
          %add3A_943 = arith.constant 3 : i32
          %add3A_944 = arith.addi %mul3A_97, %add3A_943 : i32
          %get3A_945 = arith.index_cast %rem3A_85 : i32 to index
          %get3A_946 = arith.index_cast %add3A_944 : i32 to index
          %get3A_947 = arith.constant 80 : index
          %get3A_948 = tpu.vector_load %arg5[%get3A_945, %get3A_946, %get3A_947] {strides = array<i32>} : memref<2x64x256xf32, #tpu.memory_space<vmem>>, vector<1x1x16xf32>,
          %get3A_949 = vector.shape_cast %get3A_948 : vector<1x1x16xf32> to vector<16xf32>
          %add3A_950 = arith.constant 4 : i32
          %add3A_951 = arith.addi %mul3A_97, %add3A_950 : i32
          %get3A_952 = arith.index_cast %rem3A_85 : i32 to index
          %get3A_953 = arith.index_cast %add3A_951 : i32 to index
          %get3A_954 = arith.constant 80 : index
          %get3A_955 = tpu.vector_load %arg5[%get3A_952, %get3A_953, %get3A_954] {strides = array<i32>} : memref<2x64x256xf32, #tpu.memory_space<vmem>>, vector<1x1x16xf32>,
          %get3A_956 = vector.shape_cast %get3A_955 : vector<1x1x16xf32> to vector<16xf32>
          %add3A_957 = arith.constant 5 : i32
          %add3A_958 = arith.addi %mul3A_97, %add3A_957 : i32
          %get3A_959 = arith.index_cast %rem3A_85 : i32 to index
          %get3A_960 = arith.index_cast %add3A_958 : i32 to index
          %get3A_961 = arith.constant 80 : index
          %get3A_962 = tpu.vector_load %arg5[%get3A_959, %get3A_960, %get3A_961] {strides = array<i32>} : memref<2x64x256xf32, #tpu.memory_space<vmem>>, vector<1x1x16xf32>,
          %get3A_963 = vector.shape_cast %get3A_962 : vector<1x1x16xf32> to vector<16xf32>
          %add3A_964 = arith.constant 6 : i32
          %add3A_965 = arith.addi %mul3A_97, %add3A_964 : i32
          %get3A_966 = arith.index_cast %rem3A_85 : i32 to index
          %get3A_967 = arith.index_cast %add3A_965 : i32 to index
          %get3A_968 = arith.constant 80 : index
          %get3A_969 = tpu.vector_load %arg5[%get3A_966, %get3A_967, %get3A_968] {strides = array<i32>} : memref<2x64x256xf32, #tpu.memory_space<vmem>>, vector<1x1x16xf32>,
          %get3A_970 = vector.shape_cast %get3A_969 : vector<1x1x16xf32> to vector<16xf32>
          %add3A_971 = arith.constant 7 : i32
          %add3A_972 = arith.addi %mul3A_97, %add3A_971 : i32
          %get3A_973 = arith.index_cast %rem3A_85 : i32 to index
          %get3A_974 = arith.index_cast %add3A_972 : i32 to index
          %get3A_975 = arith.constant 80 : index
          %get3A_976 = tpu.vector_load %arg5[%get3A_973, %get3A_974, %get3A_975] {strides = array<i32>} : memref<2x64x256xf32, #tpu.memory_space<vmem>>, vector<1x1x16xf32>,
          %get3A_977 = vector.shape_cast %get3A_976 : vector<1x1x16xf32> to vector<16xf32>
          %add3A_978 = arith.constant 8 : i32
          %add3A_979 = arith.addi %mul3A_97, %add3A_978 : i32
          %get3A_980 = arith.index_cast %rem3A_85 : i32 to index
          %get3A_981 = arith.index_cast %add3A_979 : i32 to index
          %get3A_982 = arith.constant 80 : index
          %get3A_983 = tpu.vector_load %arg5[%get3A_980, %get3A_981, %get3A_982] {strides = array<i32>} : memref<2x64x256xf32, #tpu.memory_space<vmem>>, vector<1x1x16xf32>,
          %get3A_984 = vector.shape_cast %get3A_983 : vector<1x1x16xf32> to vector<16xf32>
          %add3A_985 = arith.constant 9 : i32
          %add3A_986 = arith.addi %mul3A_97, %add3A_985 : i32
          %get3A_987 = arith.index_cast %rem3A_85 : i32 to index
          %get3A_988 = arith.index_cast %add3A_986 : i32 to index
          %get3A_989 = arith.constant 80 : index
          %get3A_990 = tpu.vector_load %arg5[%get3A_987, %get3A_988, %get3A_989] {strides = array<i32>} : memref<2x64x256xf32, #tpu.memory_space<vmem>>, vector<1x1x16xf32>,
          %get3A_991 = vector.shape_cast %get3A_990 : vector<1x1x16xf32> to vector<16xf32>
          %add3A_992 = arith.constant 10 : i32
          %add3A_993 = arith.addi %mul3A_97, %add3A_992 : i32
          %get3A_994 = arith.index_cast %rem3A_85 : i32 to index
          %get3A_995 = arith.index_cast %add3A_993 : i32 to index
          %get3A_996 = arith.constant 80 : index
          %get3A_997 = tpu.vector_load %arg5[%get3A_994, %get3A_995, %get3A_996] {strides = array<i32>} : memref<2x64x256xf32, #tpu.memory_space<vmem>>, vector<1x1x16xf32>,
          %get3A_998 = vector.shape_cast %get3A_997 : vector<1x1x16xf32> to vector<16xf32>
          %add3A_999 = arith.constant 11 : i32
          %add3A_1000 = arith.addi %mul3A_97, %add3A_999 : i32
          %get3A_1001 = arith.index_cast %rem3A_85 : i32 to index
          %get3A_1002 = arith.index_cast %add3A_1000 : i32 to index
          %get3A_1003 = arith.constant 80 : index
          %get3A_1004 = tpu.vector_load %arg5[%get3A_1001, %get3A_1002, %get3A_1003] {strides = array<i32>} : memref<2x64x256xf32, #tpu.memory_space<vmem>>, vector<1x1x16xf32>,
          %get3A_1005 = vector.shape_cast %get3A_1004 : vector<1x1x16xf32> to vector<16xf32>
          %add3A_1006 = arith.constant 12 : i32
          %add3A_1007 = arith.addi %mul3A_97, %add3A_1006 : i32
          %get3A_1008 = arith.index_cast %rem3A_85 : i32 to index
          %get3A_1009 = arith.index_cast %add3A_1007 : i32 to index
          %get3A_1010 = arith.constant 80 : index
          %get3A_1011 = tpu.vector_load %arg5[%get3A_1008, %get3A_1009, %get3A_1010] {strides = array<i32>} : memref<2x64x256xf32, #tpu.memory_space<vmem>>, vector<1x1x16xf32>,
          %get3A_1012 = vector.shape_cast %get3A_1011 : vector<1x1x16xf32> to vector<16xf32>
          %add3A_1013 = arith.constant 13 : i32
          %add3A_1014 = arith.addi %mul3A_97, %add3A_1013 : i32
          %get3A_1015 = arith.index_cast %rem3A_85 : i32 to index
          %get3A_1016 = arith.index_cast %add3A_1014 : i32 to index
          %get3A_1017 = arith.constant 80 : index
          %get3A_1018 = tpu.vector_load %arg5[%get3A_1015, %get3A_1016, %get3A_1017] {strides = array<i32>} : memref<2x64x256xf32, #tpu.memory_space<vmem>>, vector<1x1x16xf32>,
          %get3A_1019 = vector.shape_cast %get3A_1018 : vector<1x1x16xf32> to vector<16xf32>
          %add3A_1020 = arith.constant 14 : i32
          %add3A_1021 = arith.addi %mul3A_97, %add3A_1020 : i32
          %get3A_1022 = arith.index_cast %rem3A_85 : i32 to index
          %get3A_1023 = arith.index_cast %add3A_1021 : i32 to index
          %get3A_1024 = arith.constant 80 : index
          %get3A_1025 = tpu.vector_load %arg5[%get3A_1022, %get3A_1023, %get3A_1024] {strides = array<i32>} : memref<2x64x256xf32, #tpu.memory_space<vmem>>, vector<1x1x16xf32>,
          %get3A_1026 = vector.shape_cast %get3A_1025 : vector<1x1x16xf32> to vector<16xf32>
          %add3A_1027 = arith.constant 15 : i32
          %add3A_1028 = arith.addi %mul3A_97, %add3A_1027 : i32
          %get3A_1029 = arith.index_cast %rem3A_85 : i32 to index
          %get3A_1030 = arith.index_cast %add3A_1028 : i32 to index
          %get3A_1031 = arith.constant 80 : index
          %get3A_1032 = tpu.vector_load %arg5[%get3A_1029, %get3A_1030, %get3A_1031] {strides = array<i32>} : memref<2x64x256xf32, #tpu.memory_space<vmem>>, vector<1x1x16xf32>,
          %get3A_1033 = vector.shape_cast %get3A_1032 : vector<1x1x16xf32> to vector<16xf32>
          %add3A_1034 = arith.addf %get3A_928, %get3A_935 : vector<16xf32>
          %add3A_1035 = arith.addf %get3A_942, %get3A_949 : vector<16xf32>
          %add3A_1036 = arith.addf %get3A_956, %get3A_963 : vector<16xf32>
          %add3A_1037 = arith.addf %get3A_970, %get3A_977 : vector<16xf32>
          %add3A_1038 = arith.addf %get3A_984, %get3A_991 : vector<16xf32>
          %add3A_1039 = arith.addf %get3A_998, %get3A_1005 : vector<16xf32>
          %add3A_1040 = arith.addf %get3A_1012, %get3A_1019 : vector<16xf32>
          %add3A_1041 = arith.addf %get3A_1026, %get3A_1033 : vector<16xf32>
          %add3A_1042 = arith.addf %add3A_1034, %add3A_1035 : vector<16xf32>
          %add3A_1043 = arith.addf %add3A_1036, %add3A_1037 : vector<16xf32>
          %add3A_1044 = arith.addf %add3A_1038, %add3A_1039 : vector<16xf32>
          %add3A_1045 = arith.addf %add3A_1040, %add3A_1041 : vector<16xf32>
          %add3A_1046 = arith.addf %add3A_1042, %add3A_1043 : vector<16xf32>
          %add3A_1047 = arith.addf %add3A_1044, %add3A_1045 : vector<16xf32>
          %add3A_1048 = arith.addf %add3A_1046, %add3A_1047 : vector<16xf32>
          %swap3A_1049 = arith.index_cast %add3A_176 : i32 to index
          %swap3A_1050 = arith.constant 80 : index
          %swap3A_1051 = tpu.vector_load %arg7[%swap3A_1049, %swap3A_1050] {strides = array<i32>} : memref<16x256xf32, #tpu.memory_space<vmem>>, vector<1x16xf32>,
          %swap3A_1052 = vector.shape_cast %swap3A_1051 : vector<1x16xf32> to vector<16xf32>
          %swap3A_1053 = vector.shape_cast %add3A_1048 : vector<16xf32> to vector<1x16xf32>
          tpu.vector_store %arg7[%swap3A_1049, %swap3A_1050], %swap3A_1053 {add = true, strides = array<i32>} : memref<16x256xf32, #tpu.memory_space<vmem>>, vector<1x16xf32>,
          %add3A_1054 = arith.constant 0 : i32
          %add3A_1055 = arith.addi %mul3A_97, %add3A_1054 : i32
          %get3A_1056 = arith.index_cast %rem3A_85 : i32 to index
          %get3A_1057 = arith.index_cast %add3A_1055 : i32 to index
          %get3A_1058 = arith.constant 96 : index
          %get3A_1059 = tpu.vector_load %arg5[%get3A_1056, %get3A_1057, %get3A_1058] {strides = array<i32>} : memref<2x64x256xf32, #tpu.memory_space<vmem>>, vector<1x1x16xf32>,
          %get3A_1060 = vector.shape_cast %get3A_1059 : vector<1x1x16xf32> to vector<16xf32>
          %add3A_1061 = arith.constant 1 : i32
          %add3A_1062 = arith.addi %mul3A_97, %add3A_1061 : i32
          %get3A_1063 = arith.index_cast %rem3A_85 : i32 to index
          %get3A_1064 = arith.index_cast %add3A_1062 : i32 to index
          %get3A_1065 = arith.constant 96 : index
          %get3A_1066 = tpu.vector_load %arg5[%get3A_1063, %get3A_1064, %get3A_1065] {strides = array<i32>} : memref<2x64x256xf32, #tpu.memory_space<vmem>>, vector<1x1x16xf32>,
          %get3A_1067 = vector.shape_cast %get3A_1066 : vector<1x1x16xf32> to vector<16xf32>
          %add3A_1068 = arith.constant 2 : i32
          %add3A_1069 = arith.addi %mul3A_97, %add3A_1068 : i32
          %get3A_1070 = arith.index_cast %rem3A_85 : i32 to index
          %get3A_1071 = arith.index_cast %add3A_1069 : i32 to index
          %get3A_1072 = arith.constant 96 : index
          %get3A_1073 = tpu.vector_load %arg5[%get3A_1070, %get3A_1071, %get3A_1072] {strides = array<i32>} : memref<2x64x256xf32, #tpu.memory_space<vmem>>, vector<1x1x16xf32>,
          %get3A_1074 = vector.shape_cast %get3A_1073 : vector<1x1x16xf32> to vector<16xf32>
          %add3A_1075 = arith.constant 3 : i32
          %add3A_1076 = arith.addi %mul3A_97, %add3A_1075 : i32
          %get3A_1077 = arith.index_cast %rem3A_85 : i32 to index
          %get3A_1078 = arith.index_cast %add3A_1076 : i32 to index
          %get3A_1079 = arith.constant 96 : index
          %get3A_1080 = tpu.vector_load %arg5[%get3A_1077, %get3A_1078, %get3A_1079] {strides = array<i32>} : memref<2x64x256xf32, #tpu.memory_space<vmem>>, vector<1x1x16xf32>,
          %get3A_1081 = vector.shape_cast %get3A_1080 : vector<1x1x16xf32> to vector<16xf32>
          %add3A_1082 = arith.constant 4 : i32
          %add3A_1083 = arith.addi %mul3A_97, %add3A_1082 : i32
          %get3A_1084 = arith.index_cast %rem3A_85 : i32 to index
          %get3A_1085 = arith.index_cast %add3A_1083 : i32 to index
          %get3A_1086 = arith.constant 96 : index
          %get3A_1087 = tpu.vector_load %arg5[%get3A_1084, %get3A_1085, %get3A_1086] {strides = array<i32>} : memref<2x64x256xf32, #tpu.memory_space<vmem>>, vector<1x1x16xf32>,
          %get3A_1088 = vector.shape_cast %get3A_1087 : vector<1x1x16xf32> to vector<16xf32>
          %add3A_1089 = arith.constant 5 : i32
          %add3A_1090 = arith.addi %mul3A_97, %add3A_1089 : i32
          %get3A_1091 = arith.index_cast %rem3A_85 : i32 to index
          %get3A_1092 = arith.index_cast %add3A_1090 : i32 to index
          %get3A_1093 = arith.constant 96 : index
          %get3A_1094 = tpu.vector_load %arg5[%get3A_1091, %get3A_1092, %get3A_1093] {strides = array<i32>} : memref<2x64x256xf32, #tpu.memory_space<vmem>>, vector<1x1x16xf32>,
          %get3A_1095 = vector.shape_cast %get3A_1094 : vector<1x1x16xf32> to vector<16xf32>
          %add3A_1096 = arith.constant 6 : i32
          %add3A_1097 = arith.addi %mul3A_97, %add3A_1096 : i32
          %get3A_1098 = arith.index_cast %rem3A_85 : i32 to index
          %get3A_1099 = arith.index_cast %add3A_1097 : i32 to index
          %get3A_1100 = arith.constant 96 : index
          %get3A_1101 = tpu.vector_load %arg5[%get3A_1098, %get3A_1099, %get3A_1100] {strides = array<i32>} : memref<2x64x256xf32, #tpu.memory_space<vmem>>, vector<1x1x16xf32>,
          %get3A_1102 = vector.shape_cast %get3A_1101 : vector<1x1x16xf32> to vector<16xf32>
          %add3A_1103 = arith.constant 7 : i32
          %add3A_1104 = arith.addi %mul3A_97, %add3A_1103 : i32
          %get3A_1105 = arith.index_cast %rem3A_85 : i32 to index
          %get3A_1106 = arith.index_cast %add3A_1104 : i32 to index
          %get3A_1107 = arith.constant 96 : index
          %get3A_1108 = tpu.vector_load %arg5[%get3A_1105, %get3A_1106, %get3A_1107] {strides = array<i32>} : memref<2x64x256xf32, #tpu.memory_space<vmem>>, vector<1x1x16xf32>,
          %get3A_1109 = vector.shape_cast %get3A_1108 : vector<1x1x16xf32> to vector<16xf32>
          %add3A_1110 = arith.constant 8 : i32
          %add3A_1111 = arith.addi %mul3A_97, %add3A_1110 : i32
          %get3A_1112 = arith.index_cast %rem3A_85 : i32 to index
          %get3A_1113 = arith.index_cast %add3A_1111 : i32 to index
          %get3A_1114 = arith.constant 96 : index
          %get3A_1115 = tpu.vector_load %arg5[%get3A_1112, %get3A_1113, %get3A_1114] {strides = array<i32>} : memref<2x64x256xf32, #tpu.memory_space<vmem>>, vector<1x1x16xf32>,
          %get3A_1116 = vector.shape_cast %get3A_1115 : vector<1x1x16xf32> to vector<16xf32>
          %add3A_1117 = arith.constant 9 : i32
          %add3A_1118 = arith.addi %mul3A_97, %add3A_1117 : i32
          %get3A_1119 = arith.index_cast %rem3A_85 : i32 to index
          %get3A_1120 = arith.index_cast %add3A_1118 : i32 to index
          %get3A_1121 = arith.constant 96 : index
          %get3A_1122 = tpu.vector_load %arg5[%get3A_1119, %get3A_1120, %get3A_1121] {strides = array<i32>} : memref<2x64x256xf32, #tpu.memory_space<vmem>>, vector<1x1x16xf32>,
          %get3A_1123 = vector.shape_cast %get3A_1122 : vector<1x1x16xf32> to vector<16xf32>
          %add3A_1124 = arith.constant 10 : i32
          %add3A_1125 = arith.addi %mul3A_97, %add3A_1124 : i32
          %get3A_1126 = arith.index_cast %rem3A_85 : i32 to index
          %get3A_1127 = arith.index_cast %add3A_1125 : i32 to index
          %get3A_1128 = arith.constant 96 : index
          %get3A_1129 = tpu.vector_load %arg5[%get3A_1126, %get3A_1127, %get3A_1128] {strides = array<i32>} : memref<2x64x256xf32, #tpu.memory_space<vmem>>, vector<1x1x16xf32>,
          %get3A_1130 = vector.shape_cast %get3A_1129 : vector<1x1x16xf32> to vector<16xf32>
          %add3A_1131 = arith.constant 11 : i32
          %add3A_1132 = arith.addi %mul3A_97, %add3A_1131 : i32
          %get3A_1133 = arith.index_cast %rem3A_85 : i32 to index
          %get3A_1134 = arith.index_cast %add3A_1132 : i32 to index
          %get3A_1135 = arith.constant 96 : index
          %get3A_1136 = tpu.vector_load %arg5[%get3A_1133, %get3A_1134, %get3A_1135] {strides = array<i32>} : memref<2x64x256xf32, #tpu.memory_space<vmem>>, vector<1x1x16xf32>,
          %get3A_1137 = vector.shape_cast %get3A_1136 : vector<1x1x16xf32> to vector<16xf32>
          %add3A_1138 = arith.constant 12 : i32
          %add3A_1139 = arith.addi %mul3A_97, %add3A_1138 : i32
          %get3A_1140 = arith.index_cast %rem3A_85 : i32 to index
          %get3A_1141 = arith.index_cast %add3A_1139 : i32 to index
          %get3A_1142 = arith.constant 96 : index
          %get3A_1143 = tpu.vector_load %arg5[%get3A_1140, %get3A_1141, %get3A_1142] {strides = array<i32>} : memref<2x64x256xf32, #tpu.memory_space<vmem>>, vector<1x1x16xf32>,
          %get3A_1144 = vector.shape_cast %get3A_1143 : vector<1x1x16xf32> to vector<16xf32>
          %add3A_1145 = arith.constant 13 : i32
          %add3A_1146 = arith.addi %mul3A_97, %add3A_1145 : i32
          %get3A_1147 = arith.index_cast %rem3A_85 : i32 to index
          %get3A_1148 = arith.index_cast %add3A_1146 : i32 to index
          %get3A_1149 = arith.constant 96 : index
          %get3A_1150 = tpu.vector_load %arg5[%get3A_1147, %get3A_1148, %get3A_1149] {strides = array<i32>} : memref<2x64x256xf32, #tpu.memory_space<vmem>>, vector<1x1x16xf32>,
          %get3A_1151 = vector.shape_cast %get3A_1150 : vector<1x1x16xf32> to vector<16xf32>
          %add3A_1152 = arith.constant 14 : i32
          %add3A_1153 = arith.addi %mul3A_97, %add3A_1152 : i32
          %get3A_1154 = arith.index_cast %rem3A_85 : i32 to index
          %get3A_1155 = arith.index_cast %add3A_1153 : i32 to index
          %get3A_1156 = arith.constant 96 : index
          %get3A_1157 = tpu.vector_load %arg5[%get3A_1154, %get3A_1155, %get3A_1156] {strides = array<i32>} : memref<2x64x256xf32, #tpu.memory_space<vmem>>, vector<1x1x16xf32>,
          %get3A_1158 = vector.shape_cast %get3A_1157 : vector<1x1x16xf32> to vector<16xf32>
          %add3A_1159 = arith.constant 15 : i32
          %add3A_1160 = arith.addi %mul3A_97, %add3A_1159 : i32
          %get3A_1161 = arith.index_cast %rem3A_85 : i32 to index
          %get3A_1162 = arith.index_cast %add3A_1160 : i32 to index
          %get3A_1163 = arith.constant 96 : index
          %get3A_1164 = tpu.vector_load %arg5[%get3A_1161, %get3A_1162, %get3A_1163] {strides = array<i32>} : memref<2x64x256xf32, #tpu.memory_space<vmem>>, vector<1x1x16xf32>,
          %get3A_1165 = vector.shape_cast %get3A_1164 : vector<1x1x16xf32> to vector<16xf32>
          %add3A_1166 = arith.addf %get3A_1060, %get3A_1067 : vector<16xf32>
          %add3A_1167 = arith.addf %get3A_1074, %get3A_1081 : vector<16xf32>
          %add3A_1168 = arith.addf %get3A_1088, %get3A_1095 : vector<16xf32>
          %add3A_1169 = arith.addf %get3A_1102, %get3A_1109 : vector<16xf32>
          %add3A_1170 = arith.addf %get3A_1116, %get3A_1123 : vector<16xf32>
          %add3A_1171 = arith.addf %get3A_1130, %get3A_1137 : vector<16xf32>
          %add3A_1172 = arith.addf %get3A_1144, %get3A_1151 : vector<16xf32>
          %add3A_1173 = arith.addf %get3A_1158, %get3A_1165 : vector<16xf32>
          %add3A_1174 = arith.addf %add3A_1166, %add3A_1167 : vector<16xf32>
          %add3A_1175 = arith.addf %add3A_1168, %add3A_1169 : vector<16xf32>
          %add3A_1176 = arith.addf %add3A_1170, %add3A_1171 : vector<16xf32>
          %add3A_1177 = arith.addf %add3A_1172, %add3A_1173 : vector<16xf32>
          %add3A_1178 = arith.addf %add3A_1174, %add3A_1175 : vector<16xf32>
          %add3A_1179 = arith.addf %add3A_1176, %add3A_1177 : vector<16xf32>
          %add3A_1180 = arith.addf %add3A_1178, %add3A_1179 : vector<16xf32>
          %swap3A_1181 = arith.index_cast %add3A_176 : i32 to index
          %swap3A_1182 = arith.constant 96 : index
          %swap3A_1183 = tpu.vector_load %arg7[%swap3A_1181, %swap3A_1182] {strides = array<i32>} : memref<16x256xf32, #tpu.memory_space<vmem>>, vector<1x16xf32>,
          %swap3A_1184 = vector.shape_cast %swap3A_1183 : vector<1x16xf32> to vector<16xf32>
          %swap3A_1185 = vector.shape_cast %add3A_1180 : vector<16xf32> to vector<1x16xf32>
          tpu.vector_store %arg7[%swap3A_1181, %swap3A_1182], %swap3A_1185 {add = true, strides = array<i32>} : memref<16x256xf32, #tpu.memory_space<vmem>>, vector<1x16xf32>,
          %add3A_1186 = arith.constant 0 : i32
          %add3A_1187 = arith.addi %mul3A_97, %add3A_1186 : i32
          %get3A_1188 = arith.index_cast %rem3A_85 : i32 to index
          %get3A_1189 = arith.index_cast %add3A_1187 : i32 to index
          %get3A_1190 = arith.constant 112 : index
          %get3A_1191 = tpu.vector_load %arg5[%get3A_1188, %get3A_1189, %get3A_1190] {strides = array<i32>} : memref<2x64x256xf32, #tpu.memory_space<vmem>>, vector<1x1x16xf32>,
          %get3A_1192 = vector.shape_cast %get3A_1191 : vector<1x1x16xf32> to vector<16xf32>
          %add3A_1193 = arith.constant 1 : i32
          %add3A_1194 = arith.addi %mul3A_97, %add3A_1193 : i32
          %get3A_1195 = arith.index_cast %rem3A_85 : i32 to index
          %get3A_1196 = arith.index_cast %add3A_1194 : i32 to index
          %get3A_1197 = arith.constant 112 : index
          %get3A_1198 = tpu.vector_load %arg5[%get3A_1195, %get3A_1196, %get3A_1197] {strides = array<i32>} : memref<2x64x256xf32, #tpu.memory_space<vmem>>, vector<1x1x16xf32>,
          %get3A_1199 = vector.shape_cast %get3A_1198 : vector<1x1x16xf32> to vector<16xf32>
          %add3A_1200 = arith.constant 2 : i32
          %add3A_1201 = arith.addi %mul3A_97, %add3A_1200 : i32
          %get3A_1202 = arith.index_cast %rem3A_85 : i32 to index
          %get3A_1203 = arith.index_cast %add3A_1201 : i32 to index
          %get3A_1204 = arith.constant 112 : index
          %get3A_1205 = tpu.vector_load %arg5[%get3A_1202, %get3A_1203, %get3A_1204] {strides = array<i32>} : memref<2x64x256xf32, #tpu.memory_space<vmem>>, vector<1x1x16xf32>,
          %get3A_1206 = vector.shape_cast %get3A_1205 : vector<1x1x16xf32> to vector<16xf32>
          %add3A_1207 = arith.constant 3 : i32
          %add3A_1208 = arith.addi %mul3A_97, %add3A_1207 : i32
          %get3A_1209 = arith.index_cast %rem3A_85 : i32 to index
          %get3A_1210 = arith.index_cast %add3A_1208 : i32 to index
          %get3A_1211 = arith.constant 112 : index
          %get3A_1212 = tpu.vector_load %arg5[%get3A_1209, %get3A_1210, %get3A_1211] {strides = array<i32>} : memref<2x64x256xf32, #tpu.memory_space<vmem>>, vector<1x1x16xf32>,
          %get3A_1213 = vector.shape_cast %get3A_1212 : vector<1x1x16xf32> to vector<16xf32>
          %add3A_1214 = arith.constant 4 : i32
          %add3A_1215 = arith.addi %mul3A_97, %add3A_1214 : i32
          %get3A_1216 = arith.index_cast %rem3A_85 : i32 to index
          %get3A_1217 = arith.index_cast %add3A_1215 : i32 to index
          %get3A_1218 = arith.constant 112 : index
          %get3A_1219 = tpu.vector_load %arg5[%get3A_1216, %get3A_1217, %get3A_1218] {strides = array<i32>} : memref<2x64x256xf32, #tpu.memory_space<vmem>>, vector<1x1x16xf32>,
          %get3A_1220 = vector.shape_cast %get3A_1219 : vector<1x1x16xf32> to vector<16xf32>
          %add3A_1221 = arith.constant 5 : i32
          %add3A_1222 = arith.addi %mul3A_97, %add3A_1221 : i32
          %get3A_1223 = arith.index_cast %rem3A_85 : i32 to index
          %get3A_1224 = arith.index_cast %add3A_1222 : i32 to index
          %get3A_1225 = arith.constant 112 : index
          %get3A_1226 = tpu.vector_load %arg5[%get3A_1223, %get3A_1224, %get3A_1225] {strides = array<i32>} : memref<2x64x256xf32, #tpu.memory_space<vmem>>, vector<1x1x16xf32>,
          %get3A_1227 = vector.shape_cast %get3A_1226 : vector<1x1x16xf32> to vector<16xf32>
          %add3A_1228 = arith.constant 6 : i32
          %add3A_1229 = arith.addi %mul3A_97, %add3A_1228 : i32
          %get3A_1230 = arith.index_cast %rem3A_85 : i32 to index
          %get3A_1231 = arith.index_cast %add3A_1229 : i32 to index
          %get3A_1232 = arith.constant 112 : index
          %get3A_1233 = tpu.vector_load %arg5[%get3A_1230, %get3A_1231, %get3A_1232] {strides = array<i32>} : memref<2x64x256xf32, #tpu.memory_space<vmem>>, vector<1x1x16xf32>,
          %get3A_1234 = vector.shape_cast %get3A_1233 : vector<1x1x16xf32> to vector<16xf32>
          %add3A_1235 = arith.constant 7 : i32
          %add3A_1236 = arith.addi %mul3A_97, %add3A_1235 : i32
          %get3A_1237 = arith.index_cast %rem3A_85 : i32 to index
          %get3A_1238 = arith.index_cast %add3A_1236 : i32 to index
          %get3A_1239 = arith.constant 112 : index
          %get3A_1240 = tpu.vector_load %arg5[%get3A_1237, %get3A_1238, %get3A_1239] {strides = array<i32>} : memref<2x64x256xf32, #tpu.memory_space<vmem>>, vector<1x1x16xf32>,
          %get3A_1241 = vector.shape_cast %get3A_1240 : vector<1x1x16xf32> to vector<16xf32>
          %add3A_1242 = arith.constant 8 : i32
          %add3A_1243 = arith.addi %mul3A_97, %add3A_1242 : i32
          %get3A_1244 = arith.index_cast %rem3A_85 : i32 to index
          %get3A_1245 = arith.index_cast %add3A_1243 : i32 to index
          %get3A_1246 = arith.constant 112 : index
          %get3A_1247 = tpu.vector_load %arg5[%get3A_1244, %get3A_1245, %get3A_1246] {strides = array<i32>} : memref<2x64x256xf32, #tpu.memory_space<vmem>>, vector<1x1x16xf32>,
          %get3A_1248 = vector.shape_cast %get3A_1247 : vector<1x1x16xf32> to vector<16xf32>
          %add3A_1249 = arith.constant 9 : i32
          %add3A_1250 = arith.addi %mul3A_97, %add3A_1249 : i32
          %get3A_1251 = arith.index_cast %rem3A_85 : i32 to index
          %get3A_1252 = arith.index_cast %add3A_1250 : i32 to index
          %get3A_1253 = arith.constant 112 : index
          %get3A_1254 = tpu.vector_load %arg5[%get3A_1251, %get3A_1252, %get3A_1253] {strides = array<i32>} : memref<2x64x256xf32, #tpu.memory_space<vmem>>, vector<1x1x16xf32>,
          %get3A_1255 = vector.shape_cast %get3A_1254 : vector<1x1x16xf32> to vector<16xf32>
          %add3A_1256 = arith.constant 10 : i32
          %add3A_1257 = arith.addi %mul3A_97, %add3A_1256 : i32
          %get3A_1258 = arith.index_cast %rem3A_85 : i32 to index
          %get3A_1259 = arith.index_cast %add3A_1257 : i32 to index
          %get3A_1260 = arith.constant 112 : index
          %get3A_1261 = tpu.vector_load %arg5[%get3A_1258, %get3A_1259, %get3A_1260] {strides = array<i32>} : memref<2x64x256xf32, #tpu.memory_space<vmem>>, vector<1x1x16xf32>,
          %get3A_1262 = vector.shape_cast %get3A_1261 : vector<1x1x16xf32> to vector<16xf32>
          %add3A_1263 = arith.constant 11 : i32
          %add3A_1264 = arith.addi %mul3A_97, %add3A_1263 : i32
          %get3A_1265 = arith.index_cast %rem3A_85 : i32 to index
          %get3A_1266 = arith.index_cast %add3A_1264 : i32 to index
          %get3A_1267 = arith.constant 112 : index
          %get3A_1268 = tpu.vector_load %arg5[%get3A_1265, %get3A_1266, %get3A_1267] {strides = array<i32>} : memref<2x64x256xf32, #tpu.memory_space<vmem>>, vector<1x1x16xf32>,
          %get3A_1269 = vector.shape_cast %get3A_1268 : vector<1x1x16xf32> to vector<16xf32>
          %add3A_1270 = arith.constant 12 : i32
          %add3A_1271 = arith.addi %mul3A_97, %add3A_1270 : i32
          %get3A_1272 = arith.index_cast %rem3A_85 : i32 to index
          %get3A_1273 = arith.index_cast %add3A_1271 : i32 to index
          %get3A_1274 = arith.constant 112 : index
          %get3A_1275 = tpu.vector_load %arg5[%get3A_1272, %get3A_1273, %get3A_1274] {strides = array<i32>} : memref<2x64x256xf32, #tpu.memory_space<vmem>>, vector<1x1x16xf32>,
          %get3A_1276 = vector.shape_cast %get3A_1275 : vector<1x1x16xf32> to vector<16xf32>
          %add3A_1277 = arith.constant 13 : i32
          %add3A_1278 = arith.addi %mul3A_97, %add3A_1277 : i32
          %get3A_1279 = arith.index_cast %rem3A_85 : i32 to index
          %get3A_1280 = arith.index_cast %add3A_1278 : i32 to index
          %get3A_1281 = arith.constant 112 : index
          %get3A_1282 = tpu.vector_load %arg5[%get3A_1279, %get3A_1280, %get3A_1281] {strides = array<i32>} : memref<2x64x256xf32, #tpu.memory_space<vmem>>, vector<1x1x16xf32>,
          %get3A_1283 = vector.shape_cast %get3A_1282 : vector<1x1x16xf32> to vector<16xf32>
          %add3A_1284 = arith.constant 14 : i32
          %add3A_1285 = arith.addi %mul3A_97, %add3A_1284 : i32
          %get3A_1286 = arith.index_cast %rem3A_85 : i32 to index
          %get3A_1287 = arith.index_cast %add3A_1285 : i32 to index
          %get3A_1288 = arith.constant 112 : index
          %get3A_1289 = tpu.vector_load %arg5[%get3A_1286, %get3A_1287, %get3A_1288] {strides = array<i32>} : memref<2x64x256xf32, #tpu.memory_space<vmem>>, vector<1x1x16xf32>,
          %get3A_1290 = vector.shape_cast %get3A_1289 : vector<1x1x16xf32> to vector<16xf32>
          %add3A_1291 = arith.constant 15 : i32
          %add3A_1292 = arith.addi %mul3A_97, %add3A_1291 : i32
          %get3A_1293 = arith.index_cast %rem3A_85 : i32 to index
          %get3A_1294 = arith.index_cast %add3A_1292 : i32 to index
          %get3A_1295 = arith.constant 112 : index
          %get3A_1296 = tpu.vector_load %arg5[%get3A_1293, %get3A_1294, %get3A_1295] {strides = array<i32>} : memref<2x64x256xf32, #tpu.memory_space<vmem>>, vector<1x1x16xf32>,
          %get3A_1297 = vector.shape_cast %get3A_1296 : vector<1x1x16xf32> to vector<16xf32>
          %add3A_1298 = arith.addf %get3A_1192, %get3A_1199 : vector<16xf32>
          %add3A_1299 = arith.addf %get3A_1206, %get3A_1213 : vector<16xf32>
          %add3A_1300 = arith.addf %get3A_1220, %get3A_1227 : vector<16xf32>
          %add3A_1301 = arith.addf %get3A_1234, %get3A_1241 : vector<16xf32>
          %add3A_1302 = arith.addf %get3A_1248, %get3A_1255 : vector<16xf32>
          %add3A_1303 = arith.addf %get3A_1262, %get3A_1269 : vector<16xf32>
          %add3A_1304 = arith.addf %get3A_1276, %get3A_1283 : vector<16xf32>
          %add3A_1305 = arith.addf %get3A_1290, %get3A_1297 : vector<16xf32>
          %add3A_1306 = arith.addf %add3A_1298, %add3A_1299 : vector<16xf32>
          %add3A_1307 = arith.addf %add3A_1300, %add3A_1301 : vector<16xf32>
          %add3A_1308 = arith.addf %add3A_1302, %add3A_1303 : vector<16xf32>
          %add3A_1309 = arith.addf %add3A_1304, %add3A_1305 : vector<16xf32>
          %add3A_1310 = arith.addf %add3A_1306, %add3A_1307 : vector<16xf32>
          %add3A_1311 = arith.addf %add3A_1308, %add3A_1309 : vector<16xf32>
          %add3A_1312 = arith.addf %add3A_1310, %add3A_1311 : vector<16xf32>
          %swap3A_1313 = arith.index_cast %add3A_176 : i32 to index
          %swap3A_1314 = arith.constant 112 : index
          %swap3A_1315 = tpu.vector_load %arg7[%swap3A_1313, %swap3A_1314] {strides = array<i32>} : memref<16x256xf32, #tpu.memory_space<vmem>>, vector<1x16xf32>,
          %swap3A_1316 = vector.shape_cast %swap3A_1315 : vector<1x16xf32> to vector<16xf32>
          %swap3A_1317 = vector.shape_cast %add3A_1312 : vector<16xf32> to vector<1x16xf32>
          tpu.vector_store %arg7[%swap3A_1313, %swap3A_1314], %swap3A_1317 {add = true, strides = array<i32>} : memref<16x256xf32, #tpu.memory_space<vmem>>, vector<1x16xf32>,
          %add3A_1318 = arith.constant 0 : i32
          %add3A_1319 = arith.addi %mul3A_97, %add3A_1318 : i32
          %get3A_1320 = arith.index_cast %rem3A_85 : i32 to index
          %get3A_1321 = arith.index_cast %add3A_1319 : i32 to index
          %get3A_1322 = arith.constant 128 : index
          %get3A_1323 = tpu.vector_load %arg5[%get3A_1320, %get3A_1321, %get3A_1322] {strides = array<i32>} : memref<2x64x256xf32, #tpu.memory_space<vmem>>, vector<1x1x16xf32>,
          %get3A_1324 = vector.shape_cast %get3A_1323 : vector<1x1x16xf32> to vector<16xf32>
          %add3A_1325 = arith.constant 1 : i32
          %add3A_1326 = arith.addi %mul3A_97, %add3A_1325 : i32
          %get3A_1327 = arith.index_cast %rem3A_85 : i32 to index
          %get3A_1328 = arith.index_cast %add3A_1326 : i32 to index
          %get3A_1329 = arith.constant 128 : index
          %get3A_1330 = tpu.vector_load %arg5[%get3A_1327, %get3A_1328, %get3A_1329] {strides = array<i32>} : memref<2x64x256xf32, #tpu.memory_space<vmem>>, vector<1x1x16xf32>,
          %get3A_1331 = vector.shape_cast %get3A_1330 : vector<1x1x16xf32> to vector<16xf32>
          %add3A_1332 = arith.constant 2 : i32
          %add3A_1333 = arith.addi %mul3A_97, %add3A_1332 : i32
          %get3A_1334 = arith.index_cast %rem3A_85 : i32 to index
          %get3A_1335 = arith.index_cast %add3A_1333 : i32 to index
          %get3A_1336 = arith.constant 128 : index
          %get3A_1337 = tpu.vector_load %arg5[%get3A_1334, %get3A_1335, %get3A_1336] {strides = array<i32>} : memref<2x64x256xf32, #tpu.memory_space<vmem>>, vector<1x1x16xf32>,
          %get3A_1338 = vector.shape_cast %get3A_1337 : vector<1x1x16xf32> to vector<16xf32>
          %add3A_1339 = arith.constant 3 : i32
          %add3A_1340 = arith.addi %mul3A_97, %add3A_1339 : i32
          %get3A_1341 = arith.index_cast %rem3A_85 : i32 to index
          %get3A_1342 = arith.index_cast %add3A_1340 : i32 to index
          %get3A_1343 = arith.constant 128 : index
          %get3A_1344 = tpu.vector_load %arg5[%get3A_1341, %get3A_1342, %get3A_1343] {strides = array<i32>} : memref<2x64x256xf32, #tpu.memory_space<vmem>>, vector<1x1x16xf32>,
          %get3A_1345 = vector.shape_cast %get3A_1344 : vector<1x1x16xf32> to vector<16xf32>
          %add3A_1346 = arith.constant 4 : i32
          %add3A_1347 = arith.addi %mul3A_97, %add3A_1346 : i32
          %get3A_1348 = arith.index_cast %rem3A_85 : i32 to index
          %get3A_1349 = arith.index_cast %add3A_1347 : i32 to index
          %get3A_1350 = arith.constant 128 : index
          %get3A_1351 = tpu.vector_load %arg5[%get3A_1348, %get3A_1349, %get3A_1350] {strides = array<i32>} : memref<2x64x256xf32, #tpu.memory_space<vmem>>, vector<1x1x16xf32>,
          %get3A_1352 = vector.shape_cast %get3A_1351 : vector<1x1x16xf32> to vector<16xf32>
          %add3A_1353 = arith.constant 5 : i32
          %add3A_1354 = arith.addi %mul3A_97, %add3A_1353 : i32
          %get3A_1355 = arith.index_cast %rem3A_85 : i32 to index
          %get3A_1356 = arith.index_cast %add3A_1354 : i32 to index
          %get3A_1357 = arith.constant 128 : index
          %get3A_1358 = tpu.vector_load %arg5[%get3A_1355, %get3A_1356, %get3A_1357] {strides = array<i32>} : memref<2x64x256xf32, #tpu.memory_space<vmem>>, vector<1x1x16xf32>,
          %get3A_1359 = vector.shape_cast %get3A_1358 : vector<1x1x16xf32> to vector<16xf32>
          %add3A_1360 = arith.constant 6 : i32
          %add3A_1361 = arith.addi %mul3A_97, %add3A_1360 : i32
          %get3A_1362 = arith.index_cast %rem3A_85 : i32 to index
          %get3A_1363 = arith.index_cast %add3A_1361 : i32 to index
          %get3A_1364 = arith.constant 128 : index
          %get3A_1365 = tpu.vector_load %arg5[%get3A_1362, %get3A_1363, %get3A_1364] {strides = array<i32>} : memref<2x64x256xf32, #tpu.memory_space<vmem>>, vector<1x1x16xf32>,
          %get3A_1366 = vector.shape_cast %get3A_1365 : vector<1x1x16xf32> to vector<16xf32>
          %add3A_1367 = arith.constant 7 : i32
          %add3A_1368 = arith.addi %mul3A_97, %add3A_1367 : i32
          %get3A_1369 = arith.index_cast %rem3A_85 : i32 to index
          %get3A_1370 = arith.index_cast %add3A_1368 : i32 to index
          %get3A_1371 = arith.constant 128 : index
          %get3A_1372 = tpu.vector_load %arg5[%get3A_1369, %get3A_1370, %get3A_1371] {strides = array<i32>} : memref<2x64x256xf32, #tpu.memory_space<vmem>>, vector<1x1x16xf32>,
          %get3A_1373 = vector.shape_cast %get3A_1372 : vector<1x1x16xf32> to vector<16xf32>
          %add3A_1374 = arith.constant 8 : i32
          %add3A_1375 = arith.addi %mul3A_97, %add3A_1374 : i32
          %get3A_1376 = arith.index_cast %rem3A_85 : i32 to index
          %get3A_1377 = arith.index_cast %add3A_1375 : i32 to index
          %get3A_1378 = arith.constant 128 : index
          %get3A_1379 = tpu.vector_load %arg5[%get3A_1376, %get3A_1377, %get3A_1378] {strides = array<i32>} : memref<2x64x256xf32, #tpu.memory_space<vmem>>, vector<1x1x16xf32>,
          %get3A_1380 = vector.shape_cast %get3A_1379 : vector<1x1x16xf32> to vector<16xf32>
          %add3A_1381 = arith.constant 9 : i32
          %add3A_1382 = arith.addi %mul3A_97, %add3A_1381 : i32
          %get3A_1383 = arith.index_cast %rem3A_85 : i32 to index
          %get3A_1384 = arith.index_cast %add3A_1382 : i32 to index
          %get3A_1385 = arith.constant 128 : index
          %get3A_1386 = tpu.vector_load %arg5[%get3A_1383, %get3A_1384, %get3A_1385] {strides = array<i32>} : memref<2x64x256xf32, #tpu.memory_space<vmem>>, vector<1x1x16xf32>,
          %get3A_1387 = vector.shape_cast %get3A_1386 : vector<1x1x16xf32> to vector<16xf32>
          %add3A_1388 = arith.constant 10 : i32
          %add3A_1389 = arith.addi %mul3A_97, %add3A_1388 : i32
          %get3A_1390 = arith.index_cast %rem3A_85 : i32 to index
          %get3A_1391 = arith.index_cast %add3A_1389 : i32 to index
          %get3A_1392 = arith.constant 128 : index
          %get3A_1393 = tpu.vector_load %arg5[%get3A_1390, %get3A_1391, %get3A_1392] {strides = array<i32>} : memref<2x64x256xf32, #tpu.memory_space<vmem>>, vector<1x1x16xf32>,
          %get3A_1394 = vector.shape_cast %get3A_1393 : vector<1x1x16xf32> to vector<16xf32>
          %add3A_1395 = arith.constant 11 : i32
          %add3A_1396 = arith.addi %mul3A_97, %add3A_1395 : i32
          %get3A_1397 = arith.index_cast %rem3A_85 : i32 to index
          %get3A_1398 = arith.index_cast %add3A_1396 : i32 to index
          %get3A_1399 = arith.constant 128 : index
          %get3A_1400 = tpu.vector_load %arg5[%get3A_1397, %get3A_1398, %get3A_1399] {strides = array<i32>} : memref<2x64x256xf32, #tpu.memory_space<vmem>>, vector<1x1x16xf32>,
          %get3A_1401 = vector.shape_cast %get3A_1400 : vector<1x1x16xf32> to vector<16xf32>
          %add3A_1402 = arith.constant 12 : i32
          %add3A_1403 = arith.addi %mul3A_97, %add3A_1402 : i32
          %get3A_1404 = arith.index_cast %rem3A_85 : i32 to index
          %get3A_1405 = arith.index_cast %add3A_1403 : i32 to index
          %get3A_1406 = arith.constant 128 : index
          %get3A_1407 = tpu.vector_load %arg5[%get3A_1404, %get3A_1405, %get3A_1406] {strides = array<i32>} : memref<2x64x256xf32, #tpu.memory_space<vmem>>, vector<1x1x16xf32>,
          %get3A_1408 = vector.shape_cast %get3A_1407 : vector<1x1x16xf32> to vector<16xf32>
          %add3A_1409 = arith.constant 13 : i32
          %add3A_1410 = arith.addi %mul3A_97, %add3A_1409 : i32
          %get3A_1411 = arith.index_cast %rem3A_85 : i32 to index
          %get3A_1412 = arith.index_cast %add3A_1410 : i32 to index
          %get3A_1413 = arith.constant 128 : index
          %get3A_1414 = tpu.vector_load %arg5[%get3A_1411, %get3A_1412, %get3A_1413] {strides = array<i32>} : memref<2x64x256xf32, #tpu.memory_space<vmem>>, vector<1x1x16xf32>,
          %get3A_1415 = vector.shape_cast %get3A_1414 : vector<1x1x16xf32> to vector<16xf32>
          %add3A_1416 = arith.constant 14 : i32
          %add3A_1417 = arith.addi %mul3A_97, %add3A_1416 : i32
          %get3A_1418 = arith.index_cast %rem3A_85 : i32 to index
          %get3A_1419 = arith.index_cast %add3A_1417 : i32 to index
          %get3A_1420 = arith.constant 128 : index
          %get3A_1421 = tpu.vector_load %arg5[%get3A_1418, %get3A_1419, %get3A_1420] {strides = array<i32>} : memref<2x64x256xf32, #tpu.memory_space<vmem>>, vector<1x1x16xf32>,
          %get3A_1422 = vector.shape_cast %get3A_1421 : vector<1x1x16xf32> to vector<16xf32>
          %add3A_1423 = arith.constant 15 : i32
          %add3A_1424 = arith.addi %mul3A_97, %add3A_1423 : i32
          %get3A_1425 = arith.index_cast %rem3A_85 : i32 to index
          %get3A_1426 = arith.index_cast %add3A_1424 : i32 to index
          %get3A_1427 = arith.constant 128 : index
          %get3A_1428 = tpu.vector_load %arg5[%get3A_1425, %get3A_1426, %get3A_1427] {strides = array<i32>} : memref<2x64x256xf32, #tpu.memory_space<vmem>>, vector<1x1x16xf32>,
          %get3A_1429 = vector.shape_cast %get3A_1428 : vector<1x1x16xf32> to vector<16xf32>
          %add3A_1430 = arith.addf %get3A_1324, %get3A_1331 : vector<16xf32>
          %add3A_1431 = arith.addf %get3A_1338, %get3A_1345 : vector<16xf32>
          %add3A_1432 = arith.addf %get3A_1352, %get3A_1359 : vector<16xf32>
          %add3A_1433 = arith.addf %get3A_1366, %get3A_1373 : vector<16xf32>
          %add3A_1434 = arith.addf %get3A_1380, %get3A_1387 : vector<16xf32>
          %add3A_1435 = arith.addf %get3A_1394, %get3A_1401 : vector<16xf32>
          %add3A_1436 = arith.addf %get3A_1408, %get3A_1415 : vector<16xf32>
          %add3A_1437 = arith.addf %get3A_1422, %get3A_1429 : vector<16xf32>
          %add3A_1438 = arith.addf %add3A_1430, %add3A_1431 : vector<16xf32>
          %add3A_1439 = arith.addf %add3A_1432, %add3A_1433 : vector<16xf32>
          %add3A_1440 = arith.addf %add3A_1434, %add3A_1435 : vector<16xf32>
          %add3A_1441 = arith.addf %add3A_1436, %add3A_1437 : vector<16xf32>
          %add3A_1442 = arith.addf %add3A_1438, %add3A_1439 : vector<16xf32>
          %add3A_1443 = arith.addf %add3A_1440, %add3A_1441 : vector<16xf32>
          %add3A_1444 = arith.addf %add3A_1442, %add3A_1443 : vector<16xf32>
          %swap3A_1445 = arith.index_cast %add3A_176 : i32 to index
          %swap3A_1446 = arith.constant 128 : index
          %swap3A_1447 = tpu.vector_load %arg7[%swap3A_1445, %swap3A_1446] {strides = array<i32>} : memref<16x256xf32, #tpu.memory_space<vmem>>, vector<1x16xf32>,
          %swap3A_1448 = vector.shape_cast %swap3A_1447 : vector<1x16xf32> to vector<16xf32>
          %swap3A_1449 = vector.shape_cast %add3A_1444 : vector<16xf32> to vector<1x16xf32>
          tpu.vector_store %arg7[%swap3A_1445, %swap3A_1446], %swap3A_1449 {add = true, strides = array<i32>} : memref<16x256xf32, #tpu.memory_space<vmem>>, vector<1x16xf32>,
          %add3A_1450 = arith.constant 0 : i32
          %add3A_1451 = arith.addi %mul3A_97, %add3A_1450 : i32
          %get3A_1452 = arith.index_cast %rem3A_85 : i32 to index
          %get3A_1453 = arith.index_cast %add3A_1451 : i32 to index
          %get3A_1454 = arith.constant 144 : index
          %get3A_1455 = tpu.vector_load %arg5[%get3A_1452, %get3A_1453, %get3A_1454] {strides = array<i32>} : memref<2x64x256xf32, #tpu.memory_space<vmem>>, vector<1x1x16xf32>,
          %get3A_1456 = vector.shape_cast %get3A_1455 : vector<1x1x16xf32> to vector<16xf32>
          %add3A_1457 = arith.constant 1 : i32
          %add3A_1458 = arith.addi %mul3A_97, %add3A_1457 : i32
          %get3A_1459 = arith.index_cast %rem3A_85 : i32 to index
          %get3A_1460 = arith.index_cast %add3A_1458 : i32 to index
          %get3A_1461 = arith.constant 144 : index
          %get3A_1462 = tpu.vector_load %arg5[%get3A_1459, %get3A_1460, %get3A_1461] {strides = array<i32>} : memref<2x64x256xf32, #tpu.memory_space<vmem>>, vector<1x1x16xf32>,
          %get3A_1463 = vector.shape_cast %get3A_1462 : vector<1x1x16xf32> to vector<16xf32>
          %add3A_1464 = arith.constant 2 : i32
          %add3A_1465 = arith.addi %mul3A_97, %add3A_1464 : i32
          %get3A_1466 = arith.index_cast %rem3A_85 : i32 to index
          %get3A_1467 = arith.index_cast %add3A_1465 : i32 to index
          %get3A_1468 = arith.constant 144 : index
          %get3A_1469 = tpu.vector_load %arg5[%get3A_1466, %get3A_1467, %get3A_1468] {strides = array<i32>} : memref<2x64x256xf32, #tpu.memory_space<vmem>>, vector<1x1x16xf32>,
          %get3A_1470 = vector.shape_cast %get3A_1469 : vector<1x1x16xf32> to vector<16xf32>
          %add3A_1471 = arith.constant 3 : i32
          %add3A_1472 = arith.addi %mul3A_97, %add3A_1471 : i32
          %get3A_1473 = arith.index_cast %rem3A_85 : i32 to index
          %get3A_1474 = arith.index_cast %add3A_1472 : i32 to index
          %get3A_1475 = arith.constant 144 : index
          %get3A_1476 = tpu.vector_load %arg5[%get3A_1473, %get3A_1474, %get3A_1475] {strides = array<i32>} : memref<2x64x256xf32, #tpu.memory_space<vmem>>, vector<1x1x16xf32>,
          %get3A_1477 = vector.shape_cast %get3A_1476 : vector<1x1x16xf32> to vector<16xf32>
          %add3A_1478 = arith.constant 4 : i32
          %add3A_1479 = arith.addi %mul3A_97, %add3A_1478 : i32
          %get3A_1480 = arith.index_cast %rem3A_85 : i32 to index
          %get3A_1481 = arith.index_cast %add3A_1479 : i32 to index
          %get3A_1482 = arith.constant 144 : index
          %get3A_1483 = tpu.vector_load %arg5[%get3A_1480, %get3A_1481, %get3A_1482] {strides = array<i32>} : memref<2x64x256xf32, #tpu.memory_space<vmem>>, vector<1x1x16xf32>,
          %get3A_1484 = vector.shape_cast %get3A_1483 : vector<1x1x16xf32> to vector<16xf32>
          %add3A_1485 = arith.constant 5 : i32
          %add3A_1486 = arith.addi %mul3A_97, %add3A_1485 : i32
          %get3A_1487 = arith.index_cast %rem3A_85 : i32 to index
          %get3A_1488 = arith.index_cast %add3A_1486 : i32 to index
          %get3A_1489 = arith.constant 144 : index
          %get3A_1490 = tpu.vector_load %arg5[%get3A_1487, %get3A_1488, %get3A_1489] {strides = array<i32>} : memref<2x64x256xf32, #tpu.memory_space<vmem>>, vector<1x1x16xf32>,
          %get3A_1491 = vector.shape_cast %get3A_1490 : vector<1x1x16xf32> to vector<16xf32>
          %add3A_1492 = arith.constant 6 : i32
          %add3A_1493 = arith.addi %mul3A_97, %add3A_1492 : i32
          %get3A_1494 = arith.index_cast %rem3A_85 : i32 to index
          %get3A_1495 = arith.index_cast %add3A_1493 : i32 to index
          %get3A_1496 = arith.constant 144 : index
          %get3A_1497 = tpu.vector_load %arg5[%get3A_1494, %get3A_1495, %get3A_1496] {strides = array<i32>} : memref<2x64x256xf32, #tpu.memory_space<vmem>>, vector<1x1x16xf32>,
          %get3A_1498 = vector.shape_cast %get3A_1497 : vector<1x1x16xf32> to vector<16xf32>
          %add3A_1499 = arith.constant 7 : i32
          %add3A_1500 = arith.addi %mul3A_97, %add3A_1499 : i32
          %get3A_1501 = arith.index_cast %rem3A_85 : i32 to index
          %get3A_1502 = arith.index_cast %add3A_1500 : i32 to index
          %get3A_1503 = arith.constant 144 : index
          %get3A_1504 = tpu.vector_load %arg5[%get3A_1501, %get3A_1502, %get3A_1503] {strides = array<i32>} : memref<2x64x256xf32, #tpu.memory_space<vmem>>, vector<1x1x16xf32>,
          %get3A_1505 = vector.shape_cast %get3A_1504 : vector<1x1x16xf32> to vector<16xf32>
          %add3A_1506 = arith.constant 8 : i32
          %add3A_1507 = arith.addi %mul3A_97, %add3A_1506 : i32
          %get3A_1508 = arith.index_cast %rem3A_85 : i32 to index
          %get3A_1509 = arith.index_cast %add3A_1507 : i32 to index
          %get3A_1510 = arith.constant 144 : index
          %get3A_1511 = tpu.vector_load %arg5[%get3A_1508, %get3A_1509, %get3A_1510] {strides = array<i32>} : memref<2x64x256xf32, #tpu.memory_space<vmem>>, vector<1x1x16xf32>,
          %get3A_1512 = vector.shape_cast %get3A_1511 : vector<1x1x16xf32> to vector<16xf32>
          %add3A_1513 = arith.constant 9 : i32
          %add3A_1514 = arith.addi %mul3A_97, %add3A_1513 : i32
          %get3A_1515 = arith.index_cast %rem3A_85 : i32 to index
          %get3A_1516 = arith.index_cast %add3A_1514 : i32 to index
          %get3A_1517 = arith.constant 144 : index
          %get3A_1518 = tpu.vector_load %arg5[%get3A_1515, %get3A_1516, %get3A_1517] {strides = array<i32>} : memref<2x64x256xf32, #tpu.memory_space<vmem>>, vector<1x1x16xf32>,
          %get3A_1519 = vector.shape_cast %get3A_1518 : vector<1x1x16xf32> to vector<16xf32>
          %add3A_1520 = arith.constant 10 : i32
          %add3A_1521 = arith.addi %mul3A_97, %add3A_1520 : i32
          %get3A_1522 = arith.index_cast %rem3A_85 : i32 to index
          %get3A_1523 = arith.index_cast %add3A_1521 : i32 to index
          %get3A_1524 = arith.constant 144 : index
          %get3A_1525 = tpu.vector_load %arg5[%get3A_1522, %get3A_1523, %get3A_1524] {strides = array<i32>} : memref<2x64x256xf32, #tpu.memory_space<vmem>>, vector<1x1x16xf32>,
          %get3A_1526 = vector.shape_cast %get3A_1525 : vector<1x1x16xf32> to vector<16xf32>
          %add3A_1527 = arith.constant 11 : i32
          %add3A_1528 = arith.addi %mul3A_97, %add3A_1527 : i32
          %get3A_1529 = arith.index_cast %rem3A_85 : i32 to index
          %get3A_1530 = arith.index_cast %add3A_1528 : i32 to index
          %get3A_1531 = arith.constant 144 : index
          %get3A_1532 = tpu.vector_load %arg5[%get3A_1529, %get3A_1530, %get3A_1531] {strides = array<i32>} : memref<2x64x256xf32, #tpu.memory_space<vmem>>, vector<1x1x16xf32>,
          %get3A_1533 = vector.shape_cast %get3A_1532 : vector<1x1x16xf32> to vector<16xf32>
          %add3A_1534 = arith.constant 12 : i32
          %add3A_1535 = arith.addi %mul3A_97, %add3A_1534 : i32
          %get3A_1536 = arith.index_cast %rem3A_85 : i32 to index
          %get3A_1537 = arith.index_cast %add3A_1535 : i32 to index
          %get3A_1538 = arith.constant 144 : index
          %get3A_1539 = tpu.vector_load %arg5[%get3A_1536, %get3A_1537, %get3A_1538] {strides = array<i32>} : memref<2x64x256xf32, #tpu.memory_space<vmem>>, vector<1x1x16xf32>,
          %get3A_1540 = vector.shape_cast %get3A_1539 : vector<1x1x16xf32> to vector<16xf32>
          %add3A_1541 = arith.constant 13 : i32
          %add3A_1542 = arith.addi %mul3A_97, %add3A_1541 : i32
          %get3A_1543 = arith.index_cast %rem3A_85 : i32 to index
          %get3A_1544 = arith.index_cast %add3A_1542 : i32 to index
          %get3A_1545 = arith.constant 144 : index
          %get3A_1546 = tpu.vector_load %arg5[%get3A_1543, %get3A_1544, %get3A_1545] {strides = array<i32>} : memref<2x64x256xf32, #tpu.memory_space<vmem>>, vector<1x1x16xf32>,
          %get3A_1547 = vector.shape_cast %get3A_1546 : vector<1x1x16xf32> to vector<16xf32>
          %add3A_1548 = arith.constant 14 : i32
          %add3A_1549 = arith.addi %mul3A_97, %add3A_1548 : i32
          %get3A_1550 = arith.index_cast %rem3A_85 : i32 to index
          %get3A_1551 = arith.index_cast %add3A_1549 : i32 to index
          %get3A_1552 = arith.constant 144 : index
          %get3A_1553 = tpu.vector_load %arg5[%get3A_1550, %get3A_1551, %get3A_1552] {strides = array<i32>} : memref<2x64x256xf32, #tpu.memory_space<vmem>>, vector<1x1x16xf32>,
          %get3A_1554 = vector.shape_cast %get3A_1553 : vector<1x1x16xf32> to vector<16xf32>
          %add3A_1555 = arith.constant 15 : i32
          %add3A_1556 = arith.addi %mul3A_97, %add3A_1555 : i32
          %get3A_1557 = arith.index_cast %rem3A_85 : i32 to index
          %get3A_1558 = arith.index_cast %add3A_1556 : i32 to index
          %get3A_1559 = arith.constant 144 : index
          %get3A_1560 = tpu.vector_load %arg5[%get3A_1557, %get3A_1558, %get3A_1559] {strides = array<i32>} : memref<2x64x256xf32, #tpu.memory_space<vmem>>, vector<1x1x16xf32>,
          %get3A_1561 = vector.shape_cast %get3A_1560 : vector<1x1x16xf32> to vector<16xf32>
          %add3A_1562 = arith.addf %get3A_1456, %get3A_1463 : vector<16xf32>
          %add3A_1563 = arith.addf %get3A_1470, %get3A_1477 : vector<16xf32>
          %add3A_1564 = arith.addf %get3A_1484, %get3A_1491 : vector<16xf32>
          %add3A_1565 = arith.addf %get3A_1498, %get3A_1505 : vector<16xf32>
          %add3A_1566 = arith.addf %get3A_1512, %get3A_1519 : vector<16xf32>
          %add3A_1567 = arith.addf %get3A_1526, %get3A_1533 : vector<16xf32>
          %add3A_1568 = arith.addf %get3A_1540, %get3A_1547 : vector<16xf32>
          %add3A_1569 = arith.addf %get3A_1554, %get3A_1561 : vector<16xf32>
          %add3A_1570 = arith.addf %add3A_1562, %add3A_1563 : vector<16xf32>
          %add3A_1571 = arith.addf %add3A_1564, %add3A_1565 : vector<16xf32>
          %add3A_1572 = arith.addf %add3A_1566, %add3A_1567 : vector<16xf32>
          %add3A_1573 = arith.addf %add3A_1568, %add3A_1569 : vector<16xf32>
          %add3A_1574 = arith.addf %add3A_1570, %add3A_1571 : vector<16xf32>
          %add3A_1575 = arith.addf %add3A_1572, %add3A_1573 : vector<16xf32>
          %add3A_1576 = arith.addf %add3A_1574, %add3A_1575 : vector<16xf32>
          %swap3A_1577 = arith.index_cast %add3A_176 : i32 to index
          %swap3A_1578 = arith.constant 144 : index
          %swap3A_1579 = tpu.vector_load %arg7[%swap3A_1577, %swap3A_1578] {strides = array<i32>} : memref<16x256xf32, #tpu.memory_space<vmem>>, vector<1x16xf32>,
          %swap3A_1580 = vector.shape_cast %swap3A_1579 : vector<1x16xf32> to vector<16xf32>
          %swap3A_1581 = vector.shape_cast %add3A_1576 : vector<16xf32> to vector<1x16xf32>
          tpu.vector_store %arg7[%swap3A_1577, %swap3A_1578], %swap3A_1581 {add = true, strides = array<i32>} : memref<16x256xf32, #tpu.memory_space<vmem>>, vector<1x16xf32>,
          %add3A_1582 = arith.constant 0 : i32
          %add3A_1583 = arith.addi %mul3A_97, %add3A_1582 : i32
          %get3A_1584 = arith.index_cast %rem3A_85 : i32 to index
          %get3A_1585 = arith.index_cast %add3A_1583 : i32 to index
          %get3A_1586 = arith.constant 160 : index
          %get3A_1587 = tpu.vector_load %arg5[%get3A_1584, %get3A_1585, %get3A_1586] {strides = array<i32>} : memref<2x64x256xf32, #tpu.memory_space<vmem>>, vector<1x1x16xf32>,
          %get3A_1588 = vector.shape_cast %get3A_1587 : vector<1x1x16xf32> to vector<16xf32>
          %add3A_1589 = arith.constant 1 : i32
          %add3A_1590 = arith.addi %mul3A_97, %add3A_1589 : i32
          %get3A_1591 = arith.index_cast %rem3A_85 : i32 to index
          %get3A_1592 = arith.index_cast %add3A_1590 : i32 to index
          %get3A_1593 = arith.constant 160 : index
          %get3A_1594 = tpu.vector_load %arg5[%get3A_1591, %get3A_1592, %get3A_1593] {strides = array<i32>} : memref<2x64x256xf32, #tpu.memory_space<vmem>>, vector<1x1x16xf32>,
          %get3A_1595 = vector.shape_cast %get3A_1594 : vector<1x1x16xf32> to vector<16xf32>
          %add3A_1596 = arith.constant 2 : i32
          %add3A_1597 = arith.addi %mul3A_97, %add3A_1596 : i32
          %get3A_1598 = arith.index_cast %rem3A_85 : i32 to index
          %get3A_1599 = arith.index_cast %add3A_1597 : i32 to index
          %get3A_1600 = arith.constant 160 : index
          %get3A_1601 = tpu.vector_load %arg5[%get3A_1598, %get3A_1599, %get3A_1600] {strides = array<i32>} : memref<2x64x256xf32, #tpu.memory_space<vmem>>, vector<1x1x16xf32>,
          %get3A_1602 = vector.shape_cast %get3A_1601 : vector<1x1x16xf32> to vector<16xf32>
          %add3A_1603 = arith.constant 3 : i32
          %add3A_1604 = arith.addi %mul3A_97, %add3A_1603 : i32
          %get3A_1605 = arith.index_cast %rem3A_85 : i32 to index
          %get3A_1606 = arith.index_cast %add3A_1604 : i32 to index
          %get3A_1607 = arith.constant 160 : index
          %get3A_1608 = tpu.vector_load %arg5[%get3A_1605, %get3A_1606, %get3A_1607] {strides = array<i32>} : memref<2x64x256xf32, #tpu.memory_space<vmem>>, vector<1x1x16xf32>,
          %get3A_1609 = vector.shape_cast %get3A_1608 : vector<1x1x16xf32> to vector<16xf32>
          %add3A_1610 = arith.constant 4 : i32
          %add3A_1611 = arith.addi %mul3A_97, %add3A_1610 : i32
          %get3A_1612 = arith.index_cast %rem3A_85 : i32 to index
          %get3A_1613 = arith.index_cast %add3A_1611 : i32 to index
          %get3A_1614 = arith.constant 160 : index
          %get3A_1615 = tpu.vector_load %arg5[%get3A_1612, %get3A_1613, %get3A_1614] {strides = array<i32>} : memref<2x64x256xf32, #tpu.memory_space<vmem>>, vector<1x1x16xf32>,
          %get3A_1616 = vector.shape_cast %get3A_1615 : vector<1x1x16xf32> to vector<16xf32>
          %add3A_1617 = arith.constant 5 : i32
          %add3A_1618 = arith.addi %mul3A_97, %add3A_1617 : i32
          %get3A_1619 = arith.index_cast %rem3A_85 : i32 to index
          %get3A_1620 = arith.index_cast %add3A_1618 : i32 to index
          %get3A_1621 = arith.constant 160 : index
          %get3A_1622 = tpu.vector_load %arg5[%get3A_1619, %get3A_1620, %get3A_1621] {strides = array<i32>} : memref<2x64x256xf32, #tpu.memory_space<vmem>>, vector<1x1x16xf32>,
          %get3A_1623 = vector.shape_cast %get3A_1622 : vector<1x1x16xf32> to vector<16xf32>
          %add3A_1624 = arith.constant 6 : i32
          %add3A_1625 = arith.addi %mul3A_97, %add3A_1624 : i32
          %get3A_1626 = arith.index_cast %rem3A_85 : i32 to index
          %get3A_1627 = arith.index_cast %add3A_1625 : i32 to index
          %get3A_1628 = arith.constant 160 : index
          %get3A_1629 = tpu.vector_load %arg5[%get3A_1626, %get3A_1627, %get3A_1628] {strides = array<i32>} : memref<2x64x256xf32, #tpu.memory_space<vmem>>, vector<1x1x16xf32>,
          %get3A_1630 = vector.shape_cast %get3A_1629 : vector<1x1x16xf32> to vector<16xf32>
          %add3A_1631 = arith.constant 7 : i32
          %add3A_1632 = arith.addi %mul3A_97, %add3A_1631 : i32
          %get3A_1633 = arith.index_cast %rem3A_85 : i32 to index
          %get3A_1634 = arith.index_cast %add3A_1632 : i32 to index
          %get3A_1635 = arith.constant 160 : index
          %get3A_1636 = tpu.vector_load %arg5[%get3A_1633, %get3A_1634, %get3A_1635] {strides = array<i32>} : memref<2x64x256xf32, #tpu.memory_space<vmem>>, vector<1x1x16xf32>,
          %get3A_1637 = vector.shape_cast %get3A_1636 : vector<1x1x16xf32> to vector<16xf32>
          %add3A_1638 = arith.constant 8 : i32
          %add3A_1639 = arith.addi %mul3A_97, %add3A_1638 : i32
          %get3A_1640 = arith.index_cast %rem3A_85 : i32 to index
          %get3A_1641 = arith.index_cast %add3A_1639 : i32 to index
          %get3A_1642 = arith.constant 160 : index
          %get3A_1643 = tpu.vector_load %arg5[%get3A_1640, %get3A_1641, %get3A_1642] {strides = array<i32>} : memref<2x64x256xf32, #tpu.memory_space<vmem>>, vector<1x1x16xf32>,
          %get3A_1644 = vector.shape_cast %get3A_1643 : vector<1x1x16xf32> to vector<16xf32>
          %add3A_1645 = arith.constant 9 : i32
          %add3A_1646 = arith.addi %mul3A_97, %add3A_1645 : i32
          %get3A_1647 = arith.index_cast %rem3A_85 : i32 to index
          %get3A_1648 = arith.index_cast %add3A_1646 : i32 to index
          %get3A_1649 = arith.constant 160 : index
          %get3A_1650 = tpu.vector_load %arg5[%get3A_1647, %get3A_1648, %get3A_1649] {strides = array<i32>} : memref<2x64x256xf32, #tpu.memory_space<vmem>>, vector<1x1x16xf32>,
          %get3A_1651 = vector.shape_cast %get3A_1650 : vector<1x1x16xf32> to vector<16xf32>
          %add3A_1652 = arith.constant 10 : i32
          %add3A_1653 = arith.addi %mul3A_97, %add3A_1652 : i32
          %get3A_1654 = arith.index_cast %rem3A_85 : i32 to index
          %get3A_1655 = arith.index_cast %add3A_1653 : i32 to index
          %get3A_1656 = arith.constant 160 : index
          %get3A_1657 = tpu.vector_load %arg5[%get3A_1654, %get3A_1655, %get3A_1656] {strides = array<i32>} : memref<2x64x256xf32, #tpu.memory_space<vmem>>, vector<1x1x16xf32>,
          %get3A_1658 = vector.shape_cast %get3A_1657 : vector<1x1x16xf32> to vector<16xf32>
          %add3A_1659 = arith.constant 11 : i32
          %add3A_1660 = arith.addi %mul3A_97, %add3A_1659 : i32
          %get3A_1661 = arith.index_cast %rem3A_85 : i32 to index
          %get3A_1662 = arith.index_cast %add3A_1660 : i32 to index
          %get3A_1663 = arith.constant 160 : index
          %get3A_1664 = tpu.vector_load %arg5[%get3A_1661, %get3A_1662, %get3A_1663] {strides = array<i32>} : memref<2x64x256xf32, #tpu.memory_space<vmem>>, vector<1x1x16xf32>,
          %get3A_1665 = vector.shape_cast %get3A_1664 : vector<1x1x16xf32> to vector<16xf32>
          %add3A_1666 = arith.constant 12 : i32
          %add3A_1667 = arith.addi %mul3A_97, %add3A_1666 : i32
          %get3A_1668 = arith.index_cast %rem3A_85 : i32 to index
          %get3A_1669 = arith.index_cast %add3A_1667 : i32 to index
          %get3A_1670 = arith.constant 160 : index
          %get3A_1671 = tpu.vector_load %arg5[%get3A_1668, %get3A_1669, %get3A_1670] {strides = array<i32>} : memref<2x64x256xf32, #tpu.memory_space<vmem>>, vector<1x1x16xf32>,
          %get3A_1672 = vector.shape_cast %get3A_1671 : vector<1x1x16xf32> to vector<16xf32>
          %add3A_1673 = arith.constant 13 : i32
          %add3A_1674 = arith.addi %mul3A_97, %add3A_1673 : i32
          %get3A_1675 = arith.index_cast %rem3A_85 : i32 to index
          %get3A_1676 = arith.index_cast %add3A_1674 : i32 to index
          %get3A_1677 = arith.constant 160 : index
          %get3A_1678 = tpu.vector_load %arg5[%get3A_1675, %get3A_1676, %get3A_1677] {strides = array<i32>} : memref<2x64x256xf32, #tpu.memory_space<vmem>>, vector<1x1x16xf32>,
          %get3A_1679 = vector.shape_cast %get3A_1678 : vector<1x1x16xf32> to vector<16xf32>
          %add3A_1680 = arith.constant 14 : i32
          %add3A_1681 = arith.addi %mul3A_97, %add3A_1680 : i32
          %get3A_1682 = arith.index_cast %rem3A_85 : i32 to index
          %get3A_1683 = arith.index_cast %add3A_1681 : i32 to index
          %get3A_1684 = arith.constant 160 : index
          %get3A_1685 = tpu.vector_load %arg5[%get3A_1682, %get3A_1683, %get3A_1684] {strides = array<i32>} : memref<2x64x256xf32, #tpu.memory_space<vmem>>, vector<1x1x16xf32>,
          %get3A_1686 = vector.shape_cast %get3A_1685 : vector<1x1x16xf32> to vector<16xf32>
          %add3A_1687 = arith.constant 15 : i32
          %add3A_1688 = arith.addi %mul3A_97, %add3A_1687 : i32
          %get3A_1689 = arith.index_cast %rem3A_85 : i32 to index
          %get3A_1690 = arith.index_cast %add3A_1688 : i32 to index
          %get3A_1691 = arith.constant 160 : index
          %get3A_1692 = tpu.vector_load %arg5[%get3A_1689, %get3A_1690, %get3A_1691] {strides = array<i32>} : memref<2x64x256xf32, #tpu.memory_space<vmem>>, vector<1x1x16xf32>,
          %get3A_1693 = vector.shape_cast %get3A_1692 : vector<1x1x16xf32> to vector<16xf32>
          %add3A_1694 = arith.addf %get3A_1588, %get3A_1595 : vector<16xf32>
          %add3A_1695 = arith.addf %get3A_1602, %get3A_1609 : vector<16xf32>
          %add3A_1696 = arith.addf %get3A_1616, %get3A_1623 : vector<16xf32>
          %add3A_1697 = arith.addf %get3A_1630, %get3A_1637 : vector<16xf32>
          %add3A_1698 = arith.addf %get3A_1644, %get3A_1651 : vector<16xf32>
          %add3A_1699 = arith.addf %get3A_1658, %get3A_1665 : vector<16xf32>
          %add3A_1700 = arith.addf %get3A_1672, %get3A_1679 : vector<16xf32>
          %add3A_1701 = arith.addf %get3A_1686, %get3A_1693 : vector<16xf32>
          %add3A_1702 = arith.addf %add3A_1694, %add3A_1695 : vector<16xf32>
          %add3A_1703 = arith.addf %add3A_1696, %add3A_1697 : vector<16xf32>
          %add3A_1704 = arith.addf %add3A_1698, %add3A_1699 : vector<16xf32>
          %add3A_1705 = arith.addf %add3A_1700, %add3A_1701 : vector<16xf32>
          %add3A_1706 = arith.addf %add3A_1702, %add3A_1703 : vector<16xf32>
          %add3A_1707 = arith.addf %add3A_1704, %add3A_1705 : vector<16xf32>
          %add3A_1708 = arith.addf %add3A_1706, %add3A_1707 : vector<16xf32>
          %swap3A_1709 = arith.index_cast %add3A_176 : i32 to index
          %swap3A_1710 = arith.constant 160 : index
          %swap3A_1711 = tpu.vector_load %arg7[%swap3A_1709, %swap3A_1710] {strides = array<i32>} : memref<16x256xf32, #tpu.memory_space<vmem>>, vector<1x16xf32>,
          %swap3A_1712 = vector.shape_cast %swap3A_1711 : vector<1x16xf32> to vector<16xf32>
          %swap3A_1713 = vector.shape_cast %add3A_1708 : vector<16xf32> to vector<1x16xf32>
          tpu.vector_store %arg7[%swap3A_1709, %swap3A_1710], %swap3A_1713 {add = true, strides = array<i32>} : memref<16x256xf32, #tpu.memory_space<vmem>>, vector<1x16xf32>,
          %add3A_1714 = arith.constant 0 : i32
          %add3A_1715 = arith.addi %mul3A_97, %add3A_1714 : i32
          %get3A_1716 = arith.index_cast %rem3A_85 : i32 to index
          %get3A_1717 = arith.index_cast %add3A_1715 : i32 to index
          %get3A_1718 = arith.constant 176 : index
          %get3A_1719 = tpu.vector_load %arg5[%get3A_1716, %get3A_1717, %get3A_1718] {strides = array<i32>} : memref<2x64x256xf32, #tpu.memory_space<vmem>>, vector<1x1x16xf32>,
          %get3A_1720 = vector.shape_cast %get3A_1719 : vector<1x1x16xf32> to vector<16xf32>
          %add3A_1721 = arith.constant 1 : i32
          %add3A_1722 = arith.addi %mul3A_97, %add3A_1721 : i32
          %get3A_1723 = arith.index_cast %rem3A_85 : i32 to index
          %get3A_1724 = arith.index_cast %add3A_1722 : i32 to index
          %get3A_1725 = arith.constant 176 : index
          %get3A_1726 = tpu.vector_load %arg5[%get3A_1723, %get3A_1724, %get3A_1725] {strides = array<i32>} : memref<2x64x256xf32, #tpu.memory_space<vmem>>, vector<1x1x16xf32>,
          %get3A_1727 = vector.shape_cast %get3A_1726 : vector<1x1x16xf32> to vector<16xf32>
          %add3A_1728 = arith.constant 2 : i32
          %add3A_1729 = arith.addi %mul3A_97, %add3A_1728 : i32
          %get3A_1730 = arith.index_cast %rem3A_85 : i32 to index
          %get3A_1731 = arith.index_cast %add3A_1729 : i32 to index
          %get3A_1732 = arith.constant 176 : index
          %get3A_1733 = tpu.vector_load %arg5[%get3A_1730, %get3A_1731, %get3A_1732] {strides = array<i32>} : memref<2x64x256xf32, #tpu.memory_space<vmem>>, vector<1x1x16xf32>,
          %get3A_1734 = vector.shape_cast %get3A_1733 : vector<1x1x16xf32> to vector<16xf32>
          %add3A_1735 = arith.constant 3 : i32
          %add3A_1736 = arith.addi %mul3A_97, %add3A_1735 : i32
          %get3A_1737 = arith.index_cast %rem3A_85 : i32 to index
          %get3A_1738 = arith.index_cast %add3A_1736 : i32 to index
          %get3A_1739 = arith.constant 176 : index
          %get3A_1740 = tpu.vector_load %arg5[%get3A_1737, %get3A_1738, %get3A_1739] {strides = array<i32>} : memref<2x64x256xf32, #tpu.memory_space<vmem>>, vector<1x1x16xf32>,
          %get3A_1741 = vector.shape_cast %get3A_1740 : vector<1x1x16xf32> to vector<16xf32>
          %add3A_1742 = arith.constant 4 : i32
          %add3A_1743 = arith.addi %mul3A_97, %add3A_1742 : i32
          %get3A_1744 = arith.index_cast %rem3A_85 : i32 to index
          %get3A_1745 = arith.index_cast %add3A_1743 : i32 to index
          %get3A_1746 = arith.constant 176 : index
          %get3A_1747 = tpu.vector_load %arg5[%get3A_1744, %get3A_1745, %get3A_1746] {strides = array<i32>} : memref<2x64x256xf32, #tpu.memory_space<vmem>>, vector<1x1x16xf32>,
          %get3A_1748 = vector.shape_cast %get3A_1747 : vector<1x1x16xf32> to vector<16xf32>
          %add3A_1749 = arith.constant 5 : i32
          %add3A_1750 = arith.addi %mul3A_97, %add3A_1749 : i32
          %get3A_1751 = arith.index_cast %rem3A_85 : i32 to index
          %get3A_1752 = arith.index_cast %add3A_1750 : i32 to index
          %get3A_1753 = arith.constant 176 : index
          %get3A_1754 = tpu.vector_load %arg5[%get3A_1751, %get3A_1752, %get3A_1753] {strides = array<i32>} : memref<2x64x256xf32, #tpu.memory_space<vmem>>, vector<1x1x16xf32>,
          %get3A_1755 = vector.shape_cast %get3A_1754 : vector<1x1x16xf32> to vector<16xf32>
          %add3A_1756 = arith.constant 6 : i32
          %add3A_1757 = arith.addi %mul3A_97, %add3A_1756 : i32
          %get3A_1758 = arith.index_cast %rem3A_85 : i32 to index
          %get3A_1759 = arith.index_cast %add3A_1757 : i32 to index
          %get3A_1760 = arith.constant 176 : index
          %get3A_1761 = tpu.vector_load %arg5[%get3A_1758, %get3A_1759, %get3A_1760] {strides = array<i32>} : memref<2x64x256xf32, #tpu.memory_space<vmem>>, vector<1x1x16xf32>,
          %get3A_1762 = vector.shape_cast %get3A_1761 : vector<1x1x16xf32> to vector<16xf32>
          %add3A_1763 = arith.constant 7 : i32
          %add3A_1764 = arith.addi %mul3A_97, %add3A_1763 : i32
          %get3A_1765 = arith.index_cast %rem3A_85 : i32 to index
          %get3A_1766 = arith.index_cast %add3A_1764 : i32 to index
          %get3A_1767 = arith.constant 176 : index
          %get3A_1768 = tpu.vector_load %arg5[%get3A_1765, %get3A_1766, %get3A_1767] {strides = array<i32>} : memref<2x64x256xf32, #tpu.memory_space<vmem>>, vector<1x1x16xf32>,
          %get3A_1769 = vector.shape_cast %get3A_1768 : vector<1x1x16xf32> to vector<16xf32>
          %add3A_1770 = arith.constant 8 : i32
          %add3A_1771 = arith.addi %mul3A_97, %add3A_1770 : i32
          %get3A_1772 = arith.index_cast %rem3A_85 : i32 to index
          %get3A_1773 = arith.index_cast %add3A_1771 : i32 to index
          %get3A_1774 = arith.constant 176 : index
          %get3A_1775 = tpu.vector_load %arg5[%get3A_1772, %get3A_1773, %get3A_1774] {strides = array<i32>} : memref<2x64x256xf32, #tpu.memory_space<vmem>>, vector<1x1x16xf32>,
          %get3A_1776 = vector.shape_cast %get3A_1775 : vector<1x1x16xf32> to vector<16xf32>
          %add3A_1777 = arith.constant 9 : i32
          %add3A_1778 = arith.addi %mul3A_97, %add3A_1777 : i32
          %get3A_1779 = arith.index_cast %rem3A_85 : i32 to index
          %get3A_1780 = arith.index_cast %add3A_1778 : i32 to index
          %get3A_1781 = arith.constant 176 : index
          %get3A_1782 = tpu.vector_load %arg5[%get3A_1779, %get3A_1780, %get3A_1781] {strides = array<i32>} : memref<2x64x256xf32, #tpu.memory_space<vmem>>, vector<1x1x16xf32>,
          %get3A_1783 = vector.shape_cast %get3A_1782 : vector<1x1x16xf32> to vector<16xf32>
          %add3A_1784 = arith.constant 10 : i32
          %add3A_1785 = arith.addi %mul3A_97, %add3A_1784 : i32
          %get3A_1786 = arith.index_cast %rem3A_85 : i32 to index
          %get3A_1787 = arith.index_cast %add3A_1785 : i32 to index
          %get3A_1788 = arith.constant 176 : index
          %get3A_1789 = tpu.vector_load %arg5[%get3A_1786, %get3A_1787, %get3A_1788] {strides = array<i32>} : memref<2x64x256xf32, #tpu.memory_space<vmem>>, vector<1x1x16xf32>,
          %get3A_1790 = vector.shape_cast %get3A_1789 : vector<1x1x16xf32> to vector<16xf32>
          %add3A_1791 = arith.constant 11 : i32
          %add3A_1792 = arith.addi %mul3A_97, %add3A_1791 : i32
          %get3A_1793 = arith.index_cast %rem3A_85 : i32 to index
          %get3A_1794 = arith.index_cast %add3A_1792 : i32 to index
          %get3A_1795 = arith.constant 176 : index
          %get3A_1796 = tpu.vector_load %arg5[%get3A_1793, %get3A_1794, %get3A_1795] {strides = array<i32>} : memref<2x64x256xf32, #tpu.memory_space<vmem>>, vector<1x1x16xf32>,
          %get3A_1797 = vector.shape_cast %get3A_1796 : vector<1x1x16xf32> to vector<16xf32>
          %add3A_1798 = arith.constant 12 : i32
          %add3A_1799 = arith.addi %mul3A_97, %add3A_1798 : i32
          %get3A_1800 = arith.index_cast %rem3A_85 : i32 to index
          %get3A_1801 = arith.index_cast %add3A_1799 : i32 to index
          %get3A_1802 = arith.constant 176 : index
          %get3A_1803 = tpu.vector_load %arg5[%get3A_1800, %get3A_1801, %get3A_1802] {strides = array<i32>} : memref<2x64x256xf32, #tpu.memory_space<vmem>>, vector<1x1x16xf32>,
          %get3A_1804 = vector.shape_cast %get3A_1803 : vector<1x1x16xf32> to vector<16xf32>
          %add3A_1805 = arith.constant 13 : i32
          %add3A_1806 = arith.addi %mul3A_97, %add3A_1805 : i32
          %get3A_1807 = arith.index_cast %rem3A_85 : i32 to index
          %get3A_1808 = arith.index_cast %add3A_1806 : i32 to index
          %get3A_1809 = arith.constant 176 : index
          %get3A_1810 = tpu.vector_load %arg5[%get3A_1807, %get3A_1808, %get3A_1809] {strides = array<i32>} : memref<2x64x256xf32, #tpu.memory_space<vmem>>, vector<1x1x16xf32>,
          %get3A_1811 = vector.shape_cast %get3A_1810 : vector<1x1x16xf32> to vector<16xf32>
          %add3A_1812 = arith.constant 14 : i32
          %add3A_1813 = arith.addi %mul3A_97, %add3A_1812 : i32
          %get3A_1814 = arith.index_cast %rem3A_85 : i32 to index
          %get3A_1815 = arith.index_cast %add3A_1813 : i32 to index
          %get3A_1816 = arith.constant 176 : index
          %get3A_1817 = tpu.vector_load %arg5[%get3A_1814, %get3A_1815, %get3A_1816] {strides = array<i32>} : memref<2x64x256xf32, #tpu.memory_space<vmem>>, vector<1x1x16xf32>,
          %get3A_1818 = vector.shape_cast %get3A_1817 : vector<1x1x16xf32> to vector<16xf32>
          %add3A_1819 = arith.constant 15 : i32
          %add3A_1820 = arith.addi %mul3A_97, %add3A_1819 : i32
          %get3A_1821 = arith.index_cast %rem3A_85 : i32 to index
          %get3A_1822 = arith.index_cast %add3A_1820 : i32 to index
          %get3A_1823 = arith.constant 176 : index
          %get3A_1824 = tpu.vector_load %arg5[%get3A_1821, %get3A_1822, %get3A_1823] {strides = array<i32>} : memref<2x64x256xf32, #tpu.memory_space<vmem>>, vector<1x1x16xf32>,
          %get3A_1825 = vector.shape_cast %get3A_1824 : vector<1x1x16xf32> to vector<16xf32>
          %add3A_1826 = arith.addf %get3A_1720, %get3A_1727 : vector<16xf32>
          %add3A_1827 = arith.addf %get3A_1734, %get3A_1741 : vector<16xf32>
          %add3A_1828 = arith.addf %get3A_1748, %get3A_1755 : vector<16xf32>
          %add3A_1829 = arith.addf %get3A_1762, %get3A_1769 : vector<16xf32>
          %add3A_1830 = arith.addf %get3A_1776, %get3A_1783 : vector<16xf32>
          %add3A_1831 = arith.addf %get3A_1790, %get3A_1797 : vector<16xf32>
          %add3A_1832 = arith.addf %get3A_1804, %get3A_1811 : vector<16xf32>
          %add3A_1833 = arith.addf %get3A_1818, %get3A_1825 : vector<16xf32>
          %add3A_1834 = arith.addf %add3A_1826, %add3A_1827 : vector<16xf32>
          %add3A_1835 = arith.addf %add3A_1828, %add3A_1829 : vector<16xf32>
          %add3A_1836 = arith.addf %add3A_1830, %add3A_1831 : vector<16xf32>
          %add3A_1837 = arith.addf %add3A_1832, %add3A_1833 : vector<16xf32>
          %add3A_1838 = arith.addf %add3A_1834, %add3A_1835 : vector<16xf32>
          %add3A_1839 = arith.addf %add3A_1836, %add3A_1837 : vector<16xf32>
          %add3A_1840 = arith.addf %add3A_1838, %add3A_1839 : vector<16xf32>
          %swap3A_1841 = arith.index_cast %add3A_176 : i32 to index
          %swap3A_1842 = arith.constant 176 : index
          %swap3A_1843 = tpu.vector_load %arg7[%swap3A_1841, %swap3A_1842] {strides = array<i32>} : memref<16x256xf32, #tpu.memory_space<vmem>>, vector<1x16xf32>,
          %swap3A_1844 = vector.shape_cast %swap3A_1843 : vector<1x16xf32> to vector<16xf32>
          %swap3A_1845 = vector.shape_cast %add3A_1840 : vector<16xf32> to vector<1x16xf32>
          tpu.vector_store %arg7[%swap3A_1841, %swap3A_1842], %swap3A_1845 {add = true, strides = array<i32>} : memref<16x256xf32, #tpu.memory_space<vmem>>, vector<1x16xf32>,
          %add3A_1846 = arith.constant 0 : i32
          %add3A_1847 = arith.addi %mul3A_97, %add3A_1846 : i32
          %get3A_1848 = arith.index_cast %rem3A_85 : i32 to index
          %get3A_1849 = arith.index_cast %add3A_1847 : i32 to index
          %get3A_1850 = arith.constant 192 : index
          %get3A_1851 = tpu.vector_load %arg5[%get3A_1848, %get3A_1849, %get3A_1850] {strides = array<i32>} : memref<2x64x256xf32, #tpu.memory_space<vmem>>, vector<1x1x16xf32>,
          %get3A_1852 = vector.shape_cast %get3A_1851 : vector<1x1x16xf32> to vector<16xf32>
          %add3A_1853 = arith.constant 1 : i32
          %add3A_1854 = arith.addi %mul3A_97, %add3A_1853 : i32
          %get3A_1855 = arith.index_cast %rem3A_85 : i32 to index
          %get3A_1856 = arith.index_cast %add3A_1854 : i32 to index
          %get3A_1857 = arith.constant 192 : index
          %get3A_1858 = tpu.vector_load %arg5[%get3A_1855, %get3A_1856, %get3A_1857] {strides = array<i32>} : memref<2x64x256xf32, #tpu.memory_space<vmem>>, vector<1x1x16xf32>,
          %get3A_1859 = vector.shape_cast %get3A_1858 : vector<1x1x16xf32> to vector<16xf32>
          %add3A_1860 = arith.constant 2 : i32
          %add3A_1861 = arith.addi %mul3A_97, %add3A_1860 : i32
          %get3A_1862 = arith.index_cast %rem3A_85 : i32 to index
          %get3A_1863 = arith.index_cast %add3A_1861 : i32 to index
          %get3A_1864 = arith.constant 192 : index
          %get3A_1865 = tpu.vector_load %arg5[%get3A_1862, %get3A_1863, %get3A_1864] {strides = array<i32>} : memref<2x64x256xf32, #tpu.memory_space<vmem>>, vector<1x1x16xf32>,
          %get3A_1866 = vector.shape_cast %get3A_1865 : vector<1x1x16xf32> to vector<16xf32>
          %add3A_1867 = arith.constant 3 : i32
          %add3A_1868 = arith.addi %mul3A_97, %add3A_1867 : i32
          %get3A_1869 = arith.index_cast %rem3A_85 : i32 to index
          %get3A_1870 = arith.index_cast %add3A_1868 : i32 to index
          %get3A_1871 = arith.constant 192 : index
          %get3A_1872 = tpu.vector_load %arg5[%get3A_1869, %get3A_1870, %get3A_1871] {strides = array<i32>} : memref<2x64x256xf32, #tpu.memory_space<vmem>>, vector<1x1x16xf32>,
          %get3A_1873 = vector.shape_cast %get3A_1872 : vector<1x1x16xf32> to vector<16xf32>
          %add3A_1874 = arith.constant 4 : i32
          %add3A_1875 = arith.addi %mul3A_97, %add3A_1874 : i32
          %get3A_1876 = arith.index_cast %rem3A_85 : i32 to index
          %get3A_1877 = arith.index_cast %add3A_1875 : i32 to index
          %get3A_1878 = arith.constant 192 : index
          %get3A_1879 = tpu.vector_load %arg5[%get3A_1876, %get3A_1877, %get3A_1878] {strides = array<i32>} : memref<2x64x256xf32, #tpu.memory_space<vmem>>, vector<1x1x16xf32>,
          %get3A_1880 = vector.shape_cast %get3A_1879 : vector<1x1x16xf32> to vector<16xf32>
          %add3A_1881 = arith.constant 5 : i32
          %add3A_1882 = arith.addi %mul3A_97, %add3A_1881 : i32
          %get3A_1883 = arith.index_cast %rem3A_85 : i32 to index
          %get3A_1884 = arith.index_cast %add3A_1882 : i32 to index
          %get3A_1885 = arith.constant 192 : index
          %get3A_1886 = tpu.vector_load %arg5[%get3A_1883, %get3A_1884, %get3A_1885] {strides = array<i32>} : memref<2x64x256xf32, #tpu.memory_space<vmem>>, vector<1x1x16xf32>,
          %get3A_1887 = vector.shape_cast %get3A_1886 : vector<1x1x16xf32> to vector<16xf32>
          %add3A_1888 = arith.constant 6 : i32
          %add3A_1889 = arith.addi %mul3A_97, %add3A_1888 : i32
          %get3A_1890 = arith.index_cast %rem3A_85 : i32 to index
          %get3A_1891 = arith.index_cast %add3A_1889 : i32 to index
          %get3A_1892 = arith.constant 192 : index
          %get3A_1893 = tpu.vector_load %arg5[%get3A_1890, %get3A_1891, %get3A_1892] {strides = array<i32>} : memref<2x64x256xf32, #tpu.memory_space<vmem>>, vector<1x1x16xf32>,
          %get3A_1894 = vector.shape_cast %get3A_1893 : vector<1x1x16xf32> to vector<16xf32>
          %add3A_1895 = arith.constant 7 : i32
          %add3A_1896 = arith.addi %mul3A_97, %add3A_1895 : i32
          %get3A_1897 = arith.index_cast %rem3A_85 : i32 to index
          %get3A_1898 = arith.index_cast %add3A_1896 : i32 to index
          %get3A_1899 = arith.constant 192 : index
          %get3A_1900 = tpu.vector_load %arg5[%get3A_1897, %get3A_1898, %get3A_1899] {strides = array<i32>} : memref<2x64x256xf32, #tpu.memory_space<vmem>>, vector<1x1x16xf32>,
          %get3A_1901 = vector.shape_cast %get3A_1900 : vector<1x1x16xf32> to vector<16xf32>
          %add3A_1902 = arith.constant 8 : i32
          %add3A_1903 = arith.addi %mul3A_97, %add3A_1902 : i32
          %get3A_1904 = arith.index_cast %rem3A_85 : i32 to index
          %get3A_1905 = arith.index_cast %add3A_1903 : i32 to index
          %get3A_1906 = arith.constant 192 : index
          %get3A_1907 = tpu.vector_load %arg5[%get3A_1904, %get3A_1905, %get3A_1906] {strides = array<i32>} : memref<2x64x256xf32, #tpu.memory_space<vmem>>, vector<1x1x16xf32>,
          %get3A_1908 = vector.shape_cast %get3A_1907 : vector<1x1x16xf32> to vector<16xf32>
          %add3A_1909 = arith.constant 9 : i32
          %add3A_1910 = arith.addi %mul3A_97, %add3A_1909 : i32
          %get3A_1911 = arith.index_cast %rem3A_85 : i32 to index
          %get3A_1912 = arith.index_cast %add3A_1910 : i32 to index
          %get3A_1913 = arith.constant 192 : index
          %get3A_1914 = tpu.vector_load %arg5[%get3A_1911, %get3A_1912, %get3A_1913] {strides = array<i32>} : memref<2x64x256xf32, #tpu.memory_space<vmem>>, vector<1x1x16xf32>,
          %get3A_1915 = vector.shape_cast %get3A_1914 : vector<1x1x16xf32> to vector<16xf32>
          %add3A_1916 = arith.constant 10 : i32
          %add3A_1917 = arith.addi %mul3A_97, %add3A_1916 : i32
          %get3A_1918 = arith.index_cast %rem3A_85 : i32 to index
          %get3A_1919 = arith.index_cast %add3A_1917 : i32 to index
          %get3A_1920 = arith.constant 192 : index
          %get3A_1921 = tpu.vector_load %arg5[%get3A_1918, %get3A_1919, %get3A_1920] {strides = array<i32>} : memref<2x64x256xf32, #tpu.memory_space<vmem>>, vector<1x1x16xf32>,
          %get3A_1922 = vector.shape_cast %get3A_1921 : vector<1x1x16xf32> to vector<16xf32>
          %add3A_1923 = arith.constant 11 : i32
          %add3A_1924 = arith.addi %mul3A_97, %add3A_1923 : i32
          %get3A_1925 = arith.index_cast %rem3A_85 : i32 to index
          %get3A_1926 = arith.index_cast %add3A_1924 : i32 to index
          %get3A_1927 = arith.constant 192 : index
          %get3A_1928 = tpu.vector_load %arg5[%get3A_1925, %get3A_1926, %get3A_1927] {strides = array<i32>} : memref<2x64x256xf32, #tpu.memory_space<vmem>>, vector<1x1x16xf32>,
          %get3A_1929 = vector.shape_cast %get3A_1928 : vector<1x1x16xf32> to vector<16xf32>
          %add3A_1930 = arith.constant 12 : i32
          %add3A_1931 = arith.addi %mul3A_97, %add3A_1930 : i32
          %get3A_1932 = arith.index_cast %rem3A_85 : i32 to index
          %get3A_1933 = arith.index_cast %add3A_1931 : i32 to index
          %get3A_1934 = arith.constant 192 : index
          %get3A_1935 = tpu.vector_load %arg5[%get3A_1932, %get3A_1933, %get3A_1934] {strides = array<i32>} : memref<2x64x256xf32, #tpu.memory_space<vmem>>, vector<1x1x16xf32>,
          %get3A_1936 = vector.shape_cast %get3A_1935 : vector<1x1x16xf32> to vector<16xf32>
          %add3A_1937 = arith.constant 13 : i32
          %add3A_1938 = arith.addi %mul3A_97, %add3A_1937 : i32
          %get3A_1939 = arith.index_cast %rem3A_85 : i32 to index
          %get3A_1940 = arith.index_cast %add3A_1938 : i32 to index
          %get3A_1941 = arith.constant 192 : index
          %get3A_1942 = tpu.vector_load %arg5[%get3A_1939, %get3A_1940, %get3A_1941] {strides = array<i32>} : memref<2x64x256xf32, #tpu.memory_space<vmem>>, vector<1x1x16xf32>,
          %get3A_1943 = vector.shape_cast %get3A_1942 : vector<1x1x16xf32> to vector<16xf32>
          %add3A_1944 = arith.constant 14 : i32
          %add3A_1945 = arith.addi %mul3A_97, %add3A_1944 : i32
          %get3A_1946 = arith.index_cast %rem3A_85 : i32 to index
          %get3A_1947 = arith.index_cast %add3A_1945 : i32 to index
          %get3A_1948 = arith.constant 192 : index
          %get3A_1949 = tpu.vector_load %arg5[%get3A_1946, %get3A_1947, %get3A_1948] {strides = array<i32>} : memref<2x64x256xf32, #tpu.memory_space<vmem>>, vector<1x1x16xf32>,
          %get3A_1950 = vector.shape_cast %get3A_1949 : vector<1x1x16xf32> to vector<16xf32>
          %add3A_1951 = arith.constant 15 : i32
          %add3A_1952 = arith.addi %mul3A_97, %add3A_1951 : i32
          %get3A_1953 = arith.index_cast %rem3A_85 : i32 to index
          %get3A_1954 = arith.index_cast %add3A_1952 : i32 to index
          %get3A_1955 = arith.constant 192 : index
          %get3A_1956 = tpu.vector_load %arg5[%get3A_1953, %get3A_1954, %get3A_1955] {strides = array<i32>} : memref<2x64x256xf32, #tpu.memory_space<vmem>>, vector<1x1x16xf32>,
          %get3A_1957 = vector.shape_cast %get3A_1956 : vector<1x1x16xf32> to vector<16xf32>
          %add3A_1958 = arith.addf %get3A_1852, %get3A_1859 : vector<16xf32>
          %add3A_1959 = arith.addf %get3A_1866, %get3A_1873 : vector<16xf32>
          %add3A_1960 = arith.addf %get3A_1880, %get3A_1887 : vector<16xf32>
          %add3A_1961 = arith.addf %get3A_1894, %get3A_1901 : vector<16xf32>
          %add3A_1962 = arith.addf %get3A_1908, %get3A_1915 : vector<16xf32>
          %add3A_1963 = arith.addf %get3A_1922, %get3A_1929 : vector<16xf32>
          %add3A_1964 = arith.addf %get3A_1936, %get3A_1943 : vector<16xf32>
          %add3A_1965 = arith.addf %get3A_1950, %get3A_1957 : vector<16xf32>
          %add3A_1966 = arith.addf %add3A_1958, %add3A_1959 : vector<16xf32>
          %add3A_1967 = arith.addf %add3A_1960, %add3A_1961 : vector<16xf32>
          %add3A_1968 = arith.addf %add3A_1962, %add3A_1963 : vector<16xf32>
          %add3A_1969 = arith.addf %add3A_1964, %add3A_1965 : vector<16xf32>
          %add3A_1970 = arith.addf %add3A_1966, %add3A_1967 : vector<16xf32>
          %add3A_1971 = arith.addf %add3A_1968, %add3A_1969 : vector<16xf32>
          %add3A_1972 = arith.addf %add3A_1970, %add3A_1971 : vector<16xf32>
          %swap3A_1973 = arith.index_cast %add3A_176 : i32 to index
          %swap3A_1974 = arith.constant 192 : index
          %swap3A_1975 = tpu.vector_load %arg7[%swap3A_1973, %swap3A_1974] {strides = array<i32>} : memref<16x256xf32, #tpu.memory_space<vmem>>, vector<1x16xf32>,
          %swap3A_1976 = vector.shape_cast %swap3A_1975 : vector<1x16xf32> to vector<16xf32>
          %swap3A_1977 = vector.shape_cast %add3A_1972 : vector<16xf32> to vector<1x16xf32>
          tpu.vector_store %arg7[%swap3A_1973, %swap3A_1974], %swap3A_1977 {add = true, strides = array<i32>} : memref<16x256xf32, #tpu.memory_space<vmem>>, vector<1x16xf32>,
          %add3A_1978 = arith.constant 0 : i32
          %add3A_1979 = arith.addi %mul3A_97, %add3A_1978 : i32
          %get3A_1980 = arith.index_cast %rem3A_85 : i32 to index
          %get3A_1981 = arith.index_cast %add3A_1979 : i32 to index
          %get3A_1982 = arith.constant 208 : index
          %get3A_1983 = tpu.vector_load %arg5[%get3A_1980, %get3A_1981, %get3A_1982] {strides = array<i32>} : memref<2x64x256xf32, #tpu.memory_space<vmem>>, vector<1x1x16xf32>,
          %get3A_1984 = vector.shape_cast %get3A_1983 : vector<1x1x16xf32> to vector<16xf32>
          %add3A_1985 = arith.constant 1 : i32
          %add3A_1986 = arith.addi %mul3A_97, %add3A_1985 : i32
          %get3A_1987 = arith.index_cast %rem3A_85 : i32 to index
          %get3A_1988 = arith.index_cast %add3A_1986 : i32 to index
          %get3A_1989 = arith.constant 208 : index
          %get3A_1990 = tpu.vector_load %arg5[%get3A_1987, %get3A_1988, %get3A_1989] {strides = array<i32>} : memref<2x64x256xf32, #tpu.memory_space<vmem>>, vector<1x1x16xf32>,
          %get3A_1991 = vector.shape_cast %get3A_1990 : vector<1x1x16xf32> to vector<16xf32>
          %add3A_1992 = arith.constant 2 : i32
          %add3A_1993 = arith.addi %mul3A_97, %add3A_1992 : i32
          %get3A_1994 = arith.index_cast %rem3A_85 : i32 to index
          %get3A_1995 = arith.index_cast %add3A_1993 : i32 to index
          %get3A_1996 = arith.constant 208 : index
          %get3A_1997 = tpu.vector_load %arg5[%get3A_1994, %get3A_1995, %get3A_1996] {strides = array<i32>} : memref<2x64x256xf32, #tpu.memory_space<vmem>>, vector<1x1x16xf32>,
          %get3A_1998 = vector.shape_cast %get3A_1997 : vector<1x1x16xf32> to vector<16xf32>
          %add3A_1999 = arith.constant 3 : i32
          %add3A_2000 = arith.addi %mul3A_97, %add3A_1999 : i32
          %get3A_2001 = arith.index_cast %rem3A_85 : i32 to index
          %get3A_2002 = arith.index_cast %add3A_2000 : i32 to index
          %get3A_2003 = arith.constant 208 : index
          %get3A_2004 = tpu.vector_load %arg5[%get3A_2001, %get3A_2002, %get3A_2003] {strides = array<i32>} : memref<2x64x256xf32, #tpu.memory_space<vmem>>, vector<1x1x16xf32>,
          %get3A_2005 = vector.shape_cast %get3A_2004 : vector<1x1x16xf32> to vector<16xf32>
          %add3A_2006 = arith.constant 4 : i32
          %add3A_2007 = arith.addi %mul3A_97, %add3A_2006 : i32
          %get3A_2008 = arith.index_cast %rem3A_85 : i32 to index
          %get3A_2009 = arith.index_cast %add3A_2007 : i32 to index
          %get3A_2010 = arith.constant 208 : index
          %get3A_2011 = tpu.vector_load %arg5[%get3A_2008, %get3A_2009, %get3A_2010] {strides = array<i32>} : memref<2x64x256xf32, #tpu.memory_space<vmem>>, vector<1x1x16xf32>,
          %get3A_2012 = vector.shape_cast %get3A_2011 : vector<1x1x16xf32> to vector<16xf32>
          %add3A_2013 = arith.constant 5 : i32
          %add3A_2014 = arith.addi %mul3A_97, %add3A_2013 : i32
          %get3A_2015 = arith.index_cast %rem3A_85 : i32 to index
          %get3A_2016 = arith.index_cast %add3A_2014 : i32 to index
          %get3A_2017 = arith.constant 208 : index
          %get3A_2018 = tpu.vector_load %arg5[%get3A_2015, %get3A_2016, %get3A_2017] {strides = array<i32>} : memref<2x64x256xf32, #tpu.memory_space<vmem>>, vector<1x1x16xf32>,
          %get3A_2019 = vector.shape_cast %get3A_2018 : vector<1x1x16xf32> to vector<16xf32>
          %add3A_2020 = arith.constant 6 : i32
          %add3A_2021 = arith.addi %mul3A_97, %add3A_2020 : i32
          %get3A_2022 = arith.index_cast %rem3A_85 : i32 to index
          %get3A_2023 = arith.index_cast %add3A_2021 : i32 to index
          %get3A_2024 = arith.constant 208 : index
          %get3A_2025 = tpu.vector_load %arg5[%get3A_2022, %get3A_2023, %get3A_2024] {strides = array<i32>} : memref<2x64x256xf32, #tpu.memory_space<vmem>>, vector<1x1x16xf32>,
          %get3A_2026 = vector.shape_cast %get3A_2025 : vector<1x1x16xf32> to vector<16xf32>
          %add3A_2027 = arith.constant 7 : i32
          %add3A_2028 = arith.addi %mul3A_97, %add3A_2027 : i32
          %get3A_2029 = arith.index_cast %rem3A_85 : i32 to index
          %get3A_2030 = arith.index_cast %add3A_2028 : i32 to index
          %get3A_2031 = arith.constant 208 : index
          %get3A_2032 = tpu.vector_load %arg5[%get3A_2029, %get3A_2030, %get3A_2031] {strides = array<i32>} : memref<2x64x256xf32, #tpu.memory_space<vmem>>, vector<1x1x16xf32>,
          %get3A_2033 = vector.shape_cast %get3A_2032 : vector<1x1x16xf32> to vector<16xf32>
          %add3A_2034 = arith.constant 8 : i32
          %add3A_2035 = arith.addi %mul3A_97, %add3A_2034 : i32
          %get3A_2036 = arith.index_cast %rem3A_85 : i32 to index
          %get3A_2037 = arith.index_cast %add3A_2035 : i32 to index
          %get3A_2038 = arith.constant 208 : index
          %get3A_2039 = tpu.vector_load %arg5[%get3A_2036, %get3A_2037, %get3A_2038] {strides = array<i32>} : memref<2x64x256xf32, #tpu.memory_space<vmem>>, vector<1x1x16xf32>,
          %get3A_2040 = vector.shape_cast %get3A_2039 : vector<1x1x16xf32> to vector<16xf32>
          %add3A_2041 = arith.constant 9 : i32
          %add3A_2042 = arith.addi %mul3A_97, %add3A_2041 : i32
          %get3A_2043 = arith.index_cast %rem3A_85 : i32 to index
          %get3A_2044 = arith.index_cast %add3A_2042 : i32 to index
          %get3A_2045 = arith.constant 208 : index
          %get3A_2046 = tpu.vector_load %arg5[%get3A_2043, %get3A_2044, %get3A_2045] {strides = array<i32>} : memref<2x64x256xf32, #tpu.memory_space<vmem>>, vector<1x1x16xf32>,
          %get3A_2047 = vector.shape_cast %get3A_2046 : vector<1x1x16xf32> to vector<16xf32>
          %add3A_2048 = arith.constant 10 : i32
          %add3A_2049 = arith.addi %mul3A_97, %add3A_2048 : i32
          %get3A_2050 = arith.index_cast %rem3A_85 : i32 to index
          %get3A_2051 = arith.index_cast %add3A_2049 : i32 to index
          %get3A_2052 = arith.constant 208 : index
          %get3A_2053 = tpu.vector_load %arg5[%get3A_2050, %get3A_2051, %get3A_2052] {strides = array<i32>} : memref<2x64x256xf32, #tpu.memory_space<vmem>>, vector<1x1x16xf32>,
          %get3A_2054 = vector.shape_cast %get3A_2053 : vector<1x1x16xf32> to vector<16xf32>
          %add3A_2055 = arith.constant 11 : i32
          %add3A_2056 = arith.addi %mul3A_97, %add3A_2055 : i32
          %get3A_2057 = arith.index_cast %rem3A_85 : i32 to index
          %get3A_2058 = arith.index_cast %add3A_2056 : i32 to index
          %get3A_2059 = arith.constant 208 : index
          %get3A_2060 = tpu.vector_load %arg5[%get3A_2057, %get3A_2058, %get3A_2059] {strides = array<i32>} : memref<2x64x256xf32, #tpu.memory_space<vmem>>, vector<1x1x16xf32>,
          %get3A_2061 = vector.shape_cast %get3A_2060 : vector<1x1x16xf32> to vector<16xf32>
          %add3A_2062 = arith.constant 12 : i32
          %add3A_2063 = arith.addi %mul3A_97, %add3A_2062 : i32
          %get3A_2064 = arith.index_cast %rem3A_85 : i32 to index
          %get3A_2065 = arith.index_cast %add3A_2063 : i32 to index
          %get3A_2066 = arith.constant 208 : index
          %get3A_2067 = tpu.vector_load %arg5[%get3A_2064, %get3A_2065, %get3A_2066] {strides = array<i32>} : memref<2x64x256xf32, #tpu.memory_space<vmem>>, vector<1x1x16xf32>,
          %get3A_2068 = vector.shape_cast %get3A_2067 : vector<1x1x16xf32> to vector<16xf32>
          %add3A_2069 = arith.constant 13 : i32
          %add3A_2070 = arith.addi %mul3A_97, %add3A_2069 : i32
          %get3A_2071 = arith.index_cast %rem3A_85 : i32 to index
          %get3A_2072 = arith.index_cast %add3A_2070 : i32 to index
          %get3A_2073 = arith.constant 208 : index
          %get3A_2074 = tpu.vector_load %arg5[%get3A_2071, %get3A_2072, %get3A_2073] {strides = array<i32>} : memref<2x64x256xf32, #tpu.memory_space<vmem>>, vector<1x1x16xf32>,
          %get3A_2075 = vector.shape_cast %get3A_2074 : vector<1x1x16xf32> to vector<16xf32>
          %add3A_2076 = arith.constant 14 : i32
          %add3A_2077 = arith.addi %mul3A_97, %add3A_2076 : i32
          %get3A_2078 = arith.index_cast %rem3A_85 : i32 to index
          %get3A_2079 = arith.index_cast %add3A_2077 : i32 to index
          %get3A_2080 = arith.constant 208 : index
          %get3A_2081 = tpu.vector_load %arg5[%get3A_2078, %get3A_2079, %get3A_2080] {strides = array<i32>} : memref<2x64x256xf32, #tpu.memory_space<vmem>>, vector<1x1x16xf32>,
          %get3A_2082 = vector.shape_cast %get3A_2081 : vector<1x1x16xf32> to vector<16xf32>
          %add3A_2083 = arith.constant 15 : i32
          %add3A_2084 = arith.addi %mul3A_97, %add3A_2083 : i32
          %get3A_2085 = arith.index_cast %rem3A_85 : i32 to index
          %get3A_2086 = arith.index_cast %add3A_2084 : i32 to index
          %get3A_2087 = arith.constant 208 : index
          %get3A_2088 = tpu.vector_load %arg5[%get3A_2085, %get3A_2086, %get3A_2087] {strides = array<i32>} : memref<2x64x256xf32, #tpu.memory_space<vmem>>, vector<1x1x16xf32>,
          %get3A_2089 = vector.shape_cast %get3A_2088 : vector<1x1x16xf32> to vector<16xf32>
          %add3A_2090 = arith.addf %get3A_1984, %get3A_1991 : vector<16xf32>
          %add3A_2091 = arith.addf %get3A_1998, %get3A_2005 : vector<16xf32>
          %add3A_2092 = arith.addf %get3A_2012, %get3A_2019 : vector<16xf32>
          %add3A_2093 = arith.addf %get3A_2026, %get3A_2033 : vector<16xf32>
          %add3A_2094 = arith.addf %get3A_2040, %get3A_2047 : vector<16xf32>
          %add3A_2095 = arith.addf %get3A_2054, %get3A_2061 : vector<16xf32>
          %add3A_2096 = arith.addf %get3A_2068, %get3A_2075 : vector<16xf32>
          %add3A_2097 = arith.addf %get3A_2082, %get3A_2089 : vector<16xf32>
          %add3A_2098 = arith.addf %add3A_2090, %add3A_2091 : vector<16xf32>
          %add3A_2099 = arith.addf %add3A_2092, %add3A_2093 : vector<16xf32>
          %add3A_2100 = arith.addf %add3A_2094, %add3A_2095 : vector<16xf32>
          %add3A_2101 = arith.addf %add3A_2096, %add3A_2097 : vector<16xf32>
          %add3A_2102 = arith.addf %add3A_2098, %add3A_2099 : vector<16xf32>
          %add3A_2103 = arith.addf %add3A_2100, %add3A_2101 : vector<16xf32>
          %add3A_2104 = arith.addf %add3A_2102, %add3A_2103 : vector<16xf32>
          %swap3A_2105 = arith.index_cast %add3A_176 : i32 to index
          %swap3A_2106 = arith.constant 208 : index
          %swap3A_2107 = tpu.vector_load %arg7[%swap3A_2105, %swap3A_2106] {strides = array<i32>} : memref<16x256xf32, #tpu.memory_space<vmem>>, vector<1x16xf32>,
          %swap3A_2108 = vector.shape_cast %swap3A_2107 : vector<1x16xf32> to vector<16xf32>
          %swap3A_2109 = vector.shape_cast %add3A_2104 : vector<16xf32> to vector<1x16xf32>
          tpu.vector_store %arg7[%swap3A_2105, %swap3A_2106], %swap3A_2109 {add = true, strides = array<i32>} : memref<16x256xf32, #tpu.memory_space<vmem>>, vector<1x16xf32>,
          %add3A_2110 = arith.constant 0 : i32
          %add3A_2111 = arith.addi %mul3A_97, %add3A_2110 : i32
          %get3A_2112 = arith.index_cast %rem3A_85 : i32 to index
          %get3A_2113 = arith.index_cast %add3A_2111 : i32 to index
          %get3A_2114 = arith.constant 224 : index
          %get3A_2115 = tpu.vector_load %arg5[%get3A_2112, %get3A_2113, %get3A_2114] {strides = array<i32>} : memref<2x64x256xf32, #tpu.memory_space<vmem>>, vector<1x1x16xf32>,
          %get3A_2116 = vector.shape_cast %get3A_2115 : vector<1x1x16xf32> to vector<16xf32>
          %add3A_2117 = arith.constant 1 : i32
          %add3A_2118 = arith.addi %mul3A_97, %add3A_2117 : i32
          %get3A_2119 = arith.index_cast %rem3A_85 : i32 to index
          %get3A_2120 = arith.index_cast %add3A_2118 : i32 to index
          %get3A_2121 = arith.constant 224 : index
          %get3A_2122 = tpu.vector_load %arg5[%get3A_2119, %get3A_2120, %get3A_2121] {strides = array<i32>} : memref<2x64x256xf32, #tpu.memory_space<vmem>>, vector<1x1x16xf32>,
          %get3A_2123 = vector.shape_cast %get3A_2122 : vector<1x1x16xf32> to vector<16xf32>
          %add3A_2124 = arith.constant 2 : i32
          %add3A_2125 = arith.addi %mul3A_97, %add3A_2124 : i32
          %get3A_2126 = arith.index_cast %rem3A_85 : i32 to index
          %get3A_2127 = arith.index_cast %add3A_2125 : i32 to index
          %get3A_2128 = arith.constant 224 : index
          %get3A_2129 = tpu.vector_load %arg5[%get3A_2126, %get3A_2127, %get3A_2128] {strides = array<i32>} : memref<2x64x256xf32, #tpu.memory_space<vmem>>, vector<1x1x16xf32>,
          %get3A_2130 = vector.shape_cast %get3A_2129 : vector<1x1x16xf32> to vector<16xf32>
          %add3A_2131 = arith.constant 3 : i32
          %add3A_2132 = arith.addi %mul3A_97, %add3A_2131 : i32
          %get3A_2133 = arith.index_cast %rem3A_85 : i32 to index
          %get3A_2134 = arith.index_cast %add3A_2132 : i32 to index
          %get3A_2135 = arith.constant 224 : index
          %get3A_2136 = tpu.vector_load %arg5[%get3A_2133, %get3A_2134, %get3A_2135] {strides = array<i32>} : memref<2x64x256xf32, #tpu.memory_space<vmem>>, vector<1x1x16xf32>,
          %get3A_2137 = vector.shape_cast %get3A_2136 : vector<1x1x16xf32> to vector<16xf32>
          %add3A_2138 = arith.constant 4 : i32
          %add3A_2139 = arith.addi %mul3A_97, %add3A_2138 : i32
          %get3A_2140 = arith.index_cast %rem3A_85 : i32 to index
          %get3A_2141 = arith.index_cast %add3A_2139 : i32 to index
          %get3A_2142 = arith.constant 224 : index
          %get3A_2143 = tpu.vector_load %arg5[%get3A_2140, %get3A_2141, %get3A_2142] {strides = array<i32>} : memref<2x64x256xf32, #tpu.memory_space<vmem>>, vector<1x1x16xf32>,
          %get3A_2144 = vector.shape_cast %get3A_2143 : vector<1x1x16xf32> to vector<16xf32>
          %add3A_2145 = arith.constant 5 : i32
          %add3A_2146 = arith.addi %mul3A_97, %add3A_2145 : i32
          %get3A_2147 = arith.index_cast %rem3A_85 : i32 to index
          %get3A_2148 = arith.index_cast %add3A_2146 : i32 to index
          %get3A_2149 = arith.constant 224 : index
          %get3A_2150 = tpu.vector_load %arg5[%get3A_2147, %get3A_2148, %get3A_2149] {strides = array<i32>} : memref<2x64x256xf32, #tpu.memory_space<vmem>>, vector<1x1x16xf32>,
          %get3A_2151 = vector.shape_cast %get3A_2150 : vector<1x1x16xf32> to vector<16xf32>
          %add3A_2152 = arith.constant 6 : i32
          %add3A_2153 = arith.addi %mul3A_97, %add3A_2152 : i32
          %get3A_2154 = arith.index_cast %rem3A_85 : i32 to index
          %get3A_2155 = arith.index_cast %add3A_2153 : i32 to index
          %get3A_2156 = arith.constant 224 : index
          %get3A_2157 = tpu.vector_load %arg5[%get3A_2154, %get3A_2155, %get3A_2156] {strides = array<i32>} : memref<2x64x256xf32, #tpu.memory_space<vmem>>, vector<1x1x16xf32>,
          %get3A_2158 = vector.shape_cast %get3A_2157 : vector<1x1x16xf32> to vector<16xf32>
          %add3A_2159 = arith.constant 7 : i32
          %add3A_2160 = arith.addi %mul3A_97, %add3A_2159 : i32
          %get3A_2161 = arith.index_cast %rem3A_85 : i32 to index
          %get3A_2162 = arith.index_cast %add3A_2160 : i32 to index
          %get3A_2163 = arith.constant 224 : index
          %get3A_2164 = tpu.vector_load %arg5[%get3A_2161, %get3A_2162, %get3A_2163] {strides = array<i32>} : memref<2x64x256xf32, #tpu.memory_space<vmem>>, vector<1x1x16xf32>,
          %get3A_2165 = vector.shape_cast %get3A_2164 : vector<1x1x16xf32> to vector<16xf32>
          %add3A_2166 = arith.constant 8 : i32
          %add3A_2167 = arith.addi %mul3A_97, %add3A_2166 : i32
          %get3A_2168 = arith.index_cast %rem3A_85 : i32 to index
          %get3A_2169 = arith.index_cast %add3A_2167 : i32 to index
          %get3A_2170 = arith.constant 224 : index
          %get3A_2171 = tpu.vector_load %arg5[%get3A_2168, %get3A_2169, %get3A_2170] {strides = array<i32>} : memref<2x64x256xf32, #tpu.memory_space<vmem>>, vector<1x1x16xf32>,
          %get3A_2172 = vector.shape_cast %get3A_2171 : vector<1x1x16xf32> to vector<16xf32>
          %add3A_2173 = arith.constant 9 : i32
          %add3A_2174 = arith.addi %mul3A_97, %add3A_2173 : i32
          %get3A_2175 = arith.index_cast %rem3A_85 : i32 to index
          %get3A_2176 = arith.index_cast %add3A_2174 : i32 to index
          %get3A_2177 = arith.constant 224 : index
          %get3A_2178 = tpu.vector_load %arg5[%get3A_2175, %get3A_2176, %get3A_2177] {strides = array<i32>} : memref<2x64x256xf32, #tpu.memory_space<vmem>>, vector<1x1x16xf32>,
          %get3A_2179 = vector.shape_cast %get3A_2178 : vector<1x1x16xf32> to vector<16xf32>
          %add3A_2180 = arith.constant 10 : i32
          %add3A_2181 = arith.addi %mul3A_97, %add3A_2180 : i32
          %get3A_2182 = arith.index_cast %rem3A_85 : i32 to index
          %get3A_2183 = arith.index_cast %add3A_2181 : i32 to index
          %get3A_2184 = arith.constant 224 : index
          %get3A_2185 = tpu.vector_load %arg5[%get3A_2182, %get3A_2183, %get3A_2184] {strides = array<i32>} : memref<2x64x256xf32, #tpu.memory_space<vmem>>, vector<1x1x16xf32>,
          %get3A_2186 = vector.shape_cast %get3A_2185 : vector<1x1x16xf32> to vector<16xf32>
          %add3A_2187 = arith.constant 11 : i32
          %add3A_2188 = arith.addi %mul3A_97, %add3A_2187 : i32
          %get3A_2189 = arith.index_cast %rem3A_85 : i32 to index
          %get3A_2190 = arith.index_cast %add3A_2188 : i32 to index
          %get3A_2191 = arith.constant 224 : index
          %get3A_2192 = tpu.vector_load %arg5[%get3A_2189, %get3A_2190, %get3A_2191] {strides = array<i32>} : memref<2x64x256xf32, #tpu.memory_space<vmem>>, vector<1x1x16xf32>,
          %get3A_2193 = vector.shape_cast %get3A_2192 : vector<1x1x16xf32> to vector<16xf32>
          %add3A_2194 = arith.constant 12 : i32
          %add3A_2195 = arith.addi %mul3A_97, %add3A_2194 : i32
          %get3A_2196 = arith.index_cast %rem3A_85 : i32 to index
          %get3A_2197 = arith.index_cast %add3A_2195 : i32 to index
          %get3A_2198 = arith.constant 224 : index
          %get3A_2199 = tpu.vector_load %arg5[%get3A_2196, %get3A_2197, %get3A_2198] {strides = array<i32>} : memref<2x64x256xf32, #tpu.memory_space<vmem>>, vector<1x1x16xf32>,
          %get3A_2200 = vector.shape_cast %get3A_2199 : vector<1x1x16xf32> to vector<16xf32>
          %add3A_2201 = arith.constant 13 : i32
          %add3A_2202 = arith.addi %mul3A_97, %add3A_2201 : i32
          %get3A_2203 = arith.index_cast %rem3A_85 : i32 to index
          %get3A_2204 = arith.index_cast %add3A_2202 : i32 to index
          %get3A_2205 = arith.constant 224 : index
          %get3A_2206 = tpu.vector_load %arg5[%get3A_2203, %get3A_2204, %get3A_2205] {strides = array<i32>} : memref<2x64x256xf32, #tpu.memory_space<vmem>>, vector<1x1x16xf32>,
          %get3A_2207 = vector.shape_cast %get3A_2206 : vector<1x1x16xf32> to vector<16xf32>
          %add3A_2208 = arith.constant 14 : i32
          %add3A_2209 = arith.addi %mul3A_97, %add3A_2208 : i32
          %get3A_2210 = arith.index_cast %rem3A_85 : i32 to index
          %get3A_2211 = arith.index_cast %add3A_2209 : i32 to index
          %get3A_2212 = arith.constant 224 : index
          %get3A_2213 = tpu.vector_load %arg5[%get3A_2210, %get3A_2211, %get3A_2212] {strides = array<i32>} : memref<2x64x256xf32, #tpu.memory_space<vmem>>, vector<1x1x16xf32>,
          %get3A_2214 = vector.shape_cast %get3A_2213 : vector<1x1x16xf32> to vector<16xf32>
          %add3A_2215 = arith.constant 15 : i32
          %add3A_2216 = arith.addi %mul3A_97, %add3A_2215 : i32
          %get3A_2217 = arith.index_cast %rem3A_85 : i32 to index
          %get3A_2218 = arith.index_cast %add3A_2216 : i32 to index
          %get3A_2219 = arith.constant 224 : index
          %get3A_2220 = tpu.vector_load %arg5[%get3A_2217, %get3A_2218, %get3A_2219] {strides = array<i32>} : memref<2x64x256xf32, #tpu.memory_space<vmem>>, vector<1x1x16xf32>,
          %get3A_2221 = vector.shape_cast %get3A_2220 : vector<1x1x16xf32> to vector<16xf32>
          %add3A_2222 = arith.addf %get3A_2116, %get3A_2123 : vector<16xf32>
          %add3A_2223 = arith.addf %get3A_2130, %get3A_2137 : vector<16xf32>
          %add3A_2224 = arith.addf %get3A_2144, %get3A_2151 : vector<16xf32>
          %add3A_2225 = arith.addf %get3A_2158, %get3A_2165 : vector<16xf32>
          %add3A_2226 = arith.addf %get3A_2172, %get3A_2179 : vector<16xf32>
          %add3A_2227 = arith.addf %get3A_2186, %get3A_2193 : vector<16xf32>
          %add3A_2228 = arith.addf %get3A_2200, %get3A_2207 : vector<16xf32>
          %add3A_2229 = arith.addf %get3A_2214, %get3A_2221 : vector<16xf32>
          %add3A_2230 = arith.addf %add3A_2222, %add3A_2223 : vector<16xf32>
          %add3A_2231 = arith.addf %add3A_2224, %add3A_2225 : vector<16xf32>
          %add3A_2232 = arith.addf %add3A_2226, %add3A_2227 : vector<16xf32>
          %add3A_2233 = arith.addf %add3A_2228, %add3A_2229 : vector<16xf32>
          %add3A_2234 = arith.addf %add3A_2230, %add3A_2231 : vector<16xf32>
          %add3A_2235 = arith.addf %add3A_2232, %add3A_2233 : vector<16xf32>
          %add3A_2236 = arith.addf %add3A_2234, %add3A_2235 : vector<16xf32>
          %swap3A_2237 = arith.index_cast %add3A_176 : i32 to index
          %swap3A_2238 = arith.constant 224 : index
          %swap3A_2239 = tpu.vector_load %arg7[%swap3A_2237, %swap3A_2238] {strides = array<i32>} : memref<16x256xf32, #tpu.memory_space<vmem>>, vector<1x16xf32>,
          %swap3A_2240 = vector.shape_cast %swap3A_2239 : vector<1x16xf32> to vector<16xf32>
          %swap3A_2241 = vector.shape_cast %add3A_2236 : vector<16xf32> to vector<1x16xf32>
          tpu.vector_store %arg7[%swap3A_2237, %swap3A_2238], %swap3A_2241 {add = true, strides = array<i32>} : memref<16x256xf32, #tpu.memory_space<vmem>>, vector<1x16xf32>,
          %add3A_2242 = arith.constant 0 : i32
          %add3A_2243 = arith.addi %mul3A_97, %add3A_2242 : i32
          %get3A_2244 = arith.index_cast %rem3A_85 : i32 to index
          %get3A_2245 = arith.index_cast %add3A_2243 : i32 to index
          %get3A_2246 = arith.constant 240 : index
          %get3A_2247 = tpu.vector_load %arg5[%get3A_2244, %get3A_2245, %get3A_2246] {strides = array<i32>} : memref<2x64x256xf32, #tpu.memory_space<vmem>>, vector<1x1x16xf32>,
          %get3A_2248 = vector.shape_cast %get3A_2247 : vector<1x1x16xf32> to vector<16xf32>
          %add3A_2249 = arith.constant 1 : i32
          %add3A_2250 = arith.addi %mul3A_97, %add3A_2249 : i32
          %get3A_2251 = arith.index_cast %rem3A_85 : i32 to index
          %get3A_2252 = arith.index_cast %add3A_2250 : i32 to index
          %get3A_2253 = arith.constant 240 : index
          %get3A_2254 = tpu.vector_load %arg5[%get3A_2251, %get3A_2252, %get3A_2253] {strides = array<i32>} : memref<2x64x256xf32, #tpu.memory_space<vmem>>, vector<1x1x16xf32>,
          %get3A_2255 = vector.shape_cast %get3A_2254 : vector<1x1x16xf32> to vector<16xf32>
          %add3A_2256 = arith.constant 2 : i32
          %add3A_2257 = arith.addi %mul3A_97, %add3A_2256 : i32
          %get3A_2258 = arith.index_cast %rem3A_85 : i32 to index
          %get3A_2259 = arith.index_cast %add3A_2257 : i32 to index
          %get3A_2260 = arith.constant 240 : index
          %get3A_2261 = tpu.vector_load %arg5[%get3A_2258, %get3A_2259, %get3A_2260] {strides = array<i32>} : memref<2x64x256xf32, #tpu.memory_space<vmem>>, vector<1x1x16xf32>,
          %get3A_2262 = vector.shape_cast %get3A_2261 : vector<1x1x16xf32> to vector<16xf32>
          %add3A_2263 = arith.constant 3 : i32
          %add3A_2264 = arith.addi %mul3A_97, %add3A_2263 : i32
          %get3A_2265 = arith.index_cast %rem3A_85 : i32 to index
          %get3A_2266 = arith.index_cast %add3A_2264 : i32 to index
          %get3A_2267 = arith.constant 240 : index
          %get3A_2268 = tpu.vector_load %arg5[%get3A_2265, %get3A_2266, %get3A_2267] {strides = array<i32>} : memref<2x64x256xf32, #tpu.memory_space<vmem>>, vector<1x1x16xf32>,
          %get3A_2269 = vector.shape_cast %get3A_2268 : vector<1x1x16xf32> to vector<16xf32>
          %add3A_2270 = arith.constant 4 : i32
          %add3A_2271 = arith.addi %mul3A_97, %add3A_2270 : i32
          %get3A_2272 = arith.index_cast %rem3A_85 : i32 to index
          %get3A_2273 = arith.index_cast %add3A_2271 : i32 to index
          %get3A_2274 = arith.constant 240 : index
          %get3A_2275 = tpu.vector_load %arg5[%get3A_2272, %get3A_2273, %get3A_2274] {strides = array<i32>} : memref<2x64x256xf32, #tpu.memory_space<vmem>>, vector<1x1x16xf32>,
          %get3A_2276 = vector.shape_cast %get3A_2275 : vector<1x1x16xf32> to vector<16xf32>
          %add3A_2277 = arith.constant 5 : i32
          %add3A_2278 = arith.addi %mul3A_97, %add3A_2277 : i32
          %get3A_2279 = arith.index_cast %rem3A_85 : i32 to index
          %get3A_2280 = arith.index_cast %add3A_2278 : i32 to index
          %get3A_2281 = arith.constant 240 : index
          %get3A_2282 = tpu.vector_load %arg5[%get3A_2279, %get3A_2280, %get3A_2281] {strides = array<i32>} : memref<2x64x256xf32, #tpu.memory_space<vmem>>, vector<1x1x16xf32>,
          %get3A_2283 = vector.shape_cast %get3A_2282 : vector<1x1x16xf32> to vector<16xf32>
          %add3A_2284 = arith.constant 6 : i32
          %add3A_2285 = arith.addi %mul3A_97, %add3A_2284 : i32
          %get3A_2286 = arith.index_cast %rem3A_85 : i32 to index
          %get3A_2287 = arith.index_cast %add3A_2285 : i32 to index
          %get3A_2288 = arith.constant 240 : index
          %get3A_2289 = tpu.vector_load %arg5[%get3A_2286, %get3A_2287, %get3A_2288] {strides = array<i32>} : memref<2x64x256xf32, #tpu.memory_space<vmem>>, vector<1x1x16xf32>,
          %get3A_2290 = vector.shape_cast %get3A_2289 : vector<1x1x16xf32> to vector<16xf32>
          %add3A_2291 = arith.constant 7 : i32
          %add3A_2292 = arith.addi %mul3A_97, %add3A_2291 : i32
          %get3A_2293 = arith.index_cast %rem3A_85 : i32 to index
          %get3A_2294 = arith.index_cast %add3A_2292 : i32 to index
          %get3A_2295 = arith.constant 240 : index
          %get3A_2296 = tpu.vector_load %arg5[%get3A_2293, %get3A_2294, %get3A_2295] {strides = array<i32>} : memref<2x64x256xf32, #tpu.memory_space<vmem>>, vector<1x1x16xf32>,
          %get3A_2297 = vector.shape_cast %get3A_2296 : vector<1x1x16xf32> to vector<16xf32>
          %add3A_2298 = arith.constant 8 : i32
          %add3A_2299 = arith.addi %mul3A_97, %add3A_2298 : i32
          %get3A_2300 = arith.index_cast %rem3A_85 : i32 to index
          %get3A_2301 = arith.index_cast %add3A_2299 : i32 to index
          %get3A_2302 = arith.constant 240 : index
          %get3A_2303 = tpu.vector_load %arg5[%get3A_2300, %get3A_2301, %get3A_2302] {strides = array<i32>} : memref<2x64x256xf32, #tpu.memory_space<vmem>>, vector<1x1x16xf32>,
          %get3A_2304 = vector.shape_cast %get3A_2303 : vector<1x1x16xf32> to vector<16xf32>
          %add3A_2305 = arith.constant 9 : i32
          %add3A_2306 = arith.addi %mul3A_97, %add3A_2305 : i32
          %get3A_2307 = arith.index_cast %rem3A_85 : i32 to index
          %get3A_2308 = arith.index_cast %add3A_2306 : i32 to index
          %get3A_2309 = arith.constant 240 : index
          %get3A_2310 = tpu.vector_load %arg5[%get3A_2307, %get3A_2308, %get3A_2309] {strides = array<i32>} : memref<2x64x256xf32, #tpu.memory_space<vmem>>, vector<1x1x16xf32>,
          %get3A_2311 = vector.shape_cast %get3A_2310 : vector<1x1x16xf32> to vector<16xf32>
          %add3A_2312 = arith.constant 10 : i32
          %add3A_2313 = arith.addi %mul3A_97, %add3A_2312 : i32
          %get3A_2314 = arith.index_cast %rem3A_85 : i32 to index
          %get3A_2315 = arith.index_cast %add3A_2313 : i32 to index
          %get3A_2316 = arith.constant 240 : index
          %get3A_2317 = tpu.vector_load %arg5[%get3A_2314, %get3A_2315, %get3A_2316] {strides = array<i32>} : memref<2x64x256xf32, #tpu.memory_space<vmem>>, vector<1x1x16xf32>,
          %get3A_2318 = vector.shape_cast %get3A_2317 : vector<1x1x16xf32> to vector<16xf32>
          %add3A_2319 = arith.constant 11 : i32
          %add3A_2320 = arith.addi %mul3A_97, %add3A_2319 : i32
          %get3A_2321 = arith.index_cast %rem3A_85 : i32 to index
          %get3A_2322 = arith.index_cast %add3A_2320 : i32 to index
          %get3A_2323 = arith.constant 240 : index
          %get3A_2324 = tpu.vector_load %arg5[%get3A_2321, %get3A_2322, %get3A_2323] {strides = array<i32>} : memref<2x64x256xf32, #tpu.memory_space<vmem>>, vector<1x1x16xf32>,
          %get3A_2325 = vector.shape_cast %get3A_2324 : vector<1x1x16xf32> to vector<16xf32>
          %add3A_2326 = arith.constant 12 : i32
          %add3A_2327 = arith.addi %mul3A_97, %add3A_2326 : i32
          %get3A_2328 = arith.index_cast %rem3A_85 : i32 to index
          %get3A_2329 = arith.index_cast %add3A_2327 : i32 to index
          %get3A_2330 = arith.constant 240 : index
          %get3A_2331 = tpu.vector_load %arg5[%get3A_2328, %get3A_2329, %get3A_2330] {strides = array<i32>} : memref<2x64x256xf32, #tpu.memory_space<vmem>>, vector<1x1x16xf32>,
          %get3A_2332 = vector.shape_cast %get3A_2331 : vector<1x1x16xf32> to vector<16xf32>
          %add3A_2333 = arith.constant 13 : i32
          %add3A_2334 = arith.addi %mul3A_97, %add3A_2333 : i32
          %get3A_2335 = arith.index_cast %rem3A_85 : i32 to index
          %get3A_2336 = arith.index_cast %add3A_2334 : i32 to index
          %get3A_2337 = arith.constant 240 : index
          %get3A_2338 = tpu.vector_load %arg5[%get3A_2335, %get3A_2336, %get3A_2337] {strides = array<i32>} : memref<2x64x256xf32, #tpu.memory_space<vmem>>, vector<1x1x16xf32>,
          %get3A_2339 = vector.shape_cast %get3A_2338 : vector<1x1x16xf32> to vector<16xf32>
          %add3A_2340 = arith.constant 14 : i32
          %add3A_2341 = arith.addi %mul3A_97, %add3A_2340 : i32
          %get3A_2342 = arith.index_cast %rem3A_85 : i32 to index
          %get3A_2343 = arith.index_cast %add3A_2341 : i32 to index
          %get3A_2344 = arith.constant 240 : index
          %get3A_2345 = tpu.vector_load %arg5[%get3A_2342, %get3A_2343, %get3A_2344] {strides = array<i32>} : memref<2x64x256xf32, #tpu.memory_space<vmem>>, vector<1x1x16xf32>,
          %get3A_2346 = vector.shape_cast %get3A_2345 : vector<1x1x16xf32> to vector<16xf32>
          %add3A_2347 = arith.constant 15 : i32
          %add3A_2348 = arith.addi %mul3A_97, %add3A_2347 : i32
          %get3A_2349 = arith.index_cast %rem3A_85 : i32 to index
          %get3A_2350 = arith.index_cast %add3A_2348 : i32 to index
          %get3A_2351 = arith.constant 240 : index
          %get3A_2352 = tpu.vector_load %arg5[%get3A_2349, %get3A_2350, %get3A_2351] {strides = array<i32>} : memref<2x64x256xf32, #tpu.memory_space<vmem>>, vector<1x1x16xf32>,
          %get3A_2353 = vector.shape_cast %get3A_2352 : vector<1x1x16xf32> to vector<16xf32>
          %add3A_2354 = arith.addf %get3A_2248, %get3A_2255 : vector<16xf32>
          %add3A_2355 = arith.addf %get3A_2262, %get3A_2269 : vector<16xf32>
          %add3A_2356 = arith.addf %get3A_2276, %get3A_2283 : vector<16xf32>
          %add3A_2357 = arith.addf %get3A_2290, %get3A_2297 : vector<16xf32>
          %add3A_2358 = arith.addf %get3A_2304, %get3A_2311 : vector<16xf32>
          %add3A_2359 = arith.addf %get3A_2318, %get3A_2325 : vector<16xf32>
          %add3A_2360 = arith.addf %get3A_2332, %get3A_2339 : vector<16xf32>
          %add3A_2361 = arith.addf %get3A_2346, %get3A_2353 : vector<16xf32>
          %add3A_2362 = arith.addf %add3A_2354, %add3A_2355 : vector<16xf32>
          %add3A_2363 = arith.addf %add3A_2356, %add3A_2357 : vector<16xf32>
          %add3A_2364 = arith.addf %add3A_2358, %add3A_2359 : vector<16xf32>
          %add3A_2365 = arith.addf %add3A_2360, %add3A_2361 : vector<16xf32>
          %add3A_2366 = arith.addf %add3A_2362, %add3A_2363 : vector<16xf32>
          %add3A_2367 = arith.addf %add3A_2364, %add3A_2365 : vector<16xf32>
          %add3A_2368 = arith.addf %add3A_2366, %add3A_2367 : vector<16xf32>
          %swap3A_2369 = arith.index_cast %add3A_176 : i32 to index
          %swap3A_2370 = arith.constant 240 : index
          %swap3A_2371 = tpu.vector_load %arg7[%swap3A_2369, %swap3A_2370] {strides = array<i32>} : memref<16x256xf32, #tpu.memory_space<vmem>>, vector<1x16xf32>,
          %swap3A_2372 = vector.shape_cast %swap3A_2371 : vector<1x16xf32> to vector<16xf32>
          %swap3A_2373 = vector.shape_cast %add3A_2368 : vector<16xf32> to vector<1x16xf32>
          tpu.vector_store %arg7[%swap3A_2369, %swap3A_2370], %swap3A_2373 {add = true, strides = array<i32>} : memref<16x256xf32, #tpu.memory_space<vmem>>, vector<1x16xf32>,
        } else {
          %scan3A_263 = arith.constant 0 : i32
          %scan3A_264 = arith.constant 0 : i32
          %scan3A_265 = arith.constant 16 : i32
          %scan3A_266 = arith.addi %scan3A_264, %scan3A_265 : i32
          %scan3A_267 = arith.constant 1 : i32
          scf.for %scan3A_269 = %scan3A_264 to %scan3A_266 step %scan3A_267  : i32 {
            %add3A_270 = arith.addi %add3A_98, %scan3A_269 : i32
            %le3A_271 = arith.cmpi sle, %squeeze3A, %add3A_270 : i32
            %jit3A_272 = arith.constant 1 : i32
            %jit3A_273 = arith.constant 0 : i32
            %select_n3A_274 = arith.select %le3A_271, %jit3A_272, %jit3A_273 : i32
            %add3A_275 = arith.constant 0 : i32
            %add3A_276 = arith.addi %add3A_275, %select_n3A_274 : i32
            %le3A_277 = arith.cmpi sle, %squeeze3A_23, %add3A_270 : i32
            %jit3A_278 = arith.constant 1 : i32
            %jit3A_279 = arith.constant 0 : i32
            %select_n3A_280 = arith.select %le3A_277, %jit3A_278, %jit3A_279 : i32
            %add3A_281 = arith.addi %add3A_276, %select_n3A_280 : i32
            %le3A_282 = arith.cmpi sle, %squeeze3A_25, %add3A_270 : i32
            %jit3A_283 = arith.constant 1 : i32
            %jit3A_284 = arith.constant 0 : i32
            %select_n3A_285 = arith.select %le3A_282, %jit3A_283, %jit3A_284 : i32
            %add3A_286 = arith.addi %add3A_281, %select_n3A_285 : i32
            %le3A_287 = arith.cmpi sle, %squeeze3A_27, %add3A_270 : i32
            %jit3A_288 = arith.constant 1 : i32
            %jit3A_289 = arith.constant 0 : i32
            %select_n3A_290 = arith.select %le3A_287, %jit3A_288, %jit3A_289 : i32
            %add3A_291 = arith.addi %add3A_286, %select_n3A_290 : i32
            %le3A_292 = arith.cmpi sle, %squeeze3A_29, %add3A_270 : i32
            %jit3A_293 = arith.constant 1 : i32
            %jit3A_294 = arith.constant 0 : i32
            %select_n3A_295 = arith.select %le3A_292, %jit3A_293, %jit3A_294 : i32
            %add3A_296 = arith.addi %add3A_291, %select_n3A_295 : i32
            %le3A_297 = arith.cmpi sle, %squeeze3A_31, %add3A_270 : i32
            %jit3A_298 = arith.constant 1 : i32
            %jit3A_299 = arith.constant 0 : i32
            %select_n3A_300 = arith.select %le3A_297, %jit3A_298, %jit3A_299 : i32
            %add3A_301 = arith.addi %add3A_296, %select_n3A_300 : i32
            %le3A_302 = arith.cmpi sle, %squeeze3A_33, %add3A_270 : i32
            %jit3A_303 = arith.constant 1 : i32
            %jit3A_304 = arith.constant 0 : i32
            %select_n3A_305 = arith.select %le3A_302, %jit3A_303, %jit3A_304 : i32
            %add3A_306 = arith.addi %add3A_301, %select_n3A_305 : i32
            %le3A_307 = arith.cmpi sle, %squeeze3A_35, %add3A_270 : i32
            %jit3A_308 = arith.constant 1 : i32
            %jit3A_309 = arith.constant 0 : i32
            %select_n3A_310 = arith.select %le3A_307, %jit3A_308, %jit3A_309 : i32
            %add3A_311 = arith.addi %add3A_306, %select_n3A_310 : i32
            %le3A_312 = arith.cmpi sle, %squeeze3A_37, %add3A_270 : i32
            %jit3A_313 = arith.constant 1 : i32
            %jit3A_314 = arith.constant 0 : i32
            %select_n3A_315 = arith.select %le3A_312, %jit3A_313, %jit3A_314 : i32
            %add3A_316 = arith.addi %add3A_311, %select_n3A_315 : i32
            %le3A_317 = arith.cmpi sle, %squeeze3A_39, %add3A_270 : i32
            %jit3A_318 = arith.constant 1 : i32
            %jit3A_319 = arith.constant 0 : i32
            %select_n3A_320 = arith.select %le3A_317, %jit3A_318, %jit3A_319 : i32
            %add3A_321 = arith.addi %add3A_316, %select_n3A_320 : i32
            %le3A_322 = arith.cmpi sle, %squeeze3A_41, %add3A_270 : i32
            %jit3A_323 = arith.constant 1 : i32
            %jit3A_324 = arith.constant 0 : i32
            %select_n3A_325 = arith.select %le3A_322, %jit3A_323, %jit3A_324 : i32
            %add3A_326 = arith.addi %add3A_321, %select_n3A_325 : i32
            %le3A_327 = arith.cmpi sle, %squeeze3A_43, %add3A_270 : i32
            %jit3A_328 = arith.constant 1 : i32
            %jit3A_329 = arith.constant 0 : i32
            %select_n3A_330 = arith.select %le3A_327, %jit3A_328, %jit3A_329 : i32
            %add3A_331 = arith.addi %add3A_326, %select_n3A_330 : i32
            %le3A_332 = arith.cmpi sle, %squeeze3A_45, %add3A_270 : i32
            %jit3A_333 = arith.constant 1 : i32
            %jit3A_334 = arith.constant 0 : i32
            %select_n3A_335 = arith.select %le3A_332, %jit3A_333, %jit3A_334 : i32
            %add3A_336 = arith.addi %add3A_331, %select_n3A_335 : i32
            %le3A_337 = arith.cmpi sle, %squeeze3A_47, %add3A_270 : i32
            %jit3A_338 = arith.constant 1 : i32
            %jit3A_339 = arith.constant 0 : i32
            %select_n3A_340 = arith.select %le3A_337, %jit3A_338, %jit3A_339 : i32
            %add3A_341 = arith.addi %add3A_336, %select_n3A_340 : i32
            %le3A_342 = arith.cmpi sle, %squeeze3A_49, %add3A_270 : i32
            %jit3A_343 = arith.constant 1 : i32
            %jit3A_344 = arith.constant 0 : i32
            %select_n3A_345 = arith.select %le3A_342, %jit3A_343, %jit3A_344 : i32
            %add3A_346 = arith.addi %add3A_341, %select_n3A_345 : i32
            %le3A_347 = arith.cmpi sle, %squeeze3A_51, %add3A_270 : i32
            %jit3A_348 = arith.constant 1 : i32
            %jit3A_349 = arith.constant 0 : i32
            %select_n3A_350 = arith.select %le3A_347, %jit3A_348, %jit3A_349 : i32
            %add3A_351 = arith.addi %add3A_346, %select_n3A_350 : i32
            %add3A_352 = arith.addi %mul3A_97, %scan3A_269 : i32
            %get3A_353 = arith.index_cast %rem3A_85 : i32 to index
            %get3A_354 = arith.index_cast %add3A_352 : i32 to index
            %get3A_355 = arith.constant 0 : index
            %get3A_356 = tpu.vector_load %arg5[%get3A_353, %get3A_354, %get3A_355] {strides = array<i32>} : memref<2x64x256xf32, #tpu.memory_space<vmem>>, vector<1x1x16xf32>,
            %get3A_357 = vector.shape_cast %get3A_356 : vector<1x1x16xf32> to vector<16xf32>
            %swap3A = arith.index_cast %add3A_351 : i32 to index
            %swap3A_358 = arith.constant 0 : index
            %swap3A_359 = tpu.vector_load %arg7[%swap3A, %swap3A_358] {strides = array<i32>} : memref<16x256xf32, #tpu.memory_space<vmem>>, vector<1x16xf32>,
            %swap3A_360 = vector.shape_cast %swap3A_359 : vector<1x16xf32> to vector<16xf32>
            %swap3A_361 = vector.shape_cast %get3A_357 : vector<16xf32> to vector<1x16xf32>
            tpu.vector_store %arg7[%swap3A, %swap3A_358], %swap3A_361 {add = true, strides = array<i32>} : memref<16x256xf32, #tpu.memory_space<vmem>>, vector<1x16xf32>,
            %add3A_362 = arith.addi %mul3A_97, %scan3A_269 : i32
            %get3A_363 = arith.index_cast %rem3A_85 : i32 to index
            %get3A_364 = arith.index_cast %add3A_362 : i32 to index
            %get3A_365 = arith.constant 16 : index
            %get3A_366 = tpu.vector_load %arg5[%get3A_363, %get3A_364, %get3A_365] {strides = array<i32>} : memref<2x64x256xf32, #tpu.memory_space<vmem>>, vector<1x1x16xf32>,
            %get3A_367 = vector.shape_cast %get3A_366 : vector<1x1x16xf32> to vector<16xf32>
            %swap3A_368 = arith.index_cast %add3A_351 : i32 to index
            %swap3A_369 = arith.constant 16 : index
            %swap3A_370 = tpu.vector_load %arg7[%swap3A_368, %swap3A_369] {strides = array<i32>} : memref<16x256xf32, #tpu.memory_space<vmem>>, vector<1x16xf32>,
            %swap3A_371 = vector.shape_cast %swap3A_370 : vector<1x16xf32> to vector<16xf32>
            %swap3A_372 = vector.shape_cast %get3A_367 : vector<16xf32> to vector<1x16xf32>
            tpu.vector_store %arg7[%swap3A_368, %swap3A_369], %swap3A_372 {add = true, strides = array<i32>} : memref<16x256xf32, #tpu.memory_space<vmem>>, vector<1x16xf32>,
            %add3A_373 = arith.addi %mul3A_97, %scan3A_269 : i32
            %get3A_374 = arith.index_cast %rem3A_85 : i32 to index
            %get3A_375 = arith.index_cast %add3A_373 : i32 to index
            %get3A_376 = arith.constant 32 : index
            %get3A_377 = tpu.vector_load %arg5[%get3A_374, %get3A_375, %get3A_376] {strides = array<i32>} : memref<2x64x256xf32, #tpu.memory_space<vmem>>, vector<1x1x16xf32>,
            %get3A_378 = vector.shape_cast %get3A_377 : vector<1x1x16xf32> to vector<16xf32>
            %swap3A_379 = arith.index_cast %add3A_351 : i32 to index
            %swap3A_380 = arith.constant 32 : index
            %swap3A_381 = tpu.vector_load %arg7[%swap3A_379, %swap3A_380] {strides = array<i32>} : memref<16x256xf32, #tpu.memory_space<vmem>>, vector<1x16xf32>,
            %swap3A_382 = vector.shape_cast %swap3A_381 : vector<1x16xf32> to vector<16xf32>
            %swap3A_383 = vector.shape_cast %get3A_378 : vector<16xf32> to vector<1x16xf32>
            tpu.vector_store %arg7[%swap3A_379, %swap3A_380], %swap3A_383 {add = true, strides = array<i32>} : memref<16x256xf32, #tpu.memory_space<vmem>>, vector<1x16xf32>,
            %add3A_384 = arith.addi %mul3A_97, %scan3A_269 : i32
            %get3A_385 = arith.index_cast %rem3A_85 : i32 to index
            %get3A_386 = arith.index_cast %add3A_384 : i32 to index
            %get3A_387 = arith.constant 48 : index
            %get3A_388 = tpu.vector_load %arg5[%get3A_385, %get3A_386, %get3A_387] {strides = array<i32>} : memref<2x64x256xf32, #tpu.memory_space<vmem>>, vector<1x1x16xf32>,
            %get3A_389 = vector.shape_cast %get3A_388 : vector<1x1x16xf32> to vector<16xf32>
            %swap3A_390 = arith.index_cast %add3A_351 : i32 to index
            %swap3A_391 = arith.constant 48 : index
            %swap3A_392 = tpu.vector_load %arg7[%swap3A_390, %swap3A_391] {strides = array<i32>} : memref<16x256xf32, #tpu.memory_space<vmem>>, vector<1x16xf32>,
            %swap3A_393 = vector.shape_cast %swap3A_392 : vector<1x16xf32> to vector<16xf32>
            %swap3A_394 = vector.shape_cast %get3A_389 : vector<16xf32> to vector<1x16xf32>
            tpu.vector_store %arg7[%swap3A_390, %swap3A_391], %swap3A_394 {add = true, strides = array<i32>} : memref<16x256xf32, #tpu.memory_space<vmem>>, vector<1x16xf32>,
            %add3A_395 = arith.addi %mul3A_97, %scan3A_269 : i32
            %get3A_396 = arith.index_cast %rem3A_85 : i32 to index
            %get3A_397 = arith.index_cast %add3A_395 : i32 to index
            %get3A_398 = arith.constant 64 : index
            %get3A_399 = tpu.vector_load %arg5[%get3A_396, %get3A_397, %get3A_398] {strides = array<i32>} : memref<2x64x256xf32, #tpu.memory_space<vmem>>, vector<1x1x16xf32>,
            %get3A_400 = vector.shape_cast %get3A_399 : vector<1x1x16xf32> to vector<16xf32>
            %swap3A_401 = arith.index_cast %add3A_351 : i32 to index
            %swap3A_402 = arith.constant 64 : index
            %swap3A_403 = tpu.vector_load %arg7[%swap3A_401, %swap3A_402] {strides = array<i32>} : memref<16x256xf32, #tpu.memory_space<vmem>>, vector<1x16xf32>,
            %swap3A_404 = vector.shape_cast %swap3A_403 : vector<1x16xf32> to vector<16xf32>
            %swap3A_405 = vector.shape_cast %get3A_400 : vector<16xf32> to vector<1x16xf32>
            tpu.vector_store %arg7[%swap3A_401, %swap3A_402], %swap3A_405 {add = true, strides = array<i32>} : memref<16x256xf32, #tpu.memory_space<vmem>>, vector<1x16xf32>,
            %add3A_406 = arith.addi %mul3A_97, %scan3A_269 : i32
            %get3A_407 = arith.index_cast %rem3A_85 : i32 to index
            %get3A_408 = arith.index_cast %add3A_406 : i32 to index
            %get3A_409 = arith.constant 80 : index
            %get3A_410 = tpu.vector_load %arg5[%get3A_407, %get3A_408, %get3A_409] {strides = array<i32>} : memref<2x64x256xf32, #tpu.memory_space<vmem>>, vector<1x1x16xf32>,
            %get3A_411 = vector.shape_cast %get3A_410 : vector<1x1x16xf32> to vector<16xf32>
            %swap3A_412 = arith.index_cast %add3A_351 : i32 to index
            %swap3A_413 = arith.constant 80 : index
            %swap3A_414 = tpu.vector_load %arg7[%swap3A_412, %swap3A_413] {strides = array<i32>} : memref<16x256xf32, #tpu.memory_space<vmem>>, vector<1x16xf32>,
            %swap3A_415 = vector.shape_cast %swap3A_414 : vector<1x16xf32> to vector<16xf32>
            %swap3A_416 = vector.shape_cast %get3A_411 : vector<16xf32> to vector<1x16xf32>
            tpu.vector_store %arg7[%swap3A_412, %swap3A_413], %swap3A_416 {add = true, strides = array<i32>} : memref<16x256xf32, #tpu.memory_space<vmem>>, vector<1x16xf32>,
            %add3A_417 = arith.addi %mul3A_97, %scan3A_269 : i32
            %get3A_418 = arith.index_cast %rem3A_85 : i32 to index
            %get3A_419 = arith.index_cast %add3A_417 : i32 to index
            %get3A_420 = arith.constant 96 : index
            %get3A_421 = tpu.vector_load %arg5[%get3A_418, %get3A_419, %get3A_420] {strides = array<i32>} : memref<2x64x256xf32, #tpu.memory_space<vmem>>, vector<1x1x16xf32>,
            %get3A_422 = vector.shape_cast %get3A_421 : vector<1x1x16xf32> to vector<16xf32>
            %swap3A_423 = arith.index_cast %add3A_351 : i32 to index
            %swap3A_424 = arith.constant 96 : index
            %swap3A_425 = tpu.vector_load %arg7[%swap3A_423, %swap3A_424] {strides = array<i32>} : memref<16x256xf32, #tpu.memory_space<vmem>>, vector<1x16xf32>,
            %swap3A_426 = vector.shape_cast %swap3A_425 : vector<1x16xf32> to vector<16xf32>
            %swap3A_427 = vector.shape_cast %get3A_422 : vector<16xf32> to vector<1x16xf32>
            tpu.vector_store %arg7[%swap3A_423, %swap3A_424], %swap3A_427 {add = true, strides = array<i32>} : memref<16x256xf32, #tpu.memory_space<vmem>>, vector<1x16xf32>,
            %add3A_428 = arith.addi %mul3A_97, %scan3A_269 : i32
            %get3A_429 = arith.index_cast %rem3A_85 : i32 to index
            %get3A_430 = arith.index_cast %add3A_428 : i32 to index
            %get3A_431 = arith.constant 112 : index
            %get3A_432 = tpu.vector_load %arg5[%get3A_429, %get3A_430, %get3A_431] {strides = array<i32>} : memref<2x64x256xf32, #tpu.memory_space<vmem>>, vector<1x1x16xf32>,
            %get3A_433 = vector.shape_cast %get3A_432 : vector<1x1x16xf32> to vector<16xf32>
            %swap3A_434 = arith.index_cast %add3A_351 : i32 to index
            %swap3A_435 = arith.constant 112 : index
            %swap3A_436 = tpu.vector_load %arg7[%swap3A_434, %swap3A_435] {strides = array<i32>} : memref<16x256xf32, #tpu.memory_space<vmem>>, vector<1x16xf32>,
            %swap3A_437 = vector.shape_cast %swap3A_436 : vector<1x16xf32> to vector<16xf32>
            %swap3A_438 = vector.shape_cast %get3A_433 : vector<16xf32> to vector<1x16xf32>
            tpu.vector_store %arg7[%swap3A_434, %swap3A_435], %swap3A_438 {add = true, strides = array<i32>} : memref<16x256xf32, #tpu.memory_space<vmem>>, vector<1x16xf32>,
            %add3A_439 = arith.addi %mul3A_97, %scan3A_269 : i32
            %get3A_440 = arith.index_cast %rem3A_85 : i32 to index
            %get3A_441 = arith.index_cast %add3A_439 : i32 to index
            %get3A_442 = arith.constant 128 : index
            %get3A_443 = tpu.vector_load %arg5[%get3A_440, %get3A_441, %get3A_442] {strides = array<i32>} : memref<2x64x256xf32, #tpu.memory_space<vmem>>, vector<1x1x16xf32>,
            %get3A_444 = vector.shape_cast %get3A_443 : vector<1x1x16xf32> to vector<16xf32>
            %swap3A_445 = arith.index_cast %add3A_351 : i32 to index
            %swap3A_446 = arith.constant 128 : index
            %swap3A_447 = tpu.vector_load %arg7[%swap3A_445, %swap3A_446] {strides = array<i32>} : memref<16x256xf32, #tpu.memory_space<vmem>>, vector<1x16xf32>,
            %swap3A_448 = vector.shape_cast %swap3A_447 : vector<1x16xf32> to vector<16xf32>
            %swap3A_449 = vector.shape_cast %get3A_444 : vector<16xf32> to vector<1x16xf32>
            tpu.vector_store %arg7[%swap3A_445, %swap3A_446], %swap3A_449 {add = true, strides = array<i32>} : memref<16x256xf32, #tpu.memory_space<vmem>>, vector<1x16xf32>,
            %add3A_450 = arith.addi %mul3A_97, %scan3A_269 : i32
            %get3A_451 = arith.index_cast %rem3A_85 : i32 to index
            %get3A_452 = arith.index_cast %add3A_450 : i32 to index
            %get3A_453 = arith.constant 144 : index
            %get3A_454 = tpu.vector_load %arg5[%get3A_451, %get3A_452, %get3A_453] {strides = array<i32>} : memref<2x64x256xf32, #tpu.memory_space<vmem>>, vector<1x1x16xf32>,
            %get3A_455 = vector.shape_cast %get3A_454 : vector<1x1x16xf32> to vector<16xf32>
            %swap3A_456 = arith.index_cast %add3A_351 : i32 to index
            %swap3A_457 = arith.constant 144 : index
            %swap3A_458 = tpu.vector_load %arg7[%swap3A_456, %swap3A_457] {strides = array<i32>} : memref<16x256xf32, #tpu.memory_space<vmem>>, vector<1x16xf32>,
            %swap3A_459 = vector.shape_cast %swap3A_458 : vector<1x16xf32> to vector<16xf32>
            %swap3A_460 = vector.shape_cast %get3A_455 : vector<16xf32> to vector<1x16xf32>
            tpu.vector_store %arg7[%swap3A_456, %swap3A_457], %swap3A_460 {add = true, strides = array<i32>} : memref<16x256xf32, #tpu.memory_space<vmem>>, vector<1x16xf32>,
            %add3A_461 = arith.addi %mul3A_97, %scan3A_269 : i32
            %get3A_462 = arith.index_cast %rem3A_85 : i32 to index
            %get3A_463 = arith.index_cast %add3A_461 : i32 to index
            %get3A_464 = arith.constant 160 : index
            %get3A_465 = tpu.vector_load %arg5[%get3A_462, %get3A_463, %get3A_464] {strides = array<i32>} : memref<2x64x256xf32, #tpu.memory_space<vmem>>, vector<1x1x16xf32>,
            %get3A_466 = vector.shape_cast %get3A_465 : vector<1x1x16xf32> to vector<16xf32>
            %swap3A_467 = arith.index_cast %add3A_351 : i32 to index
            %swap3A_468 = arith.constant 160 : index
            %swap3A_469 = tpu.vector_load %arg7[%swap3A_467, %swap3A_468] {strides = array<i32>} : memref<16x256xf32, #tpu.memory_space<vmem>>, vector<1x16xf32>,
            %swap3A_470 = vector.shape_cast %swap3A_469 : vector<1x16xf32> to vector<16xf32>
            %swap3A_471 = vector.shape_cast %get3A_466 : vector<16xf32> to vector<1x16xf32>
            tpu.vector_store %arg7[%swap3A_467, %swap3A_468], %swap3A_471 {add = true, strides = array<i32>} : memref<16x256xf32, #tpu.memory_space<vmem>>, vector<1x16xf32>,
            %add3A_472 = arith.addi %mul3A_97, %scan3A_269 : i32
            %get3A_473 = arith.index_cast %rem3A_85 : i32 to index
            %get3A_474 = arith.index_cast %add3A_472 : i32 to index
            %get3A_475 = arith.constant 176 : index
            %get3A_476 = tpu.vector_load %arg5[%get3A_473, %get3A_474, %get3A_475] {strides = array<i32>} : memref<2x64x256xf32, #tpu.memory_space<vmem>>, vector<1x1x16xf32>,
            %get3A_477 = vector.shape_cast %get3A_476 : vector<1x1x16xf32> to vector<16xf32>
            %swap3A_478 = arith.index_cast %add3A_351 : i32 to index
            %swap3A_479 = arith.constant 176 : index
            %swap3A_480 = tpu.vector_load %arg7[%swap3A_478, %swap3A_479] {strides = array<i32>} : memref<16x256xf32, #tpu.memory_space<vmem>>, vector<1x16xf32>,
            %swap3A_481 = vector.shape_cast %swap3A_480 : vector<1x16xf32> to vector<16xf32>
            %swap3A_482 = vector.shape_cast %get3A_477 : vector<16xf32> to vector<1x16xf32>
            tpu.vector_store %arg7[%swap3A_478, %swap3A_479], %swap3A_482 {add = true, strides = array<i32>} : memref<16x256xf32, #tpu.memory_space<vmem>>, vector<1x16xf32>,
            %add3A_483 = arith.addi %mul3A_97, %scan3A_269 : i32
            %get3A_484 = arith.index_cast %rem3A_85 : i32 to index
            %get3A_485 = arith.index_cast %add3A_483 : i32 to index
            %get3A_486 = arith.constant 192 : index
            %get3A_487 = tpu.vector_load %arg5[%get3A_484, %get3A_485, %get3A_486] {strides = array<i32>} : memref<2x64x256xf32, #tpu.memory_space<vmem>>, vector<1x1x16xf32>,
            %get3A_488 = vector.shape_cast %get3A_487 : vector<1x1x16xf32> to vector<16xf32>
            %swap3A_489 = arith.index_cast %add3A_351 : i32 to index
            %swap3A_490 = arith.constant 192 : index
            %swap3A_491 = tpu.vector_load %arg7[%swap3A_489, %swap3A_490] {strides = array<i32>} : memref<16x256xf32, #tpu.memory_space<vmem>>, vector<1x16xf32>,
            %swap3A_492 = vector.shape_cast %swap3A_491 : vector<1x16xf32> to vector<16xf32>
            %swap3A_493 = vector.shape_cast %get3A_488 : vector<16xf32> to vector<1x16xf32>
            tpu.vector_store %arg7[%swap3A_489, %swap3A_490], %swap3A_493 {add = true, strides = array<i32>} : memref<16x256xf32, #tpu.memory_space<vmem>>, vector<1x16xf32>,
            %add3A_494 = arith.addi %mul3A_97, %scan3A_269 : i32
            %get3A_495 = arith.index_cast %rem3A_85 : i32 to index
            %get3A_496 = arith.index_cast %add3A_494 : i32 to index
            %get3A_497 = arith.constant 208 : index
            %get3A_498 = tpu.vector_load %arg5[%get3A_495, %get3A_496, %get3A_497] {strides = array<i32>} : memref<2x64x256xf32, #tpu.memory_space<vmem>>, vector<1x1x16xf32>,
            %get3A_499 = vector.shape_cast %get3A_498 : vector<1x1x16xf32> to vector<16xf32>
            %swap3A_500 = arith.index_cast %add3A_351 : i32 to index
            %swap3A_501 = arith.constant 208 : index
            %swap3A_502 = tpu.vector_load %arg7[%swap3A_500, %swap3A_501] {strides = array<i32>} : memref<16x256xf32, #tpu.memory_space<vmem>>, vector<1x16xf32>,
            %swap3A_503 = vector.shape_cast %swap3A_502 : vector<1x16xf32> to vector<16xf32>
            %swap3A_504 = vector.shape_cast %get3A_499 : vector<16xf32> to vector<1x16xf32>
            tpu.vector_store %arg7[%swap3A_500, %swap3A_501], %swap3A_504 {add = true, strides = array<i32>} : memref<16x256xf32, #tpu.memory_space<vmem>>, vector<1x16xf32>,
            %add3A_505 = arith.addi %mul3A_97, %scan3A_269 : i32
            %get3A_506 = arith.index_cast %rem3A_85 : i32 to index
            %get3A_507 = arith.index_cast %add3A_505 : i32 to index
            %get3A_508 = arith.constant 224 : index
            %get3A_509 = tpu.vector_load %arg5[%get3A_506, %get3A_507, %get3A_508] {strides = array<i32>} : memref<2x64x256xf32, #tpu.memory_space<vmem>>, vector<1x1x16xf32>,
            %get3A_510 = vector.shape_cast %get3A_509 : vector<1x1x16xf32> to vector<16xf32>
            %swap3A_511 = arith.index_cast %add3A_351 : i32 to index
            %swap3A_512 = arith.constant 224 : index
            %swap3A_513 = tpu.vector_load %arg7[%swap3A_511, %swap3A_512] {strides = array<i32>} : memref<16x256xf32, #tpu.memory_space<vmem>>, vector<1x16xf32>,
            %swap3A_514 = vector.shape_cast %swap3A_513 : vector<1x16xf32> to vector<16xf32>
            %swap3A_515 = vector.shape_cast %get3A_510 : vector<16xf32> to vector<1x16xf32>
            tpu.vector_store %arg7[%swap3A_511, %swap3A_512], %swap3A_515 {add = true, strides = array<i32>} : memref<16x256xf32, #tpu.memory_space<vmem>>, vector<1x16xf32>,
            %add3A_516 = arith.addi %mul3A_97, %scan3A_269 : i32
            %get3A_517 = arith.index_cast %rem3A_85 : i32 to index
            %get3A_518 = arith.index_cast %add3A_516 : i32 to index
            %get3A_519 = arith.constant 240 : index
            %get3A_520 = tpu.vector_load %arg5[%get3A_517, %get3A_518, %get3A_519] {strides = array<i32>} : memref<2x64x256xf32, #tpu.memory_space<vmem>>, vector<1x1x16xf32>,
            %get3A_521 = vector.shape_cast %get3A_520 : vector<1x1x16xf32> to vector<16xf32>
            %swap3A_522 = arith.index_cast %add3A_351 : i32 to index
            %swap3A_523 = arith.constant 240 : index
            %swap3A_524 = tpu.vector_load %arg7[%swap3A_522, %swap3A_523] {strides = array<i32>} : memref<16x256xf32, #tpu.memory_space<vmem>>, vector<1x16xf32>,
            %swap3A_525 = vector.shape_cast %swap3A_524 : vector<1x16xf32> to vector<16xf32>
            %swap3A_526 = vector.shape_cast %get3A_521 : vector<16xf32> to vector<1x16xf32>
            tpu.vector_store %arg7[%swap3A_522, %swap3A_523], %swap3A_526 {add = true, strides = array<i32>} : memref<16x256xf32, #tpu.memory_space<vmem>>, vector<1x16xf32>,
          }
          %scan3A_268 = arith.constant 16 : i32
        }
      }
      %scan3A_94 = arith.constant 4 : i32
    }
    %scan3A_57 = arith.constant 5 : i32
    "tpu.region"() ({
      %run_scoped3A = tpu.sem_alloc : memref<!tpu.dma_semaphore, #tpu.memory_space<semaphore_mem>>
      %dma_start3A_58 = arith.constant 0 : i32
      %dma_start3A_59 = arith.constant 0 : i32
      %dma_start3A_60 = tpu.memref_slice %arg4[%add3A, %dma_start3A_58, %dma_start3A_59] : memref<32x16x256xf32, #tpu.memory_space<hbm>> -> memref<1x16x256xf32, #tpu.memory_space<hbm>>
      %dma_start3A_61 = tpu.memref_squeeze %dma_start3A_60 : memref<1x16x256xf32, #tpu.memory_space<hbm>> -> memref<16x256xf32, #tpu.memory_space<hbm>>
      %dma_start3A_62 = arith.constant 0 : i32
      %dma_start3A_63 = arith.constant 0 : i32
      %dma_start3A_64 = tpu.memref_slice %arg4[%add3A, %dma_start3A_62, %dma_start3A_63] : memref<32x16x256xf32, #tpu.memory_space<hbm>> -> memref<1x16x256xf32, #tpu.memory_space<hbm>>
      %dma_start3A_65 = tpu.memref_squeeze %dma_start3A_64 : memref<1x16x256xf32, #tpu.memory_space<hbm>> -> memref<16x256xf32, #tpu.memory_space<hbm>>
      tpu.enqueue_dma source(%arg7 : memref<16x256xf32, #tpu.memory_space<vmem>>) target(%dma_start3A_65 : memref<16x256xf32, #tpu.memory_space<hbm>>) target_semaphore(%run_scoped3A : memref<!tpu.dma_semaphore, #tpu.memory_space<semaphore_mem>>)
      %dma_wait3A = arith.constant 0 : i32
      %dma_wait3A_66 = arith.constant 0 : i32
      %dma_wait3A_67 = tpu.memref_slice %arg4[%add3A, %dma_wait3A, %dma_wait3A_66] : memref<32x16x256xf32, #tpu.memory_space<hbm>> -> memref<1x16x256xf32, #tpu.memory_space<hbm>>
      %dma_wait3A_68 = tpu.memref_squeeze %dma_wait3A_67 : memref<1x16x256xf32, #tpu.memory_space<hbm>> -> memref<16x256xf32, #tpu.memory_space<hbm>>
      %dma_wait3A_69 = arith.constant 0 : i32
      %dma_wait3A_70 = arith.constant 0 : i32
      %dma_wait3A_71 = tpu.memref_slice %arg4[%add3A, %dma_wait3A_69, %dma_wait3A_70] : memref<32x16x256xf32, #tpu.memory_space<hbm>> -> memref<1x16x256xf32, #tpu.memory_space<hbm>>
      %dma_wait3A_72 = tpu.memref_squeeze %dma_wait3A_71 : memref<1x16x256xf32, #tpu.memory_space<hbm>> -> memref<16x256xf32, #tpu.memory_space<hbm>>
      tpu.wait_dma2 semaphore(%run_scoped3A : memref<!tpu.dma_semaphore, #tpu.memory_space<semaphore_mem>>) src(%arg7 : memref<16x256xf32, #tpu.memory_space<vmem>>) dst(%dma_wait3A_72 : memref<16x256xf32, #tpu.memory_space<hbm>>)
      tpu.yield
    }) : () -> ()
    return
  }
}

module attributes {stable_mosaic.version = 14 : i64} {
  func.func @body(%arg0: memref<32x16x256xf32, #tpu.memory_space<vmem>>, %arg1: memref<16x256xf32, #tpu.memory_space<vmem>>, %arg2: memref<53x256xf32, #tpu.memory_space<vmem>>, %arg3: memref<1x53xf32, #tpu.memory_space<vmem>>, %arg4: memref<17x1xi32, #tpu.memory_space<vmem>>, %arg5: memref<1x1xi32, #tpu.memory_space<smem>>, %arg6: memref<16x53xf32, #tpu.memory_space<vmem>>) attributes {dimension_semantics = [], scalar_prefetch = 0 : i64, scratch_operands = 0 : i64, tpu.core_type = #tpu.core_type<tc>} {
    %get3A = arith.constant 0 : index
    %get3A_0 = arith.constant 0 : index
    %get3A_1 = arith.constant 0 : index
    %get3A_2 = vector.load %arg0[%get3A, %get3A_0, %get3A_1] : memref<32x16x256xf32, #tpu.memory_space<vmem>>, vector<32x16x256xf32>
    %reduce_sum3A = arith.constant dense<0.000000e+00> : vector<16x256xf32>
    %reduce_sum3A_3 = vector.multi_reduction <add>, %get3A_2, %reduce_sum3A [0] : vector<32x16x256xf32> to vector<16x256xf32>
    %get3A_4 = arith.constant 0 : index
    %get3A_5 = arith.constant 0 : index
    %get3A_6 = vector.load %arg1[%get3A_4, %get3A_5] : memref<16x256xf32, #tpu.memory_space<vmem>>, vector<16x256xf32>
    %add3A = arith.addf %reduce_sum3A_3, %get3A_6 : vector<16x256xf32>
    %get3A_7 = arith.constant 0 : index
    %get3A_8 = arith.constant 0 : index
    %get3A_9 = vector.load %arg4[%get3A_7, %get3A_8] : memref<17x1xi32, #tpu.memory_space<vmem>>, vector<17x1xi32>
    %slice3A = vector.extract_strided_slice %get3A_9 {offsets = [1, 0], sizes = [16, 1], strides = [1, 1]} : vector<17x1xi32> to vector<16x1xi32>
    %slice3A_10 = vector.extract_strided_slice %get3A_9 {offsets = [0, 0], sizes = [16, 1], strides = [1, 1]} : vector<17x1xi32> to vector<16x1xi32>
    %sub3A = arith.subi %slice3A, %slice3A_10 : vector<16x1xi32>
    %convert_element_type3A = arith.sitofp %sub3A : vector<16x1xi32> to vector<16x1xf32>
    %div3A = vector.broadcast %convert_element_type3A : vector<16x1xf32> to vector<16x256xf32>
    %div3A_11 = arith.divf %add3A, %div3A : vector<16x256xf32>
    %get3A_12 = arith.constant 0 : index
    %get3A_13 = arith.constant 0 : index
    %get3A_14 = vector.load %arg2[%get3A_12, %get3A_13] : memref<53x256xf32, #tpu.memory_space<vmem>>, vector<53x256xf32>
    %dot_general3A = arith.constant dense<0.000000e+00> : vector<16x53xf32>
    %dot_general3A_15 = tpu.matmul %div3A_11, %get3A_14, %dot_general3A {dimension_numbers = #tpu.dot_dimension_numbers<[1], [1], [0], [0], [0, 0, 1, 0], [], []>, transpose_lhs_hint = false} : vector<16x256xf32>, vector<53x256xf32>, vector<16x53xf32> -> vector<16x53xf32>
    %get3A_16 = arith.constant 0 : index
    %get3A_17 = arith.constant 0 : index
    %get3A_18 = vector.load %arg3[%get3A_16, %get3A_17] : memref<1x53xf32, #tpu.memory_space<vmem>>, vector<1x53xf32>
    %add3A_19 = vector.broadcast %get3A_18 : vector<1x53xf32> to vector<16x53xf32>
    %add3A_20 = arith.addf %dot_general3A_15, %add3A_19 : vector<16x53xf32>
    %reduce_max3A = arith.constant dense<0xFF800000> : vector<16xf32>
    %reduce_max3A_21 = vector.multi_reduction <maximumf>, %add3A_20, %reduce_max3A [1] : vector<16x53xf32> to vector<16xf32>
    %broadcast_in_dim3A = vector.shape_cast %reduce_max3A_21 : vector<16xf32> to vector<16x1xf32>
    %sub3A_22 = vector.broadcast %broadcast_in_dim3A : vector<16x1xf32> to vector<16x53xf32>
    %sub3A_23 = arith.subf %add3A_20, %sub3A_22 : vector<16x53xf32>
    %exp3A = math.exp %sub3A_23 : vector<16x53xf32>
    %reduce_sum3A_24 = arith.constant dense<0.000000e+00> : vector<16xf32>
    %reduce_sum3A_25 = vector.multi_reduction <add>, %exp3A, %reduce_sum3A_24 [1] : vector<16x53xf32> to vector<16xf32>
    %broadcast_in_dim3A_26 = vector.shape_cast %reduce_sum3A_25 : vector<16xf32> to vector<16x1xf32>
    %div3A_27 = vector.broadcast %broadcast_in_dim3A_26 : vector<16x1xf32> to vector<16x53xf32>
    %div3A_28 = arith.divf %exp3A, %div3A_27 : vector<16x53xf32>
    %get3A_29 = arith.constant 0 : index
    %get3A_30 = arith.constant 0 : index
    %get3A_31 = memref.load %arg5[%get3A_29, %get3A_30] : memref<1x1xi32, #tpu.memory_space<smem>>
    %eq3A = arith.constant 1 : i32
    %eq3A_32 = arith.cmpi eq, %get3A_31, %eq3A : i32
    %select_n3A = arith.select %eq3A_32, %add3A_20, %div3A_28 : vector<16x53xf32>
    %swap3A = arith.constant 0 : index
    %swap3A_33 = arith.constant 0 : index
    %swap3A_34 = vector.load %arg6[%swap3A, %swap3A_33] : memref<16x53xf32, #tpu.memory_space<vmem>>, vector<16x53xf32>
    tpu.vector_store %arg6[%swap3A, %swap3A_33], %select_n3A {strides = array<i32>} : memref<16x53xf32, #tpu.memory_space<vmem>>, vector<16x53xf32>,
    return
  }
}

module attributes {stable_mosaic.version = 14 : i64} {
  func.func @body(%arg0: i32, %arg1: memref<17x1xi32, #tpu.memory_space<vmem>>, %arg2: memref<2048x256xf32, #tpu.memory_space<vmem>>, %arg3: memref<16x256xf32, #tpu.memory_space<vmem>>) attributes {dimension_semantics = [#tpu.dimension_semantics<arbitrary>], iteration_bounds = array<i64: 11>, scalar_prefetch = 0 : i64, scratch_operands = 0 : i64, tpu.core_type = #tpu.core_type<tc>, window_params = [{pipeline_mode = #tpu.pipeline_mode<synchronous>, transform_indices = @transform_0, window_bounds = array<i64: 17, 1>}, {transform_indices = @transform_1, window_bounds = array<i64: 2048, 256>}, {pipeline_mode = #tpu.pipeline_mode<synchronous>, transform_indices = @transform_2, window_bounds = array<i64: 16, 256>}]} {
    %get3A = arith.constant 0 : index
    %get3A_0 = arith.constant 0 : index
    %get3A_1 = vector.load %arg1[%get3A, %get3A_0] : memref<17x1xi32, #tpu.memory_space<vmem>>, vector<17x1xi32>
    %convert_element_type3A = arith.sitofp %get3A_1 : vector<17x1xi32> to vector<17x1xf32>
    %slice3A = vector.extract_strided_slice %convert_element_type3A {offsets = [1, 0], sizes = [16, 1], strides = [1, 1]} : vector<17x1xf32> to vector<16x1xf32>
    %slice3A_2 = vector.extract_strided_slice %convert_element_type3A {offsets = [0, 0], sizes = [16, 1], strides = [1, 1]} : vector<17x1xf32> to vector<16x1xf32>
    %iota3A = tpu.iota {dimensions = array<i32: 1>} : vector<1x2048xi32>
    %mul3A = arith.constant 2048 : i32
    %mul3A_3 = arith.muli %arg0, %mul3A : i32
    %add3A = arith.constant 10240 : i32
    %add3A_4 = arith.addi %add3A, %mul3A_3 : i32
    %add3A_5 = vector.broadcast %add3A_4 : i32 to vector<1x2048xi32>
    %add3A_6 = arith.addi %iota3A, %add3A_5 : vector<1x2048xi32>
    %convert_element_type3A_7 = arith.sitofp %add3A_6 : vector<1x2048xi32> to vector<1x2048xf32>
    %lt3A = vector.broadcast %convert_element_type3A_7 : vector<1x2048xf32> to vector<16x2048xf32>
    %lt3A_8 = vector.broadcast %slice3A : vector<16x1xf32> to vector<16x2048xf32>
    %lt3A_9 = arith.cmpf olt, %lt3A, %lt3A_8 : vector<16x2048xf32>
    %convert_element_type3A_10 = arith.extui %lt3A_9 : vector<16x2048xi1> to vector<16x2048xi32>
    %convert_element_type3A_11 = arith.sitofp %convert_element_type3A_10 : vector<16x2048xi32> to vector<16x2048xf32>
    %lt3A_12 = vector.broadcast %convert_element_type3A_7 : vector<1x2048xf32> to vector<16x2048xf32>
    %lt3A_13 = vector.broadcast %slice3A_2 : vector<16x1xf32> to vector<16x2048xf32>
    %lt3A_14 = arith.cmpf olt, %lt3A_12, %lt3A_13 : vector<16x2048xf32>
    %convert_element_type3A_15 = arith.extui %lt3A_14 : vector<16x2048xi1> to vector<16x2048xi32>
    %convert_element_type3A_16 = arith.sitofp %convert_element_type3A_15 : vector<16x2048xi32> to vector<16x2048xf32>
    %sub3A = arith.subf %convert_element_type3A_11, %convert_element_type3A_16 : vector<16x2048xf32>
    %get3A_17 = arith.constant 0 : index
    %get3A_18 = arith.constant 0 : index
    %get3A_19 = vector.load %arg2[%get3A_17, %get3A_18] : memref<2048x256xf32, #tpu.memory_space<vmem>>, vector<2048x256xf32>
    %dot_general3A = arith.constant dense<0.000000e+00> : vector<16x256xf32>
    %dot_general3A_20 = tpu.matmul %sub3A, %get3A_19, %dot_general3A {dimension_numbers = #tpu.dot_dimension_numbers<[1], [0], [0], [1], [0, 0, 1, 1], [], []>, transpose_lhs_hint = false} : vector<16x2048xf32>, vector<2048x256xf32>, vector<16x256xf32> -> vector<16x256xf32>
    %eq3A = arith.constant 0 : i32
    %eq3A_21 = arith.cmpi eq, %arg0, %eq3A : i32
    %convert_element_type3A_22 = arith.extui %eq3A_21 : i1 to i32
    %cond3A = arith.constant 0 : i32
    %cond3A_23 = arith.cmpi ne, %convert_element_type3A_22, %cond3A : i32
    scf.if %cond3A_23 {
      %swap3A = arith.constant 0 : index
      %swap3A_28 = arith.constant 0 : index
      %swap3A_29 = vector.load %arg3[%swap3A, %swap3A_28] : memref<16x256xf32, #tpu.memory_space<vmem>>, vector<16x256xf32>
      tpu.vector_store %arg3[%swap3A, %swap3A_28], %dot_general3A_20 {strides = array<i32>} : memref<16x256xf32, #tpu.memory_space<vmem>>, vector<16x256xf32>,
    } else {
    }
    %gt3A = arith.constant 0 : i32
    %gt3A_24 = arith.cmpi sgt, %arg0, %gt3A : i32
    %convert_element_type3A_25 = arith.extui %gt3A_24 : i1 to i32
    %cond3A_26 = arith.constant 0 : i32
    %cond3A_27 = arith.cmpi ne, %convert_element_type3A_25, %cond3A_26 : i32
    scf.if %cond3A_27 {
      %get3A_28 = arith.constant 0 : index
      %get3A_29 = arith.constant 0 : index
      %get3A_30 = vector.load %arg3[%get3A_28, %get3A_29] : memref<16x256xf32, #tpu.memory_space<vmem>>, vector<16x256xf32>
      %add3A_31 = arith.addf %get3A_30, %dot_general3A_20 : vector<16x256xf32>
      %swap3A = arith.constant 0 : index
      %swap3A_32 = arith.constant 0 : index
      %swap3A_33 = vector.load %arg3[%swap3A, %swap3A_32] : memref<16x256xf32, #tpu.memory_space<vmem>>, vector<16x256xf32>
      tpu.vector_store %arg3[%swap3A, %swap3A_32], %add3A_31 {strides = array<i32>} : memref<16x256xf32, #tpu.memory_space<vmem>>, vector<16x256xf32>,
    } else {
    }
    return
  }
  func.func @transform_0(%arg0: i32) -> (i32, i32) {
    %c0_i32 = arith.constant 0 : i32
    %c0_i32_0 = arith.constant 0 : i32
    %c0_i32_1 = arith.constant 0 : i32
    return %c0_i32, %c0_i32_0 : i32, i32
  }
  func.func @transform_1(%arg0: i32) -> (i32, i32) {
    %add3A = arith.constant 5 : i32
    %add3A_0 = arith.addi %add3A, %arg0 : i32
    %c0_i32 = arith.constant 0 : i32
    %c0_i32_1 = arith.constant 0 : i32
    return %add3A_0, %c0_i32 : i32, i32
  }
  func.func @transform_2(%arg0: i32) -> (i32, i32) {
    %c0_i32 = arith.constant 0 : i32
    %c0_i32_0 = arith.constant 0 : i32
    %c0_i32_1 = arith.constant 0 : i32
    return %c0_i32, %c0_i32_0 : i32, i32
  }
}

</mosaic_0001>

<sc_bundles>
// kernel: kernel.5.cloned.1.call-start
scs
__scs_entry_jumppad:
0x0: {  	(pc) =	sbr.rel $0x88, $3  }
0x1: {  	(tag) =	ssettag $0x0;
	lr =	simm.s32 $0x1  }
0x2: {  	[smem:$0x3F9C] =	sst lr;
	_ =	strace $0xD0000000  }
0x3: {  	_ = 	snop  }
0x4: {  	_ = 	snop  }
0x5: {  	_ = 	snop  }
0x6: {  	_ = 	snop  }
0x7: {  	_ = 	snop  }
__scs_overlays_trampoline_lowered:
0x8: {  	[smem:$0x3FAB] =	sst s0  }
0x9: {  	[smem:$0x3FAC] =	sst s1  }
0xa: {  	[smem:$0x3FAD] =	sst s2  }
0xb: {  	[smem:$0x3FAE] =	sst s3  }
0xc: {  	[smem:$0x3FAF] =	sst s4  }
0xd: {  	[smem:$0x3FB0] =	sst s5  }
0xe: {  	[smem:$0x3FB1] =	sst s6  }
0xf: {  	[smem:$0x3FB2] =	sst s7  }
0x10: {  	[smem:$0x3FB3] =	sst s8  }
0x11: {  	[smem:$0x3FB4] =	sst s9;
	s0 =	simm.s32 @!p0 $0x0  }
0x12: {  	s1 =	sld [smem:$0x3F9A];
	s0 =	simm.s32 @p0 $0x1  }
0x13: {  	[smem:$0x3FB5] =	sst s0;
	s0 =	simm.s32 @!p1 $0x0  }
0x14: {  	s2 =	sld [smem:$0x3F99];
	s0 =	simm.s32 @p1 $0x1  }
0x15: {  	[smem:$0x3FB6] =	sst s0;
	s0 =	simm.s32 @!p2 $0x0  }
0x16: {  	s3 =	sld [smem:$0x3FDB];
	s0 =	simm.s32 @p2 $0x1  }
0x17: {  	s4 =	simm.s32 $0x1BF5;
	[smem:$0x3FB8] =	sst s0  }
0x18: {  	s0 =	sld [smem:$0x3F9B];
	_ =	swait.ge [sflag:s4], $0x0  }
0x19: {  	s7 =	sld [smem:$0x3F9C]  }
0x1a: {  	s8 =	sadd.s32 $0xFFFFE003, lr  }
0x1b: {  	s9 =	sadd.s32 $0xFFFFFEF7, lr;
	s5 =	simm.s32 $0xFFFFFFFF;
	p2 =	slt.u32 s8, $0xFFFFF086  }
0x1c: {  	p1 =	slt.u32 s9, $0xF7A;
	s5 =	simm.s32 @!p2 $0x0  }
0x1d: {  	s5 =	simm.s32 @p1 $0x1;
	p0 =	seq.s32 s7, s2  }
0x1e: {  	s7 =	smul.u32 @!p0 $0xF7A, s2;
	p2 =	seq.s32 @!p0 s5, $0x0  }
0x1f: {  	s9 =	smul.u32 $0xF7A, s1;
	s8 =	simm.s32 @!p0 $0x1BF5;
	p2 =	por !p2, p0  }
0x20: {  	[sflag:s8] =	ssyncset.s32 @!p0 $0xFFFFF086;
	s6 =	sadd.s32 @!p0 s3, s7;
	s7 =	simm.s32 @!p0 $0x108  }
0x21: {  	s3 =	sadd.s32 s3, s9;
	s6 =	sadd.s32 @!p0 $0x88, s6;
	s7 =	simm.s32 @p2 $0x1082  }
0x22: {  	[simem:s7], [sflag:s8] =	dma.local @!p0 [hbm:s6], $0xF7A  }
0x23: {  	s9 =	sor.u32 $0xD0000000, s2;
	s6 =	simm.s32 $0x108;
	_ =	swait.ge @!p0 [sflag:s8], $0x0  }
0x24: {  	s3 =	sadd.s32 $0x88, s3;
	s6 =	simm.s32 @!p1 $0x1082;
	[sflag:s4] =	ssyncset.s32 $0xFFFFF086  }
0x25: {  	[simem:s6], [sflag:s4] =	dma.local [hbm:s3], $0xF7A  }
0x26: {  	[smem:$0x3F9C] =	sst s1;
	(tag) =	ssettag s2;
	_ =	strace s9  }
0x27: {  	s1 =	sld [smem:$0x3FAC]  }
0x28: {  	s2 =	sld [smem:$0x3FAD]  }
0x29: {  	s4 =	sld [smem:$0x3FAF]  }
0x2a: {  	p0 =	seq.s32 s5, $0x0;
	s5 =	sld [smem:$0x3FB0]  }
0x2b: {  	s6 =	sld [smem:$0x3FB1]  }
0x2c: {  	s7 =	sld [smem:$0x3FB2]  }
0x2d: {  	s3 =	simm.s32 $0x108;
	s8 =	sld [smem:$0x3FB3]  }
0x2e: {  	s3 =	simm.s32 @!p0 $0x1082;
	s9 =	sld [smem:$0x3FB4]  }
0x2f: {  	lr =	sadd.s32 s0, s3;
	s0 =	sld [smem:$0x3FAB]  }
0x30: {  	s3 =	sld [smem:$0x3FAE]  }
0x31: {  	[smem:$0x3FB7] =	sst s10  }
0x32: {  	s10 =	sld [smem:$0x3FB5];
	_ =	sdelay $0x3  }
0x33: {  	p0 =	seq.s32 s10, $0x1;
	s10 =	sld [smem:$0x3FB7];
	_ =	sdelay $0x3  }
0x34: {  	[smem:$0x3FB7] =	sst s10  }
0x35: {  	s10 =	sld [smem:$0x3FB6];
	_ =	sdelay $0x3  }
0x36: {  	p1 =	seq.s32 s10, $0x1;
	s10 =	sld [smem:$0x3FB7];
	_ =	sdelay $0x3  }
0x37: {  	[smem:$0x3FB7] =	sst s10  }
0x38: {  	s10 =	sld [smem:$0x3FB8]  }
0x39: {  	_ = 	snop;
	(pc) =	sbr.ind lr, $3  }
0x3a: {  	_ = 	snop  }
0x3b: {  	_ = 	snop  }
0x3c: {  	p2 =	seq.s32 s10, $0x1;
	s10 =	sld [smem:$0x3FB7]  }
0x3d: {  	_ =	shalt  }
0x3e: {  	_ =	shalt  }
0x3f: {  	_ =	shalt  }
0x40: {  	_ =	shalt  }
0x41: {  	_ =	shalt  }
0x42: {  	_ =	shalt  }
0x43: {  	_ =	shalt  }
0x44: {  	_ =	shalt  }
0x45: {  	_ =	shalt  }
0x46: {  	_ =	shalt  }
0x47: {  	_ =	shalt  }
0x48: {  	_ =	shalt  }
0x49: {  	_ =	shalt  }
0x4a: {  	_ =	shalt  }
0x4b: {  	_ =	shalt  }
0x4c: {  	_ =	shalt  }
0x4d: {  	_ =	shalt  }
0x4e: {  	_ =	shalt  }
0x4f: {  	_ =	shalt  }
0x50: {  	_ =	shalt  }
0x51: {  	_ =	shalt  }
0x52: {  	_ =	shalt  }
0x53: {  	_ =	shalt  }
0x54: {  	_ =	shalt  }
0x55: {  	_ =	shalt  }
0x56: {  	_ =	shalt  }
0x57: {  	_ =	shalt  }
0x58: {  	_ =	shalt  }
0x59: {  	_ =	shalt  }
0x5a: {  	_ =	shalt  }
0x5b: {  	_ =	shalt  }
0x5c: {  	_ =	shalt  }
0x5d: {  	_ =	shalt  }
0x5e: {  	_ =	shalt  }
0x5f: {  	_ =	shalt  }
0x60: {  	_ =	shalt  }
0x61: {  	_ =	shalt  }
0x62: {  	_ =	shalt  }
0x63: {  	_ =	shalt  }
0x64: {  	_ =	shalt  }
0x65: {  	_ =	shalt  }
0x66: {  	_ =	shalt  }
0x67: {  	_ =	shalt  }
0x68: {  	_ =	shalt  }
0x69: {  	_ =	shalt  }
0x6a: {  	_ =	shalt  }
0x6b: {  	_ =	shalt  }
0x6c: {  	_ =	shalt  }
0x6d: {  	_ =	shalt  }
0x6e: {  	_ =	shalt  }
0x6f: {  	_ =	shalt  }
0x70: {  	_ =	shalt  }
0x71: {  	_ =	shalt  }
0x72: {  	_ =	shalt  }
0x73: {  	_ =	shalt  }
0x74: {  	_ =	shalt  }
0x75: {  	_ =	shalt  }
0x76: {  	_ =	shalt  }
0x77: {  	_ =	shalt  }
0x78: {  	_ =	shalt  }
0x79: {  	_ =	shalt  }
0x7a: {  	_ =	shalt  }
0x7b: {  	_ =	shalt  }
0x7c: {  	_ =	shalt  }
0x7d: {  	_ =	shalt  }
0x7e: {  	_ =	shalt  }
0x7f: {  	_ =	shalt  }
0x80: {  	_ =	shalt  }
0x81: {  	_ =	shalt  }
0x82: {  	_ =	shalt  }
0x83: {  	_ =	shalt  }
0x84: {  	_ =	shalt  }
0x85: {  	_ =	shalt  }
0x86: {  	_ =	shalt  }
0x87: {  	_ =	shalt  }
.Lfunc_end0:
.L_simem_size_0:
called_computation_lowered:
.L_overlay_start_0:
0x88: {  	s2 =	sld [smem:$0x3FD9]  }
0x89: {  	s3 =	sld [smem:$0x3FFE];
	_ =	sdelay $0x1  }
0x8a: {  	s1 =	srdreg.scid  }
0x8b: {  	s0 =	sand.u32 $0x1, s1  }
0x8c: {  	s17 =	sshll.u32 s0, $0xA;
	s2 =	sadd.s32 s3, s2  }
0x8d: {  	s2 =	sadd.s32 s2, s17  }
0x8e: {  	[smem:$0x3FC3] =	sst s2  }
0x8f: {  	_ = 	snop  }
0x90: {  	s2 =	sld [smem:$0x3FC9]  }
0x91: {  	s18 =	sld [smem:$0x3FC6];
	(tm) =	ssettm $0x1  }
0x92: {  	s4 =	sld [smem:$0x3FFB];
	_ =	sdelay $0x3  }
0x93: {  	_ =	strace s4  }
0x94: {  	s4 =	sld [smem:$0x3FFC];
	_ =	sdelay $0x3  }
0x95: {  	_ =	strace s4  }
0x96: {  	s4 =	sld [smem:$0x3FFD];
	_ =	sdelay $0x3  }
0x97: {  	_ =	strace s4  }
0x98: {  	_ =	strace $0x8FFFFFFF  }
0x99: {  	s19 =	sld [smem:$0x3FDB];
	_ =	sdelay $0x1  }
0x9a: {  	s5 =	simm.s32 $_scs_section_size  }
0x9b: {  	s6 =	simm.s32 $_size__tile_overlayer_lowered;
	s7 =	simm.s32 $_tile_overlayer_lowered  }
0x9c: {  	s22 =	simm.s32 $0x1BFF;
	s21 =	sshll.u32 s7, $0x1;
	s4 =	sadd.s32 s5, s19  }
0x9d: {  	s8 =	simm.s32 $0x0;
	s20 =	sshll.u32 s6, $0x1;
	s6 =	sadd.s32 s21, s4  }
0x9e: {  	[timem:s8], [sflag:s22] =	dma.local [hbm:s6], s20  }
0x9f: {  	_ =	swait.ge [sflag:s22], s20  }
0xa0: {  	s5 =	ssub.s32 $0x0, s20;
	[sflag:s22] =	ssyncset.done $0x0  }
0xa1: {  	[sflag:s22] =	ssyncadd.s32 s5;
	_ =	sdelay $0x1  }
0xa2: {  	s23 =	simm.s32 $0x1B8B  }
0xa3: {  	_ =	swait.ge [sflag:s23], $0x1  }
0xa4: {  	[sflag:s23] =	ssyncset.done $0x0  }
0xa5: {  	s25 =	simm.s32 $0x1B8E;
	s24 =	sld [smem:$0x3FFE];
	[sflag:s23] =	ssyncadd.s32 $0xFFFFFFFF  }
0xa6: {  	s26 =	simm.s32 $execute0_lowered;
	[smem:$0x3FD2] =	sst s25  }
0xa7: {  	s6 =	sshll.u32 s26, $0x1;
	_ =	strace $0x80000046;
	[dreg:$0x1] =	wrdreg $0xFFFFFFFF  }
0xa8: {  	s28 =	simm.s32 $_size_execute0_lowered;
	s4 =	sadd.s32 s4, s6;
	[dreg:$0x0] =	wrdreg $0x0  }
0xa9: {  	s6 =	sshll.u32 s28, $0x1;
	[dreg:$0x2] =	wrdreg s4  }
0xaa: {  	[dreg:$0x3] =	wrdreg s6  }
0xab: {  	[dreg:$0x4] =	wrdreg $0xC0  }
0xac: {  	_ =	task [dreg:s8], $0x5FFFF  }
0xad: {  	[dreg:$0x1] =	wrdreg $0xFFFFFFFF  }
0xae: {  	[dreg:$0x0] =	wrdreg $0x60  }
0xaf: {  	[dreg:$0x2] =	wrdreg s2  }
0xb0: {  	[dreg:$0x3] =	wrdreg s18  }
0xb1: {  	[dreg:$0x4] =	wrdreg s24  }
0xb2: {  	[dreg:$0x5] =	wrdreg $0x9  }
0xb3: {  	_ =	task.clear_ibuf [dreg:s8], $0x6FFFF;
	_ =	strace $0x90000046  }
0xb4: {  	s29 =	simm.s32 $0x9;
	_ =	strace $0x80000048  }
0xb5: {  	_ =	swait.ge [sflag:s29], $0x1  }
0xb6: {  	[sflag:s29] =	ssyncadd.s32 $0xFFFFFFFF  }
0xb7: {  	_ =	strace $0x90000048  }
0xb8: {  	_ =	sfence  }
0xb9: {  	s30 =	sld [smem:$0x0];
	_ =	sdelay $0x2  }
0xba: {  	s31 =	sshll.u32 s1, $0xD;
	s1 =	sshrl.u32 s1, $0x2  }
0xbb: {  	s3 =	sand.u32 $0x4000, s31;
	s1 =	sadd.s32 s1, s30  }
0xbc: {  	s0 =	sor.u32 s3, s0;
	s1 =	sshll.u32 s1, $0x11  }
0xbd: {  	s0 =	sor.u32 s1, s0  }
0xbe: {  	s0 =	sadd.s32 $0x8F2B, s0  }
0xbf: {  	[sflag:s0] =	ssyncadd.remote.s32 $0x1  }
0xc0: {  	_ =	sfence.sel $0xFFFF  }
0xc1: {  	[dreg:$0x0] =	wrdreg $0xFFFFFFFF;
	(pc) =	sbr.abs _section_cstart, $3  }
0xc2: {  	[dreg:$0x1] =	wrdreg $0xFFFFFFFF  }
0xc3: {  	_ =	task.clear_ibuf [dreg:s8], $0x2FFFF;
	_ =	strace $0x9FFFFFFF  }
0xc4: {  	(tm) =	ssettm $0x7FFFFFFF  }
0xc5: {  	_ =	shalt  }
tec
execute0_lowered:
.L_overlay_start_1:
0x0: {  	(tag) =	ssettag $0x1  }
0x1: {  	s0 =	srdreg.scid  }
0x2: {  	s8 =	stileid.u32;
	s0 =	sand.u32 $0x1, s0  }
0x3: {  	s30 =	smul.u32 $0x140, s8;
	s2 =	sshll.u32 s0, $0x4  }
0x4: {  	s29 =	ssub.s32 $0x2, s0;
	s0 =	smul.u32 $0x1400, s0;
	s2 =	sor.u32 s8, s2  }
0x5: {  	s5 =	rddreg [dreg:$0x0];
	s3 =	smul.u32 $0x140, s2  }
0x6: {  	s1 =	rddreg [dreg:$0x2];
	s9 =	simm.s32 $0x0;
	s4 =	smul.u32 $0x2800, s2  }
0x7: {  	[smem:$0x7FF] =	sst s9;
	s6 =	sshll.u32 s2, $0x9;
	s2 =	smul.u32 $0x14000, s2  }
0x8: {  	s1 =	sadd.s32 s6, s1;
	[dreg:$0x4] =	wrdreg s3;
	s4 =	sadd.s32 s5, s4  }
.Ltmp0:
0x9: {  	_ =	strace $0x80000047;
	[dreg:$0x5] =	wrdreg s4;
	(pc) =	sbr.rel .LBB2_1-.Ltmp0, $4  }
0xa: {  	s7 =	sshrl.u32 s29, $0x1;
	s1 =	sadd.s32 $0xC00, s1;
	[dreg:$0x6] =	wrdreg s2  }
0xb: {  	s0 =	sadd.s32 s30, s0;
	s3 =	ssub.s32 s29, s7;
	[dreg:$0x7] =	wrdreg s1  }
0xc: {  	s31 =	smax.u32 s3, $0x1;
	[dreg:$0x9] =	wrdreg s0  }
0xd: {  	v0 =	vimm.f32 $0.0e+00;
	s2 =	simm.s32 $0x3;
	s1 =	simm.s32 $0x0;
	[dreg:$0x8] =	wrdreg s31  }
.LBB2_12:
0xe: {  	s9 =	simm.s32 $0x0  }
0xf: {  	s0 =	rddreg [dreg:$0x7];
	s1 =	simm.s32 $0x8080;
	s2 =	simm.s32 $0x3  }
0x10: {  	[hbm4b:s0+s9] =	stream.linear.scatter [tilespmem:s1], [sflag:$0x3], $0x1000, $0x38;
	[tilespmem:$0x9080] =	vst v63  }
0x11: {  	_ =	swait.ge [sflag:s2], $0x1000  }
0x12: {  	s30 =	rddreg [dreg:$0xa]  }
0x13: {  	s31 =	rddreg [dreg:$0x8];
	s1 =	sadd.s32 $0x1, s30  }
0x14: {  	p0 =	sne.s32 s1, s31  }
.Ltmp1:
0x15: {  	_ = 	snop;
	(pc) =	sbr.rel @!p0 .LBB2_13-.Ltmp1, $3  }
0x16: {  	_ =	sdelay $0x1  }
0x17: {  	[sflag:s2] =	ssyncset.done $0x0  }
0x18: {  	[sflag:s2] =	ssyncadd.s32 $0xFFFFF000  }
.LBB2_1:
0x19: {  	[dreg:$0xa] =	wrdreg s1  }
0x1a: {  	s0 =	rddreg [dreg:$0x5]  }
0x1b: {  	[tilespmem:s9], [sflag:$0x1] =	stream.linear.gather [hbm4b:s0+s9], $0x4000, $0x38;
	[tilespmem:$0x9080] =	vst v63  }
0x1c: {  	s26 =	rddreg [dreg:$0x1];
	s28 =	simm.s32 $0x8000  }
0x1d: {  	[tilespmem:s28], [sflag:$0x3] =	stream.linear.gather [hbm4b:s26+s9], $0x11, $0x38;
	[tilespmem:$0x9080] =	vst v63  }
0x1e: {  	_ =	swait.ge [sflag:s2], $0x11  }
0x1f: {  	s29 =	sand.u32 $0x800, s9;
	s30 =	sand.u32 $0x380, s9;
	[sflag:s2] =	ssyncset.done $0x0  }
0x20: {  	s0 =	sor.u32 s30, s29;
	[sflag:s2] =	ssyncadd.s32 $0xFFFFFFEF  }
0x21: {  	[tilespmem:s0+$0x84F0] =	vst v0  }
0x22: {  	[tilespmem:s0+$0x8080] =	vst v0  }
0x23: {  	[tilespmem:s0+$0x8090] =	vst v0  }
0x24: {  	[tilespmem:s0+$0x80A0] =	vst v0  }
0x25: {  	[tilespmem:s0+$0x80B0] =	vst v0  }
0x26: {  	[tilespmem:s0+$0x80C0] =	vst v0  }
0x27: {  	[tilespmem:s0+$0x80D0] =	vst v0  }
0x28: {  	[tilespmem:s0+$0x80E0] =	vst v0  }
0x29: {  	[tilespmem:s0+$0x80F0] =	vst v0  }
0x2a: {  	[tilespmem:s0+$0x8480] =	vst v0  }
0x2b: {  	[tilespmem:s0+$0x8490] =	vst v0  }
0x2c: {  	[tilespmem:s0+$0x84A0] =	vst v0  }
0x2d: {  	[tilespmem:s0+$0x84B0] =	vst v0  }
0x2e: {  	s31 =	simm.s32 $0x100;
	s1 =	simm.s32 $0x80;
	[tilespmem:s0+$0x84C0] =	vst v0  }
0x2f: {  	s3 =	sand.u32 $0x800, s31;
	s4 =	sand.u32 $0x380, s1;
	s2 =	simm.s32 $0x200;
	[tilespmem:s0+$0x84D0] =	vst v0  }
.LBB2_2:
0x30: {  	p0 =	sne.s32 s2, $0xF00;
	[tilespmem:s0+$0x84E0] =	vst v0;
	s0 =	sor.u32 s4, s3  }
0x31: {  	[tilespmem:s0+$0x84F0] =	vst v0  }
0x32: {  	[tilespmem:s0+$0x8080] =	vst v0  }
0x33: {  	[tilespmem:s0+$0x8090] =	vst v0  }
0x34: {  	[tilespmem:s0+$0x80A0] =	vst v0  }
0x35: {  	[tilespmem:s0+$0x80B0] =	vst v0  }
0x36: {  	[tilespmem:s0+$0x80C0] =	vst v0  }
0x37: {  	[tilespmem:s0+$0x80D0] =	vst v0  }
0x38: {  	[tilespmem:s0+$0x80E0] =	vst v0  }
0x39: {  	[tilespmem:s0+$0x80F0] =	vst v0  }
0x3a: {  	[tilespmem:s0+$0x8480] =	vst v0  }
.Ltmp2:
0x3b: {  	[tilespmem:s0+$0x8490] =	vst v0;
	(pc) =	sbr.rel @p0 .LBB2_2-.Ltmp2, $4  }
0x3c: {  	[tilespmem:s0+$0x84A0] =	vst v0  }
0x3d: {  	[tilespmem:s0+$0x84B0] =	vst v0  }
0x3e: {  	s1 =	sadd.s32 $0x80, s1;
	[tilespmem:s0+$0x84C0] =	vst v0  }
0x3f: {  	s3 =	sand.u32 $0x800, s2;
	s2 =	sadd.s32 $0x100, s2;
	s4 =	sand.u32 $0x380, s1;
	[tilespmem:s0+$0x84D0] =	vst v0  }
0x40: {  	s1 =	sor.u32 s4, s3;
	[tilespmem:s0+$0x84E0] =	vst v0  }
0x41: {  	[tilespmem:s1+$0x84F0] =	vst v0  }
0x42: {  	[tilespmem:s1+$0x8080] =	vst v0  }
0x43: {  	[tilespmem:s1+$0x8090] =	vst v0  }
0x44: {  	[tilespmem:s1+$0x80A0] =	vst v0  }
0x45: {  	[tilespmem:s1+$0x80B0] =	vst v0  }
0x46: {  	[tilespmem:s1+$0x80C0] =	vst v0  }
0x47: {  	[tilespmem:s1+$0x80D0] =	vst v0  }
0x48: {  	[tilespmem:s1+$0x80E0] =	vst v0  }
0x49: {  	[tilespmem:s1+$0x80F0] =	vst v0  }
0x4a: {  	[tilespmem:s1+$0x8480] =	vst v0  }
0x4b: {  	[tilespmem:s1+$0x8490] =	vst v0  }
0x4c: {  	[tilespmem:s1+$0x84A0] =	vst v0  }
0x4d: {  	[tilespmem:s1+$0x84B0] =	vst v0  }
0x4e: {  	[tilespmem:s1+$0x84C0] =	vst v0  }
0x4f: {  	[tilespmem:s1+$0x84D0] =	vst v0  }
0x50: {  	[tilespmem:s1+$0x84E0] =	vst v0  }
0x51: {  	v1 =	vld [tilespmem:$0x8001];
	_ =	sdelay $0x4  }
0x52: {  	(v2sf) =	vpush v1, $0x0  }
0x53: {  	(v2sf) =	vpush v1, $0x1  }
0x54: {  	(v2sf) =	vpush v1, $0x2  }
0x55: {  	(v2sf) =	vpush v1, $0x3  }
0x56: {  	(v2sf) =	vpush v1, $0x4  }
0x57: {  	(v2sf) =	vpush v1, $0x5  }
0x58: {  	(v2sf) =	vpush v1, $0x6  }
0x59: {  	(v2sf) =	vpush v1, $0x7  }
0x5a: {  	(v2sf) =	vpush v1, $0x8  }
0x5b: {  	(v2sf) =	vpush v1, $0x9  }
0x5c: {  	(v2sf) =	vpush v1, $0xA  }
0x5d: {  	(v2sf) =	vpush v1, $0xB  }
0x5e: {  	(v2sf) =	vpush v1, $0xC  }
0x5f: {  	(v2sf) =	vpush v1, $0xD  }
0x60: {  	(v2sf) =	vpush v1, $0xE  }
0x61: {  	s15 =	spop (v2sf);
	(v2sf) =	vpush v1, $0xF  }
0x62: {  	s16 =	spop (v2sf)  }
0x63: {  	s17 =	spop (v2sf)  }
0x64: {  	s18 =	spop (v2sf)  }
0x65: {  	s19 =	spop (v2sf)  }
0x66: {  	s20 =	spop (v2sf)  }
0x67: {  	s21 =	spop (v2sf)  }
0x68: {  	s22 =	spop (v2sf)  }
0x69: {  	s23 =	spop (v2sf)  }
0x6a: {  	s24 =	spop (v2sf)  }
0x6b: {  	s25 =	spop (v2sf)  }
.Ltmp3:
0x6c: {  	s26 =	spop (v2sf);
	(pc) =	sbr.rel .LBB2_5-.Ltmp3, $4  }
0x6d: {  	s28 =	spop (v2sf)  }
0x6e: {  	s29 =	spop (v2sf)  }
0x6f: {  	s30 =	spop (v2sf)  }
0x70: {  	s2 =	simm.s32 $0x0;
	s1 =	rddreg [dreg:$0x9];
	s31 =	spop (v2sf)  }
.LBB2_4:
0x71: {  	p0 =	seq.s32 s2, $0x5  }
.Ltmp4:
0x72: {  	_ = 	snop;
	(pc) =	sbr.rel @p0 .LBB2_12-.Ltmp4, $2  }
0x73: {  	_ =	sdelay $0x2  }
0x74: {  	s1 =	sadd.s32 $0x40, s1  }
.LBB2_5:
0x75: {  	s3 =	sand.u32 $0x1, s2  }
0x76: {  	s0 =	smov.u32 s2;
	s2 =	sadd.s32 $0x1, s2;
	p0 =	seq.s32 s3, $0x0  }
0x77: {  	s7 =	rddreg [dreg:$0x6];
	s4 =	sshll.u32 @!p0 s2, $0xE  }
0x78: {  	s5 =	rddreg [dreg:$0x0];
	s13 =	sand.u32 $0x1, s2;
	s4 =	sadd.s32 @!p0 s7, s4  }
0x79: {  	p1 =	seq.s32 s0, $0x4;
	p2 =	seq.s32 s13, $0x1;
	s4 =	sshrl.u32 @!p0 s4, $0x3  }
0x7a: {  	s6 =	simm.s32 @!p0 $0x0;
	p1 =	por !p2, p1;
	s4 =	sadd.s32 @!p0 s5, s4  }
0x7b: {  	[tilespmem:s6], [sflag:$0x1] =	stream.linear.gather @!p0 [hbm4b:s4+s6], $0x4000, $0x38;
	[tilespmem:$0x9080] =	vst v63  }
0x7c: {  	s4 =	sshll.u32 @!p1 s2, $0xE  }
0x7d: {  	s4 =	sadd.s32 @!p1 s7, s4  }
0x7e: {  	s4 =	sshrl.u32 @!p1 s4, $0x3  }
0x7f: {  	s8 =	simm.s32 @!p1 $0x4000;
	s6 =	simm.s32 @!p1 $0x0;
	s4 =	sadd.s32 @!p1 s5, s4  }
0x80: {  	[tilespmem:s8], [sflag:$0x2] =	stream.linear.gather @!p1 [hbm4b:s4+s6], $0x4000, $0x38;
	[tilespmem:$0x9080] =	vst v63  }
.Ltmp5:
0x81: {  	s4 =	simm.s32 $0x1;
	(pc) =	sbr.rel .LBB2_6-.Ltmp5, $4  }
0x82: {  	s10 =	smov.u32 s1;
	s4 =	simm.s32 @!p0 $0x2  }
0x83: {  	s0 =	sshll.u32 s0, $0x6;
	s3 =	sshll.u32 s3, $0xE;
	_ =	swait.ge [sflag:s4], $0x4000  }
0x84: {  	s13 =	simm.s32 $0x0;
	[sflag:s4] =	ssyncset.done $0x0;
	s14 =	rddreg [dreg:$0x4]  }
0x85: {  	v1 =	vmov s3;
	s8 =	simm.s32 $0x0;
	[sflag:s4] =	ssyncadd.s32 $0xFFFFC000;
	s11 =	sadd.s32 s14, s0  }
.LBB2_7:
0x86: {  	_ =	sdelay $0x1  }
0x87: {  	s0 =	sshll.u32 s8, $0xE  }
0x88: {  	s9 =	sshra.s32 s0, $0x2  }
0x89: {  	v2 =	vld.idx.msk [tilespmem:v1+s9+$0x0 ss:$0x1], $0xffff  }
0x8a: {  	v3 =	vld.idx.msk [tilespmem:v1+s9+$0x80 ss:$0x1], $0xffff  }
0x8b: {  	v4 =	vld.idx.msk [tilespmem:v1+s9+$0x100 ss:$0x1], $0xffff  }
0x8c: {  	v5 =	vld.idx.msk [tilespmem:v1+s9+$0x180 ss:$0x1], $0xffff  }
0x8d: {  	v6 =	vld.idx.msk [tilespmem:v1+s9+$0x200 ss:$0x1], $0xffff  }
0x8e: {  	v7 =	vld.idx.msk [tilespmem:v1+s9+$0x280 ss:$0x1], $0xffff  }
0x8f: {  	v8 =	vld.idx.msk [tilespmem:v1+s9+$0x300 ss:$0x1], $0xffff  }
0x90: {  	v9 =	vld.idx.msk [tilespmem:v1+s9+$0x380 ss:$0x1], $0xffff  }
0x91: {  	v10 =	vld.idx.msk [tilespmem:v1+s9+$0x800 ss:$0x1], $0xffff  }
0x92: {  	v11 =	vld.idx.msk [tilespmem:v1+s9+$0x880 ss:$0x1], $0xffff  }
0x93: {  	v12 =	vld.idx.msk [tilespmem:v1+s9+$0x900 ss:$0x1], $0xffff  }
0x94: {  	v13 =	vld.idx.msk [tilespmem:v1+s9+$0x980 ss:$0x1], $0xffff  }
0x95: {  	v14 =	vld.idx.msk [tilespmem:v1+s9+$0xA00 ss:$0x1], $0xffff  }
0x96: {  	v15 =	vld.idx.msk [tilespmem:v1+s9+$0xA80 ss:$0x1], $0xffff  }
0x97: {  	v16 =	vld.idx.msk [tilespmem:v1+s9+$0xB00 ss:$0x1], $0xffff  }
0x98: {  	v17 =	vld.idx.msk [tilespmem:v1+s9+$0xB80 ss:$0x1], $0xffff;
	_ =	sdelay $0x1  }
0x99: {  	v2 =	vadd.f32 v3, v2;
	v3 =	vadd.f32 v5, v4  }
0x9a: {  	v42 =	vadd.f32 v7, v6;
	v43 =	vadd.f32 v9, v8  }
0x9b: {  	v44 =	vadd.f32 v11, v10;
	v45 =	vadd.f32 v13, v12  }
0x9c: {  	v46 =	vadd.f32 v15, v14;
	v47 =	vadd.f32 v17, v16  }
0x9d: {  	v2 =	vadd.f32 v3, v2;
	v3 =	vadd.f32 v43, v42  }
0x9e: {  	v48 =	vadd.f32 v45, v44;
	v49 =	vadd.f32 v47, v46;
	_ =	sdelay $0x1  }
0x9f: {  	v2 =	vadd.f32 v3, v2;
	v3 =	vadd.f32 v49, v48  }
0xa0: {  	s12 =	sshll.u32 s4, $0x8;
	s14 =	sshll.u32 s4, $0x7  }
0xa1: {  	s0 =	sand.u32 $0x7FFFF800, s12;
	s4 =	sand.u32 $0x380, s14;
	v2 =	vadd.f32 v3, v2  }
0xa2: {  	s6 =	sor.u32 s4, s0  }
0xa3: {  	[tilespmem:s6+$0x8080] =	vst.add.f32.msk $0xffff, v2  }
0xa4: {  	v2 =	vld.idx.msk [tilespmem:v1+s9+$0x10 ss:$0x1], $0xffff  }
0xa5: {  	v3 =	vld.idx.msk [tilespmem:v1+s9+$0x90 ss:$0x1], $0xffff  }
0xa6: {  	v50 =	vld.idx.msk [tilespmem:v1+s9+$0x110 ss:$0x1], $0xffff  }
0xa7: {  	v51 =	vld.idx.msk [tilespmem:v1+s9+$0x190 ss:$0x1], $0xffff  }
0xa8: {  	v52 =	vld.idx.msk [tilespmem:v1+s9+$0x210 ss:$0x1], $0xffff  }
0xa9: {  	v53 =	vld.idx.msk [tilespmem:v1+s9+$0x290 ss:$0x1], $0xffff  }
0xaa: {  	v54 =	vld.idx.msk [tilespmem:v1+s9+$0x310 ss:$0x1], $0xffff  }
0xab: {  	v55 =	vld.idx.msk [tilespmem:v1+s9+$0x390 ss:$0x1], $0xffff  }
0xac: {  	v56 =	vld.idx.msk [tilespmem:v1+s9+$0x810 ss:$0x1], $0xffff  }
0xad: {  	v57 =	vld.idx.msk [tilespmem:v1+s9+$0x890 ss:$0x1], $0xffff  }
0xae: {  	v58 =	vld.idx.msk [tilespmem:v1+s9+$0x910 ss:$0x1], $0xffff  }
0xaf: {  	v59 =	vld.idx.msk [tilespmem:v1+s9+$0x990 ss:$0x1], $0xffff  }
0xb0: {  	v60 =	vld.idx.msk [tilespmem:v1+s9+$0xA10 ss:$0x1], $0xffff  }
0xb1: {  	v61 =	vld.idx.msk [tilespmem:v1+s9+$0xA90 ss:$0x1], $0xffff  }
0xb2: {  	v62 =	vld.idx.msk [tilespmem:v1+s9+$0xB10 ss:$0x1], $0xffff  }
0xb3: {  	v63 =	vld.idx.msk [tilespmem:v1+s9+$0xB90 ss:$0x1], $0xffff;
	_ =	sdelay $0x1  }
0xb4: {  	v2 =	vadd.f32 v3, v2;
	v3 =	vadd.f32 v51, v50  }
0xb5: {  	v20 =	vadd.f32 v53, v52;
	v21 =	vadd.f32 v55, v54  }
0xb6: {  	v22 =	vadd.f32 v57, v56;
	v23 =	vadd.f32 v59, v58  }
0xb7: {  	v24 =	vadd.f32 v61, v60;
	v25 =	vadd.f32 v63, v62  }
0xb8: {  	v2 =	vadd.f32 v3, v2;
	v3 =	vadd.f32 v21, v20  }
0xb9: {  	v26 =	vadd.f32 v23, v22;
	v27 =	vadd.f32 v25, v24;
	_ =	sdelay $0x1  }
0xba: {  	v2 =	vadd.f32 v3, v2;
	v3 =	vadd.f32 v27, v26;
	_ =	sdelay $0x1  }
0xbb: {  	v2 =	vadd.f32 v3, v2;
	_ =	sdelay $0x1  }
0xbc: {  	[tilespmem:s6+$0x8090] =	vst.add.f32.msk $0xffff, v2  }
0xbd: {  	v2 =	vld.idx.msk [tilespmem:v1+s9+$0x20 ss:$0x1], $0xffff  }
0xbe: {  	v3 =	vld.idx.msk [tilespmem:v1+s9+$0xA0 ss:$0x1], $0xffff  }
0xbf: {  	v28 =	vld.idx.msk [tilespmem:v1+s9+$0x120 ss:$0x1], $0xffff  }
0xc0: {  	v29 =	vld.idx.msk [tilespmem:v1+s9+$0x1A0 ss:$0x1], $0xffff  }
0xc1: {  	v30 =	vld.idx.msk [tilespmem:v1+s9+$0x220 ss:$0x1], $0xffff  }
0xc2: {  	v31 =	vld.idx.msk [tilespmem:v1+s9+$0x2A0 ss:$0x1], $0xffff  }
0xc3: {  	v32 =	vld.idx.msk [tilespmem:v1+s9+$0x320 ss:$0x1], $0xffff  }
0xc4: {  	v33 =	vld.idx.msk [tilespmem:v1+s9+$0x3A0 ss:$0x1], $0xffff  }
0xc5: {  	v34 =	vld.idx.msk [tilespmem:v1+s9+$0x820 ss:$0x1], $0xffff  }
0xc6: {  	v35 =	vld.idx.msk [tilespmem:v1+s9+$0x8A0 ss:$0x1], $0xffff  }
0xc7: {  	v36 =	vld.idx.msk [tilespmem:v1+s9+$0x920 ss:$0x1], $0xffff  }
0xc8: {  	v37 =	vld.idx.msk [tilespmem:v1+s9+$0x9A0 ss:$0x1], $0xffff  }
0xc9: {  	v38 =	vld.idx.msk [tilespmem:v1+s9+$0xA20 ss:$0x1], $0xffff  }
0xca: {  	v39 =	vld.idx.msk [tilespmem:v1+s9+$0xAA0 ss:$0x1], $0xffff  }
0xcb: {  	v40 =	vld.idx.msk [tilespmem:v1+s9+$0xB20 ss:$0x1], $0xffff  }
0xcc: {  	v41 =	vld.idx.msk [tilespmem:v1+s9+$0xBA0 ss:$0x1], $0xffff;
	_ =	sdelay $0x1  }
0xcd: {  	v2 =	vadd.f32 v3, v2;
	v3 =	vadd.f32 v29, v28  }
0xce: {  	v42 =	vadd.f32 v31, v30;
	v43 =	vadd.f32 v33, v32  }
0xcf: {  	v44 =	vadd.f32 v35, v34;
	v45 =	vadd.f32 v37, v36  }
0xd0: {  	v46 =	vadd.f32 v39, v38;
	v47 =	vadd.f32 v41, v40  }
0xd1: {  	v2 =	vadd.f32 v3, v2;
	v3 =	vadd.f32 v43, v42  }
0xd2: {  	v48 =	vadd.f32 v45, v44;
	v49 =	vadd.f32 v47, v46;
	_ =	sdelay $0x1  }
0xd3: {  	v2 =	vadd.f32 v3, v2;
	v3 =	vadd.f32 v49, v48;
	_ =	sdelay $0x1  }
0xd4: {  	v2 =	vadd.f32 v3, v2;
	_ =	sdelay $0x1  }
0xd5: {  	[tilespmem:s6+$0x80A0] =	vst.add.f32.msk $0xffff, v2  }
0xd6: {  	v2 =	vld.idx.msk [tilespmem:v1+s9+$0x30 ss:$0x1], $0xffff  }
0xd7: {  	v3 =	vld.idx.msk [tilespmem:v1+s9+$0xB0 ss:$0x1], $0xffff  }
0xd8: {  	v50 =	vld.idx.msk [tilespmem:v1+s9+$0x130 ss:$0x1], $0xffff  }
0xd9: {  	v51 =	vld.idx.msk [tilespmem:v1+s9+$0x1B0 ss:$0x1], $0xffff  }
0xda: {  	v52 =	vld.idx.msk [tilespmem:v1+s9+$0x230 ss:$0x1], $0xffff  }
0xdb: {  	v53 =	vld.idx.msk [tilespmem:v1+s9+$0x2B0 ss:$0x1], $0xffff  }
0xdc: {  	v54 =	vld.idx.msk [tilespmem:v1+s9+$0x330 ss:$0x1], $0xffff  }
0xdd: {  	v55 =	vld.idx.msk [tilespmem:v1+s9+$0x3B0 ss:$0x1], $0xffff  }
0xde: {  	v56 =	vld.idx.msk [tilespmem:v1+s9+$0x830 ss:$0x1], $0xffff  }
0xdf: {  	v57 =	vld.idx.msk [tilespmem:v1+s9+$0x8B0 ss:$0x1], $0xffff  }
0xe0: {  	v58 =	vld.idx.msk [tilespmem:v1+s9+$0x930 ss:$0x1], $0xffff  }
0xe1: {  	v59 =	vld.idx.msk [tilespmem:v1+s9+$0x9B0 ss:$0x1], $0xffff  }
0xe2: {  	v60 =	vld.idx.msk [tilespmem:v1+s9+$0xA30 ss:$0x1], $0xffff  }
0xe3: {  	v61 =	vld.idx.msk [tilespmem:v1+s9+$0xAB0 ss:$0x1], $0xffff  }
0xe4: {  	v62 =	vld.idx.msk [tilespmem:v1+s9+$0xB30 ss:$0x1], $0xffff  }
0xe5: {  	v63 =	vld.idx.msk [tilespmem:v1+s9+$0xBB0 ss:$0x1], $0xffff;
	_ =	sdelay $0x1  }
0xe6: {  	v2 =	vadd.f32 v3, v2;
	v3 =	vadd.f32 v51, v50  }
0xe7: {  	v20 =	vadd.f32 v53, v52;
	v21 =	vadd.f32 v55, v54  }
0xe8: {  	v22 =	vadd.f32 v57, v56;
	v23 =	vadd.f32 v59, v58  }
0xe9: {  	v24 =	vadd.f32 v61, v60;
	v25 =	vadd.f32 v63, v62  }
0xea: {  	v2 =	vadd.f32 v3, v2;
	v3 =	vadd.f32 v21, v20  }
0xeb: {  	v26 =	vadd.f32 v23, v22;
	v27 =	vadd.f32 v25, v24;
	_ =	sdelay $0x1  }
0xec: {  	v2 =	vadd.f32 v3, v2;
	v3 =	vadd.f32 v27, v26;
	_ =	sdelay $0x1  }
0xed: {  	v2 =	vadd.f32 v3, v2;
	_ =	sdelay $0x1  }
0xee: {  	[tilespmem:s6+$0x80B0] =	vst.add.f32.msk $0xffff, v2  }
0xef: {  	v2 =	vld.idx.msk [tilespmem:v1+s9+$0x40 ss:$0x1], $0xffff  }
0xf0: {  	v3 =	vld.idx.msk [tilespmem:v1+s9+$0xC0 ss:$0x1], $0xffff  }
0xf1: {  	v28 =	vld.idx.msk [tilespmem:v1+s9+$0x140 ss:$0x1], $0xffff  }
0xf2: {  	v29 =	vld.idx.msk [tilespmem:v1+s9+$0x1C0 ss:$0x1], $0xffff  }
0xf3: {  	v30 =	vld.idx.msk [tilespmem:v1+s9+$0x240 ss:$0x1], $0xffff  }
0xf4: {  	v31 =	vld.idx.msk [tilespmem:v1+s9+$0x2C0 ss:$0x1], $0xffff  }
0xf5: {  	v32 =	vld.idx.msk [tilespmem:v1+s9+$0x340 ss:$0x1], $0xffff  }
0xf6: {  	v33 =	vld.idx.msk [tilespmem:v1+s9+$0x3C0 ss:$0x1], $0xffff  }
0xf7: {  	v34 =	vld.idx.msk [tilespmem:v1+s9+$0x840 ss:$0x1], $0xffff  }
0xf8: {  	v35 =	vld.idx.msk [tilespmem:v1+s9+$0x8C0 ss:$0x1], $0xffff  }
0xf9: {  	v36 =	vld.idx.msk [tilespmem:v1+s9+$0x940 ss:$0x1], $0xffff  }
0xfa: {  	v37 =	vld.idx.msk [tilespmem:v1+s9+$0x9C0 ss:$0x1], $0xffff  }
0xfb: {  	v38 =	vld.idx.msk [tilespmem:v1+s9+$0xA40 ss:$0x1], $0xffff  }
0xfc: {  	v39 =	vld.idx.msk [tilespmem:v1+s9+$0xAC0 ss:$0x1], $0xffff  }
0xfd: {  	v40 =	vld.idx.msk [tilespmem:v1+s9+$0xB40 ss:$0x1], $0xffff  }
0xfe: {  	v41 =	vld.idx.msk [tilespmem:v1+s9+$0xBC0 ss:$0x1], $0xffff;
	_ =	sdelay $0x1  }
0xff: {  	v2 =	vadd.f32 v3, v2;
	v3 =	vadd.f32 v29, v28  }
0x100: {  	v42 =	vadd.f32 v31, v30;
	v43 =	vadd.f32 v33, v32  }
0x101: {  	v44 =	vadd.f32 v35, v34;
	v45 =	vadd.f32 v37, v36  }
0x102: {  	v46 =	vadd.f32 v39, v38;
	v47 =	vadd.f32 v41, v40  }
0x103: {  	v2 =	vadd.f32 v3, v2;
	v3 =	vadd.f32 v43, v42  }
0x104: {  	v48 =	vadd.f32 v45, v44;
	v49 =	vadd.f32 v47, v46;
	_ =	sdelay $0x1  }
0x105: {  	v2 =	vadd.f32 v3, v2;
	v3 =	vadd.f32 v49, v48;
	_ =	sdelay $0x1  }
0x106: {  	v2 =	vadd.f32 v3, v2;
	_ =	sdelay $0x1  }
0x107: {  	[tilespmem:s6+$0x80C0] =	vst.add.f32.msk $0xffff, v2  }
0x108: {  	v2 =	vld.idx.msk [tilespmem:v1+s9+$0x50 ss:$0x1], $0xffff  }
0x109: {  	v3 =	vld.idx.msk [tilespmem:v1+s9+$0xD0 ss:$0x1], $0xffff  }
0x10a: {  	v50 =	vld.idx.msk [tilespmem:v1+s9+$0x150 ss:$0x1], $0xffff  }
0x10b: {  	v51 =	vld.idx.msk [tilespmem:v1+s9+$0x1D0 ss:$0x1], $0xffff  }
0x10c: {  	v52 =	vld.idx.msk [tilespmem:v1+s9+$0x250 ss:$0x1], $0xffff  }
0x10d: {  	v53 =	vld.idx.msk [tilespmem:v1+s9+$0x2D0 ss:$0x1], $0xffff  }
0x10e: {  	v54 =	vld.idx.msk [tilespmem:v1+s9+$0x350 ss:$0x1], $0xffff  }
0x10f: {  	v55 =	vld.idx.msk [tilespmem:v1+s9+$0x3D0 ss:$0x1], $0xffff  }
0x110: {  	v56 =	vld.idx.msk [tilespmem:v1+s9+$0x850 ss:$0x1], $0xffff  }
0x111: {  	v57 =	vld.idx.msk [tilespmem:v1+s9+$0x8D0 ss:$0x1], $0xffff  }
0x112: {  	v58 =	vld.idx.msk [tilespmem:v1+s9+$0x950 ss:$0x1], $0xffff  }
0x113: {  	v59 =	vld.idx.msk [tilespmem:v1+s9+$0x9D0 ss:$0x1], $0xffff  }
0x114: {  	v60 =	vld.idx.msk [tilespmem:v1+s9+$0xA50 ss:$0x1], $0xffff  }
0x115: {  	v61 =	vld.idx.msk [tilespmem:v1+s9+$0xAD0 ss:$0x1], $0xffff  }
0x116: {  	v62 =	vld.idx.msk [tilespmem:v1+s9+$0xB50 ss:$0x1], $0xffff  }
0x117: {  	v63 =	vld.idx.msk [tilespmem:v1+s9+$0xBD0 ss:$0x1], $0xffff;
	_ =	sdelay $0x1  }
0x118: {  	v2 =	vadd.f32 v3, v2;
	v3 =	vadd.f32 v51, v50  }
0x119: {  	v20 =	vadd.f32 v53, v52;
	v21 =	vadd.f32 v55, v54  }
0x11a: {  	v22 =	vadd.f32 v57, v56;
	v23 =	vadd.f32 v59, v58  }
0x11b: {  	v24 =	vadd.f32 v61, v60;
	v25 =	vadd.f32 v63, v62  }
0x11c: {  	v2 =	vadd.f32 v3, v2;
	v3 =	vadd.f32 v21, v20  }
0x11d: {  	v26 =	vadd.f32 v23, v22;
	v27 =	vadd.f32 v25, v24;
	_ =	sdelay $0x1  }
0x11e: {  	v2 =	vadd.f32 v3, v2;
	v3 =	vadd.f32 v27, v26;
	_ =	sdelay $0x1  }
0x11f: {  	v2 =	vadd.f32 v3, v2;
	_ =	sdelay $0x1  }
0x120: {  	[tilespmem:s6+$0x80D0] =	vst.add.f32.msk $0xffff, v2  }
0x121: {  	v2 =	vld.idx.msk [tilespmem:v1+s9+$0x60 ss:$0x1], $0xffff  }
0x122: {  	v3 =	vld.idx.msk [tilespmem:v1+s9+$0xE0 ss:$0x1], $0xffff  }
0x123: {  	v28 =	vld.idx.msk [tilespmem:v1+s9+$0x160 ss:$0x1], $0xffff  }
0x124: {  	v29 =	vld.idx.msk [tilespmem:v1+s9+$0x1E0 ss:$0x1], $0xffff  }
0x125: {  	v30 =	vld.idx.msk [tilespmem:v1+s9+$0x260 ss:$0x1], $0xffff  }
0x126: {  	v31 =	vld.idx.msk [tilespmem:v1+s9+$0x2E0 ss:$0x1], $0xffff  }
0x127: {  	v32 =	vld.idx.msk [tilespmem:v1+s9+$0x360 ss:$0x1], $0xffff  }
0x128: {  	v33 =	vld.idx.msk [tilespmem:v1+s9+$0x3E0 ss:$0x1], $0xffff  }
0x129: {  	v34 =	vld.idx.msk [tilespmem:v1+s9+$0x860 ss:$0x1], $0xffff  }
0x12a: {  	v35 =	vld.idx.msk [tilespmem:v1+s9+$0x8E0 ss:$0x1], $0xffff  }
0x12b: {  	v36 =	vld.idx.msk [tilespmem:v1+s9+$0x960 ss:$0x1], $0xffff  }
0x12c: {  	v37 =	vld.idx.msk [tilespmem:v1+s9+$0x9E0 ss:$0x1], $0xffff  }
0x12d: {  	v38 =	vld.idx.msk [tilespmem:v1+s9+$0xA60 ss:$0x1], $0xffff  }
0x12e: {  	v39 =	vld.idx.msk [tilespmem:v1+s9+$0xAE0 ss:$0x1], $0xffff  }
0x12f: {  	v40 =	vld.idx.msk [tilespmem:v1+s9+$0xB60 ss:$0x1], $0xffff  }
0x130: {  	v41 =	vld.idx.msk [tilespmem:v1+s9+$0xBE0 ss:$0x1], $0xffff;
	_ =	sdelay $0x1  }
0x131: {  	v2 =	vadd.f32 v3, v2;
	v3 =	vadd.f32 v29, v28  }
0x132: {  	v42 =	vadd.f32 v31, v30;
	v43 =	vadd.f32 v33, v32  }
0x133: {  	v44 =	vadd.f32 v35, v34;
	v45 =	vadd.f32 v37, v36  }
0x134: {  	v46 =	vadd.f32 v39, v38;
	v47 =	vadd.f32 v41, v40  }
0x135: {  	v2 =	vadd.f32 v3, v2;
	v3 =	vadd.f32 v43, v42  }
0x136: {  	v48 =	vadd.f32 v45, v44;
	v49 =	vadd.f32 v47, v46;
	_ =	sdelay $0x1  }
0x137: {  	v2 =	vadd.f32 v3, v2;
	v3 =	vadd.f32 v49, v48;
	_ =	sdelay $0x1  }
0x138: {  	v2 =	vadd.f32 v3, v2;
	_ =	sdelay $0x1  }
0x139: {  	[tilespmem:s6+$0x80E0] =	vst.add.f32.msk $0xffff, v2  }
0x13a: {  	v2 =	vld.idx.msk [tilespmem:v1+s9+$0x70 ss:$0x1], $0xffff  }
0x13b: {  	v3 =	vld.idx.msk [tilespmem:v1+s9+$0xF0 ss:$0x1], $0xffff  }
0x13c: {  	v50 =	vld.idx.msk [tilespmem:v1+s9+$0x170 ss:$0x1], $0xffff  }
0x13d: {  	v51 =	vld.idx.msk [tilespmem:v1+s9+$0x1F0 ss:$0x1], $0xffff  }
0x13e: {  	v52 =	vld.idx.msk [tilespmem:v1+s9+$0x270 ss:$0x1], $0xffff  }
0x13f: {  	v53 =	vld.idx.msk [tilespmem:v1+s9+$0x2F0 ss:$0x1], $0xffff  }
0x140: {  	v54 =	vld.idx.msk [tilespmem:v1+s9+$0x370 ss:$0x1], $0xffff  }
0x141: {  	v55 =	vld.idx.msk [tilespmem:v1+s9+$0x3F0 ss:$0x1], $0xffff  }
0x142: {  	v56 =	vld.idx.msk [tilespmem:v1+s9+$0x870 ss:$0x1], $0xffff  }
0x143: {  	v57 =	vld.idx.msk [tilespmem:v1+s9+$0x8F0 ss:$0x1], $0xffff  }
0x144: {  	v58 =	vld.idx.msk [tilespmem:v1+s9+$0x970 ss:$0x1], $0xffff  }
0x145: {  	v59 =	vld.idx.msk [tilespmem:v1+s9+$0x9F0 ss:$0x1], $0xffff  }
0x146: {  	v60 =	vld.idx.msk [tilespmem:v1+s9+$0xA70 ss:$0x1], $0xffff  }
0x147: {  	v61 =	vld.idx.msk [tilespmem:v1+s9+$0xAF0 ss:$0x1], $0xffff  }
0x148: {  	v62 =	vld.idx.msk [tilespmem:v1+s9+$0xB70 ss:$0x1], $0xffff  }
0x149: {  	v63 =	vld.idx.msk [tilespmem:v1+s9+$0xBF0 ss:$0x1], $0xffff;
	_ =	sdelay $0x1  }
0x14a: {  	v2 =	vadd.f32 v3, v2;
	v3 =	vadd.f32 v51, v50  }
0x14b: {  	v20 =	vadd.f32 v53, v52;
	v21 =	vadd.f32 v55, v54  }
0x14c: {  	v22 =	vadd.f32 v57, v56;
	v23 =	vadd.f32 v59, v58  }
0x14d: {  	v24 =	vadd.f32 v61, v60;
	v25 =	vadd.f32 v63, v62  }
0x14e: {  	v2 =	vadd.f32 v3, v2;
	v3 =	vadd.f32 v21, v20  }
0x14f: {  	v26 =	vadd.f32 v23, v22;
	v27 =	vadd.f32 v25, v24;
	_ =	sdelay $0x1  }
0x150: {  	v2 =	vadd.f32 v3, v2;
	v3 =	vadd.f32 v27, v26;
	_ =	sdelay $0x1  }
0x151: {  	v2 =	vadd.f32 v3, v2;
	_ =	sdelay $0x1  }
0x152: {  	[tilespmem:s6+$0x80F0] =	vst.add.f32.msk $0xffff, v2  }
0x153: {  	v2 =	vld.idx.msk [tilespmem:v1+s9+$0x400 ss:$0x1], $0xffff  }
0x154: {  	v3 =	vld.idx.msk [tilespmem:v1+s9+$0x480 ss:$0x1], $0xffff  }
0x155: {  	v28 =	vld.idx.msk [tilespmem:v1+s9+$0x500 ss:$0x1], $0xffff  }
0x156: {  	v29 =	vld.idx.msk [tilespmem:v1+s9+$0x580 ss:$0x1], $0xffff  }
0x157: {  	v30 =	vld.idx.msk [tilespmem:v1+s9+$0x600 ss:$0x1], $0xffff  }
0x158: {  	v31 =	vld.idx.msk [tilespmem:v1+s9+$0x680 ss:$0x1], $0xffff  }
0x159: {  	v32 =	vld.idx.msk [tilespmem:v1+s9+$0x700 ss:$0x1], $0xffff  }
0x15a: {  	v33 =	vld.idx.msk [tilespmem:v1+s9+$0x780 ss:$0x1], $0xffff  }
0x15b: {  	v34 =	vld.idx.msk [tilespmem:v1+s9+$0xC00 ss:$0x1], $0xffff  }
0x15c: {  	v35 =	vld.idx.msk [tilespmem:v1+s9+$0xC80 ss:$0x1], $0xffff  }
0x15d: {  	v36 =	vld.idx.msk [tilespmem:v1+s9+$0xD00 ss:$0x1], $0xffff  }
0x15e: {  	v37 =	vld.idx.msk [tilespmem:v1+s9+$0xD80 ss:$0x1], $0xffff  }
0x15f: {  	v38 =	vld.idx.msk [tilespmem:v1+s9+$0xE00 ss:$0x1], $0xffff  }
0x160: {  	v39 =	vld.idx.msk [tilespmem:v1+s9+$0xE80 ss:$0x1], $0xffff  }
0x161: {  	v40 =	vld.idx.msk [tilespmem:v1+s9+$0xF00 ss:$0x1], $0xffff  }
0x162: {  	v41 =	vld.idx.msk [tilespmem:v1+s9+$0xF80 ss:$0x1], $0xffff;
	_ =	sdelay $0x1  }
0x163: {  	v2 =	vadd.f32 v3, v2;
	v3 =	vadd.f32 v29, v28  }
0x164: {  	v42 =	vadd.f32 v31, v30;
	v43 =	vadd.f32 v33, v32  }
0x165: {  	v44 =	vadd.f32 v35, v34;
	v45 =	vadd.f32 v37, v36  }
0x166: {  	v46 =	vadd.f32 v39, v38;
	v47 =	vadd.f32 v41, v40  }
0x167: {  	v2 =	vadd.f32 v3, v2;
	v3 =	vadd.f32 v43, v42  }
0x168: {  	v48 =	vadd.f32 v45, v44;
	v49 =	vadd.f32 v47, v46;
	_ =	sdelay $0x1  }
0x169: {  	v2 =	vadd.f32 v3, v2;
	v3 =	vadd.f32 v49, v48;
	_ =	sdelay $0x1  }
0x16a: {  	v2 =	vadd.f32 v3, v2;
	_ =	sdelay $0x1  }
0x16b: {  	[tilespmem:s6+$0x8480] =	vst.add.f32.msk $0xffff, v2  }
0x16c: {  	v2 =	vld.idx.msk [tilespmem:v1+s9+$0x410 ss:$0x1], $0xffff  }
0x16d: {  	v3 =	vld.idx.msk [tilespmem:v1+s9+$0x490 ss:$0x1], $0xffff  }
0x16e: {  	v50 =	vld.idx.msk [tilespmem:v1+s9+$0x510 ss:$0x1], $0xffff  }
0x16f: {  	v51 =	vld.idx.msk [tilespmem:v1+s9+$0x590 ss:$0x1], $0xffff  }
0x170: {  	v52 =	vld.idx.msk [tilespmem:v1+s9+$0x610 ss:$0x1], $0xffff  }
0x171: {  	v53 =	vld.idx.msk [tilespmem:v1+s9+$0x690 ss:$0x1], $0xffff  }
0x172: {  	v54 =	vld.idx.msk [tilespmem:v1+s9+$0x710 ss:$0x1], $0xffff  }
0x173: {  	v55 =	vld.idx.msk [tilespmem:v1+s9+$0x790 ss:$0x1], $0xffff  }
0x174: {  	v56 =	vld.idx.msk [tilespmem:v1+s9+$0xC10 ss:$0x1], $0xffff  }
0x175: {  	v57 =	vld.idx.msk [tilespmem:v1+s9+$0xC90 ss:$0x1], $0xffff  }
0x176: {  	v58 =	vld.idx.msk [tilespmem:v1+s9+$0xD10 ss:$0x1], $0xffff  }
0x177: {  	v59 =	vld.idx.msk [tilespmem:v1+s9+$0xD90 ss:$0x1], $0xffff  }
0x178: {  	v60 =	vld.idx.msk [tilespmem:v1+s9+$0xE10 ss:$0x1], $0xffff  }
0x179: {  	v61 =	vld.idx.msk [tilespmem:v1+s9+$0xE90 ss:$0x1], $0xffff  }
0x17a: {  	v62 =	vld.idx.msk [tilespmem:v1+s9+$0xF10 ss:$0x1], $0xffff  }
0x17b: {  	v63 =	vld.idx.msk [tilespmem:v1+s9+$0xF90 ss:$0x1], $0xffff;
	_ =	sdelay $0x1  }
0x17c: {  	v2 =	vadd.f32 v3, v2;
	v3 =	vadd.f32 v51, v50  }
0x17d: {  	v19 =	vadd.f32 v53, v52;
	v20 =	vadd.f32 v55, v54  }
0x17e: {  	v21 =	vadd.f32 v57, v56;
	v22 =	vadd.f32 v59, v58  }
0x17f: {  	v23 =	vadd.f32 v61, v60;
	v24 =	vadd.f32 v63, v62  }
0x180: {  	v2 =	vadd.f32 v3, v2;
	v3 =	vadd.f32 v20, v19  }
0x181: {  	v25 =	vadd.f32 v22, v21;
	v26 =	vadd.f32 v24, v23;
	_ =	sdelay $0x1  }
0x182: {  	v2 =	vadd.f32 v3, v2;
	v3 =	vadd.f32 v26, v25;
	_ =	sdelay $0x1  }
0x183: {  	v2 =	vadd.f32 v3, v2;
	_ =	sdelay $0x1  }
0x184: {  	[tilespmem:s6+$0x8490] =	vst.add.f32.msk $0xffff, v2  }
0x185: {  	v2 =	vld.idx.msk [tilespmem:v1+s9+$0x420 ss:$0x1], $0xffff  }
0x186: {  	v3 =	vld.idx.msk [tilespmem:v1+s9+$0x4A0 ss:$0x1], $0xffff  }
0x187: {  	v27 =	vld.idx.msk [tilespmem:v1+s9+$0x520 ss:$0x1], $0xffff  }
0x188: {  	v28 =	vld.idx.msk [tilespmem:v1+s9+$0x5A0 ss:$0x1], $0xffff  }
0x189: {  	v29 =	vld.idx.msk [tilespmem:v1+s9+$0x620 ss:$0x1], $0xffff  }
0x18a: {  	v30 =	vld.idx.msk [tilespmem:v1+s9+$0x6A0 ss:$0x1], $0xffff  }
0x18b: {  	v31 =	vld.idx.msk [tilespmem:v1+s9+$0x720 ss:$0x1], $0xffff  }
0x18c: {  	v32 =	vld.idx.msk [tilespmem:v1+s9+$0x7A0 ss:$0x1], $0xffff  }
0x18d: {  	v33 =	vld.idx.msk [tilespmem:v1+s9+$0xC20 ss:$0x1], $0xffff  }
0x18e: {  	v34 =	vld.idx.msk [tilespmem:v1+s9+$0xCA0 ss:$0x1], $0xffff  }
0x18f: {  	v35 =	vld.idx.msk [tilespmem:v1+s9+$0xD20 ss:$0x1], $0xffff  }
0x190: {  	v36 =	vld.idx.msk [tilespmem:v1+s9+$0xDA0 ss:$0x1], $0xffff  }
0x191: {  	v37 =	vld.idx.msk [tilespmem:v1+s9+$0xE20 ss:$0x1], $0xffff  }
0x192: {  	v38 =	vld.idx.msk [tilespmem:v1+s9+$0xEA0 ss:$0x1], $0xffff  }
0x193: {  	v39 =	vld.idx.msk [tilespmem:v1+s9+$0xF20 ss:$0x1], $0xffff  }
0x194: {  	v40 =	vld.idx.msk [tilespmem:v1+s9+$0xFA0 ss:$0x1], $0xffff;
	_ =	sdelay $0x1  }
0x195: {  	v2 =	vadd.f32 v3, v2;
	v3 =	vadd.f32 v28, v27  }
0x196: {  	v41 =	vadd.f32 v30, v29;
	v42 =	vadd.f32 v32, v31  }
0x197: {  	v43 =	vadd.f32 v34, v33;
	v44 =	vadd.f32 v36, v35  }
0x198: {  	v45 =	vadd.f32 v38, v37;
	v46 =	vadd.f32 v40, v39  }
0x199: {  	v2 =	vadd.f32 v3, v2;
	v3 =	vadd.f32 v42, v41  }
0x19a: {  	v47 =	vadd.f32 v44, v43;
	v48 =	vadd.f32 v46, v45;
	_ =	sdelay $0x1  }
0x19b: {  	v2 =	vadd.f32 v3, v2;
	v3 =	vadd.f32 v48, v47;
	_ =	sdelay $0x1  }
0x19c: {  	v2 =	vadd.f32 v3, v2;
	_ =	sdelay $0x1  }
0x19d: {  	[tilespmem:s6+$0x84A0] =	vst.add.f32.msk $0xffff, v2  }
0x19e: {  	v2 =	vld.idx.msk [tilespmem:v1+s9+$0x430 ss:$0x1], $0xffff  }
0x19f: {  	v3 =	vld.idx.msk [tilespmem:v1+s9+$0x4B0 ss:$0x1], $0xffff  }
0x1a0: {  	v49 =	vld.idx.msk [tilespmem:v1+s9+$0x530 ss:$0x1], $0xffff  }
0x1a1: {  	v50 =	vld.idx.msk [tilespmem:v1+s9+$0x5B0 ss:$0x1], $0xffff  }
0x1a2: {  	v51 =	vld.idx.msk [tilespmem:v1+s9+$0x630 ss:$0x1], $0xffff  }
0x1a3: {  	v52 =	vld.idx.msk [tilespmem:v1+s9+$0x6B0 ss:$0x1], $0xffff  }
0x1a4: {  	v53 =	vld.idx.msk [tilespmem:v1+s9+$0x730 ss:$0x1], $0xffff  }
0x1a5: {  	v54 =	vld.idx.msk [tilespmem:v1+s9+$0x7B0 ss:$0x1], $0xffff  }
0x1a6: {  	v55 =	vld.idx.msk [tilespmem:v1+s9+$0xC30 ss:$0x1], $0xffff  }
0x1a7: {  	v56 =	vld.idx.msk [tilespmem:v1+s9+$0xCB0 ss:$0x1], $0xffff  }
0x1a8: {  	v57 =	vld.idx.msk [tilespmem:v1+s9+$0xD30 ss:$0x1], $0xffff  }
0x1a9: {  	v58 =	vld.idx.msk [tilespmem:v1+s9+$0xDB0 ss:$0x1], $0xffff  }
0x1aa: {  	v59 =	vld.idx.msk [tilespmem:v1+s9+$0xE30 ss:$0x1], $0xffff  }
0x1ab: {  	v60 =	vld.idx.msk [tilespmem:v1+s9+$0xEB0 ss:$0x1], $0xffff  }
0x1ac: {  	v61 =	vld.idx.msk [tilespmem:v1+s9+$0xF30 ss:$0x1], $0xffff  }
0x1ad: {  	v62 =	vld.idx.msk [tilespmem:v1+s9+$0xFB0 ss:$0x1], $0xffff;
	_ =	sdelay $0x1  }
0x1ae: {  	v2 =	vadd.f32 v3, v2;
	v3 =	vadd.f32 v50, v49  }
0x1af: {  	v63 =	vadd.f32 v52, v51;
	v18 =	vadd.f32 v54, v53  }
0x1b0: {  	v19 =	vadd.f32 v56, v55;
	v20 =	vadd.f32 v58, v57  }
0x1b1: {  	v21 =	vadd.f32 v60, v59;
	v22 =	vadd.f32 v62, v61  }
0x1b2: {  	v2 =	vadd.f32 v3, v2;
	v3 =	vadd.f32 v18, v63  }
0x1b3: {  	v23 =	vadd.f32 v20, v19;
	v24 =	vadd.f32 v22, v21;
	_ =	sdelay $0x1  }
0x1b4: {  	v2 =	vadd.f32 v3, v2;
	v3 =	vadd.f32 v24, v23;
	_ =	sdelay $0x1  }
0x1b5: {  	v2 =	vadd.f32 v3, v2;
	_ =	sdelay $0x1  }
0x1b6: {  	[tilespmem:s6+$0x84B0] =	vst.add.f32.msk $0xffff, v2  }
0x1b7: {  	v2 =	vld.idx.msk [tilespmem:v1+s9+$0x440 ss:$0x1], $0xffff  }
0x1b8: {  	v3 =	vld.idx.msk [tilespmem:v1+s9+$0x4C0 ss:$0x1], $0xffff  }
0x1b9: {  	v25 =	vld.idx.msk [tilespmem:v1+s9+$0x540 ss:$0x1], $0xffff  }
0x1ba: {  	v26 =	vld.idx.msk [tilespmem:v1+s9+$0x5C0 ss:$0x1], $0xffff  }
0x1bb: {  	v27 =	vld.idx.msk [tilespmem:v1+s9+$0x640 ss:$0x1], $0xffff  }
0x1bc: {  	v28 =	vld.idx.msk [tilespmem:v1+s9+$0x6C0 ss:$0x1], $0xffff  }
0x1bd: {  	v29 =	vld.idx.msk [tilespmem:v1+s9+$0x740 ss:$0x1], $0xffff  }
0x1be: {  	v30 =	vld.idx.msk [tilespmem:v1+s9+$0x7C0 ss:$0x1], $0xffff  }
0x1bf: {  	v31 =	vld.idx.msk [tilespmem:v1+s9+$0xC40 ss:$0x1], $0xffff  }
0x1c0: {  	v32 =	vld.idx.msk [tilespmem:v1+s9+$0xCC0 ss:$0x1], $0xffff  }
0x1c1: {  	v33 =	vld.idx.msk [tilespmem:v1+s9+$0xD40 ss:$0x1], $0xffff  }
0x1c2: {  	v34 =	vld.idx.msk [tilespmem:v1+s9+$0xDC0 ss:$0x1], $0xffff  }
0x1c3: {  	v35 =	vld.idx.msk [tilespmem:v1+s9+$0xE40 ss:$0x1], $0xffff  }
0x1c4: {  	v36 =	vld.idx.msk [tilespmem:v1+s9+$0xEC0 ss:$0x1], $0xffff  }
0x1c5: {  	v37 =	vld.idx.msk [tilespmem:v1+s9+$0xF40 ss:$0x1], $0xffff  }
0x1c6: {  	v38 =	vld.idx.msk [tilespmem:v1+s9+$0xFC0 ss:$0x1], $0xffff;
	_ =	sdelay $0x1  }
0x1c7: {  	v2 =	vadd.f32 v3, v2;
	v3 =	vadd.f32 v26, v25  }
0x1c8: {  	v39 =	vadd.f32 v28, v27;
	v40 =	vadd.f32 v30, v29  }
0x1c9: {  	v41 =	vadd.f32 v32, v31;
	v42 =	vadd.f32 v34, v33  }
0x1ca: {  	v43 =	vadd.f32 v36, v35;
	v44 =	vadd.f32 v38, v37  }
0x1cb: {  	v2 =	vadd.f32 v3, v2;
	v3 =	vadd.f32 v40, v39  }
0x1cc: {  	v45 =	vadd.f32 v42, v41;
	v46 =	vadd.f32 v44, v43;
	_ =	sdelay $0x1  }
0x1cd: {  	v2 =	vadd.f32 v3, v2;
	v3 =	vadd.f32 v46, v45;
	_ =	sdelay $0x1  }
0x1ce: {  	v2 =	vadd.f32 v3, v2;
	_ =	sdelay $0x1  }
0x1cf: {  	[tilespmem:s6+$0x84C0] =	vst.add.f32.msk $0xffff, v2  }
0x1d0: {  	v2 =	vld.idx.msk [tilespmem:v1+s9+$0x450 ss:$0x1], $0xffff  }
0x1d1: {  	v3 =	vld.idx.msk [tilespmem:v1+s9+$0x4D0 ss:$0x1], $0xffff  }
0x1d2: {  	v47 =	vld.idx.msk [tilespmem:v1+s9+$0x550 ss:$0x1], $0xffff  }
0x1d3: {  	v48 =	vld.idx.msk [tilespmem:v1+s9+$0x5D0 ss:$0x1], $0xffff  }
0x1d4: {  	v49 =	vld.idx.msk [tilespmem:v1+s9+$0x650 ss:$0x1], $0xffff  }
0x1d5: {  	v50 =	vld.idx.msk [tilespmem:v1+s9+$0x6D0 ss:$0x1], $0xffff  }
0x1d6: {  	v51 =	vld.idx.msk [tilespmem:v1+s9+$0x750 ss:$0x1], $0xffff  }
0x1d7: {  	v52 =	vld.idx.msk [tilespmem:v1+s9+$0x7D0 ss:$0x1], $0xffff  }
0x1d8: {  	v53 =	vld.idx.msk [tilespmem:v1+s9+$0xC50 ss:$0x1], $0xffff  }
0x1d9: {  	v54 =	vld.idx.msk [tilespmem:v1+s9+$0xCD0 ss:$0x1], $0xffff  }
0x1da: {  	v55 =	vld.idx.msk [tilespmem:v1+s9+$0xD50 ss:$0x1], $0xffff  }
0x1db: {  	v56 =	vld.idx.msk [tilespmem:v1+s9+$0xDD0 ss:$0x1], $0xffff  }
0x1dc: {  	v57 =	vld.idx.msk [tilespmem:v1+s9+$0xE50 ss:$0x1], $0xffff  }
0x1dd: {  	v58 =	vld.idx.msk [tilespmem:v1+s9+$0xED0 ss:$0x1], $0xffff  }
0x1de: {  	v59 =	vld.idx.msk [tilespmem:v1+s9+$0xF50 ss:$0x1], $0xffff  }
0x1df: {  	v60 =	vld.idx.msk [tilespmem:v1+s9+$0xFD0 ss:$0x1], $0xffff;
	_ =	sdelay $0x1  }
0x1e0: {  	v2 =	vadd.f32 v3, v2;
	v3 =	vadd.f32 v48, v47  }
0x1e1: {  	v61 =	vadd.f32 v50, v49;
	v62 =	vadd.f32 v52, v51  }
0x1e2: {  	v63 =	vadd.f32 v54, v53;
	v13 =	vadd.f32 v56, v55  }
0x1e3: {  	v15 =	vadd.f32 v58, v57;
	v17 =	vadd.f32 v60, v59  }
0x1e4: {  	v2 =	vadd.f32 v3, v2;
	v3 =	vadd.f32 v62, v61  }
0x1e5: {  	v18 =	vadd.f32 v13, v63;
	v19 =	vadd.f32 v17, v15;
	_ =	sdelay $0x1  }
0x1e6: {  	v2 =	vadd.f32 v3, v2;
	v3 =	vadd.f32 v19, v18;
	_ =	sdelay $0x1  }
0x1e7: {  	v2 =	vadd.f32 v3, v2;
	_ =	sdelay $0x1  }
0x1e8: {  	[tilespmem:s6+$0x84D0] =	vst.add.f32.msk $0xffff, v2  }
0x1e9: {  	v2 =	vld.idx.msk [tilespmem:v1+s9+$0x460 ss:$0x1], $0xffff  }
0x1ea: {  	v3 =	vld.idx.msk [tilespmem:v1+s9+$0x4E0 ss:$0x1], $0xffff  }
0x1eb: {  	v20 =	vld.idx.msk [tilespmem:v1+s9+$0x560 ss:$0x1], $0xffff  }
0x1ec: {  	v21 =	vld.idx.msk [tilespmem:v1+s9+$0x5E0 ss:$0x1], $0xffff  }
0x1ed: {  	v22 =	vld.idx.msk [tilespmem:v1+s9+$0x660 ss:$0x1], $0xffff  }
0x1ee: {  	v23 =	vld.idx.msk [tilespmem:v1+s9+$0x6E0 ss:$0x1], $0xffff  }
0x1ef: {  	v24 =	vld.idx.msk [tilespmem:v1+s9+$0x760 ss:$0x1], $0xffff  }
0x1f0: {  	v25 =	vld.idx.msk [tilespmem:v1+s9+$0x7E0 ss:$0x1], $0xffff  }
0x1f1: {  	v26 =	vld.idx.msk [tilespmem:v1+s9+$0xC60 ss:$0x1], $0xffff  }
0x1f2: {  	v27 =	vld.idx.msk [tilespmem:v1+s9+$0xCE0 ss:$0x1], $0xffff  }
0x1f3: {  	v28 =	vld.idx.msk [tilespmem:v1+s9+$0xD60 ss:$0x1], $0xffff  }
0x1f4: {  	v29 =	vld.idx.msk [tilespmem:v1+s9+$0xDE0 ss:$0x1], $0xffff  }
0x1f5: {  	v30 =	vld.idx.msk [tilespmem:v1+s9+$0xE60 ss:$0x1], $0xffff  }
0x1f6: {  	v31 =	vld.idx.msk [tilespmem:v1+s9+$0xEE0 ss:$0x1], $0xffff  }
0x1f7: {  	v32 =	vld.idx.msk [tilespmem:v1+s9+$0xF60 ss:$0x1], $0xffff  }
0x1f8: {  	v33 =	vld.idx.msk [tilespmem:v1+s9+$0xFE0 ss:$0x1], $0xffff;
	_ =	sdelay $0x1  }
0x1f9: {  	v2 =	vadd.f32 v3, v2;
	v3 =	vadd.f32 v21, v20  }
0x1fa: {  	v34 =	vadd.f32 v23, v22;
	v35 =	vadd.f32 v25, v24  }
0x1fb: {  	v36 =	vadd.f32 v27, v26;
	v37 =	vadd.f32 v29, v28  }
0x1fc: {  	v38 =	vadd.f32 v31, v30;
	v39 =	vadd.f32 v33, v32  }
0x1fd: {  	v2 =	vadd.f32 v3, v2;
	v3 =	vadd.f32 v35, v34  }
0x1fe: {  	v40 =	vadd.f32 v37, v36;
	v41 =	vadd.f32 v39, v38;
	_ =	sdelay $0x1  }
0x1ff: {  	v2 =	vadd.f32 v3, v2;
	v3 =	vadd.f32 v41, v40;
	_ =	sdelay $0x1  }
0x200: {  	v2 =	vadd.f32 v3, v2;
	_ =	sdelay $0x1  }
0x201: {  	[tilespmem:s6+$0x84E0] =	vst.add.f32.msk $0xffff, v2  }
0x202: {  	v2 =	vld.idx.msk [tilespmem:v1+s9+$0x470 ss:$0x1], $0xffff  }
0x203: {  	v3 =	vld.idx.msk [tilespmem:v1+s9+$0x4F0 ss:$0x1], $0xffff  }
0x204: {  	v42 =	vld.idx.msk [tilespmem:v1+s9+$0x570 ss:$0x1], $0xffff  }
0x205: {  	v43 =	vld.idx.msk [tilespmem:v1+s9+$0x5F0 ss:$0x1], $0xffff  }
0x206: {  	v44 =	vld.idx.msk [tilespmem:v1+s9+$0x670 ss:$0x1], $0xffff  }
0x207: {  	v45 =	vld.idx.msk [tilespmem:v1+s9+$0x6F0 ss:$0x1], $0xffff  }
0x208: {  	v46 =	vld.idx.msk [tilespmem:v1+s9+$0x770 ss:$0x1], $0xffff  }
0x209: {  	v47 =	vld.idx.msk [tilespmem:v1+s9+$0x7F0 ss:$0x1], $0xffff  }
0x20a: {  	v48 =	vld.idx.msk [tilespmem:v1+s9+$0xC70 ss:$0x1], $0xffff  }
0x20b: {  	v49 =	vld.idx.msk [tilespmem:v1+s9+$0xCF0 ss:$0x1], $0xffff  }
0x20c: {  	v50 =	vld.idx.msk [tilespmem:v1+s9+$0xD70 ss:$0x1], $0xffff  }
0x20d: {  	v51 =	vld.idx.msk [tilespmem:v1+s9+$0xDF0 ss:$0x1], $0xffff  }
0x20e: {  	v52 =	vld.idx.msk [tilespmem:v1+s9+$0xE70 ss:$0x1], $0xffff  }
0x20f: {  	v53 =	vld.idx.msk [tilespmem:v1+s9+$0xEF0 ss:$0x1], $0xffff  }
0x210: {  	v54 =	vld.idx.msk [tilespmem:v1+s9+$0xF70 ss:$0x1], $0xffff  }
0x211: {  	v55 =	vld.idx.msk [tilespmem:v1+s9+$0xFF0 ss:$0x1], $0xffff;
	_ =	sdelay $0x1  }
0x212: {  	v2 =	vadd.f32 v3, v2;
	v3 =	vadd.f32 v43, v42  }
0x213: {  	v56 =	vadd.f32 v45, v44;
	v57 =	vadd.f32 v47, v46  }
0x214: {  	v58 =	vadd.f32 v49, v48;
	v59 =	vadd.f32 v51, v50  }
0x215: {  	v60 =	vadd.f32 v53, v52;
	v61 =	vadd.f32 v55, v54  }
0x216: {  	v2 =	vadd.f32 v3, v2;
	v3 =	vadd.f32 v57, v56  }
0x217: {  	v62 =	vadd.f32 v59, v58;
	v63 =	vadd.f32 v61, v60;
	_ =	sdelay $0x1  }
0x218: {  	v2 =	vadd.f32 v3, v2;
	v3 =	vadd.f32 v63, v62;
	_ =	sdelay $0x1  }
0x219: {  	v2 =	vadd.f32 v3, v2;
	_ =	sdelay $0x1  }
0x21a: {  	[tilespmem:s6+$0x84F0] =	vst.add.f32.msk $0xffff, v2  }
.LBB2_11:
0x21b: {  	s8 =	sadd.s32 $0x1, s8  }
0x21c: {  	p0 =	seq.s32 s8, $0x4  }
.Ltmp6:
0x21d: {  	_ = 	snop;
	(pc) =	sbr.rel @p0 .LBB2_4-.Ltmp6, $2  }
0x21e: {  	_ =	sdelay $0x2  }
0x21f: {  	s10 =	sadd.s32 $0x10, s10;
	s13 =	sadd.s32 $0x1000, s13  }
.LBB2_6:
0x220: {  	s0 =	sshll.u32 s8, $0x4  }
0x221: {  	s4 =	simm.s32 $0x1;
	s0 =	sadd.s32 s11, s0  }
0x222: {  	s6 =	simm.s32 $0x1;
	p0 =	sle.s32 s15, s0;
	p1 =	sle.s32 s16, s0  }
0x223: {  	s4 =	simm.s32 @!p0 $0x0;
	s6 =	simm.s32 @!p1 $0x0  }
0x224: {  	p0 =	sle.s32 s17, s0;
	s4 =	sadd.s32 s6, s4;
	s6 =	simm.s32 $0x1  }
0x225: {  	s9 =	simm.s32 $0x1;
	s6 =	simm.s32 @!p0 $0x0;
	p0 =	sle.s32 s18, s0  }
0x226: {  	s4 =	sadd.s32 s6, s4;
	s9 =	simm.s32 @!p0 $0x0  }
0x227: {  	p0 =	sle.s32 s19, s0;
	s6 =	simm.s32 $0x1;
	s4 =	sadd.s32 s9, s4  }
0x228: {  	s6 =	simm.s32 @!p0 $0x0;
	p0 =	sle.s32 s20, s0;
	s9 =	simm.s32 $0x1  }
0x229: {  	s4 =	sadd.s32 s6, s4;
	s9 =	simm.s32 @!p0 $0x0  }
0x22a: {  	p0 =	sle.s32 s21, s0;
	s6 =	simm.s32 $0x1;
	s4 =	sadd.s32 s9, s4  }
0x22b: {  	s6 =	simm.s32 @!p0 $0x0;
	p0 =	sle.s32 s22, s0;
	s9 =	simm.s32 $0x1  }
0x22c: {  	s4 =	sadd.s32 s6, s4;
	s9 =	simm.s32 @!p0 $0x0  }
0x22d: {  	p0 =	sle.s32 s23, s0;
	s6 =	simm.s32 $0x1;
	s4 =	sadd.s32 s9, s4  }
0x22e: {  	s6 =	simm.s32 @!p0 $0x0;
	p0 =	sle.s32 s24, s0;
	s9 =	simm.s32 $0x1  }
0x22f: {  	s4 =	sadd.s32 s6, s4;
	s9 =	simm.s32 @!p0 $0x0  }
0x230: {  	p0 =	sle.s32 s25, s0;
	s6 =	simm.s32 $0x1;
	s4 =	sadd.s32 s9, s4  }
0x231: {  	s6 =	simm.s32 @!p0 $0x0;
	p0 =	sle.s32 s26, s0;
	s9 =	simm.s32 $0x1  }
0x232: {  	s4 =	sadd.s32 s6, s4;
	s9 =	simm.s32 @!p0 $0x0  }
0x233: {  	p0 =	sle.s32 s28, s0;
	s6 =	simm.s32 $0x1;
	s4 =	sadd.s32 s9, s4  }
0x234: {  	s6 =	simm.s32 @!p0 $0x0;
	p0 =	sle.s32 s29, s0;
	s9 =	simm.s32 $0x1  }
0x235: {  	s4 =	sadd.s32 s6, s4;
	s9 =	simm.s32 @!p0 $0x0  }
0x236: {  	p0 =	sle.s32 s30, s0;
	s6 =	simm.s32 $0x1;
	s4 =	sadd.s32 s9, s4  }
0x237: {  	s6 =	simm.s32 @!p0 $0x0;
	p0 =	sle.s32 s31, s0;
	s9 =	simm.s32 $0x1  }
0x238: {  	s4 =	sadd.s32 s6, s4;
	s9 =	simm.s32 @!p0 $0x0  }
0x239: {  	s6 =	smov.u32 s15;
	s4 =	sadd.s32 s9, s4  }
0x23a: {  	s9 =	smov.u32 s16;
	p0 =	seq.s32 s4, $0x0;
	p1 =	seq.s32 s4, $0x1  }
0x23b: {  	s6 =	simm.s32 @!p0 $0x0;
	s9 =	simm.s32 @!p1 $0x0  }
0x23c: {  	s12 =	smov.u32 s17;
	p0 =	seq.s32 s4, $0x2;
	s6 =	sadd.s32 s9, s6  }
0x23d: {  	s12 =	simm.s32 @!p0 $0x0;
	p0 =	seq.s32 s4, $0x3;
	s9 =	smov.u32 s18  }
0x23e: {  	s6 =	sadd.s32 s12, s6;
	s9 =	simm.s32 @!p0 $0x0  }
0x23f: {  	p0 =	seq.s32 s4, $0x4;
	s12 =	smov.u32 s19;
	s6 =	sadd.s32 s9, s6  }
0x240: {  	s12 =	simm.s32 @!p0 $0x0;
	p0 =	seq.s32 s4, $0x5;
	s9 =	smov.u32 s20  }
0x241: {  	s6 =	sadd.s32 s12, s6;
	s9 =	simm.s32 @!p0 $0x0  }
0x242: {  	p0 =	seq.s32 s4, $0x6;
	s12 =	smov.u32 s21;
	s6 =	sadd.s32 s9, s6  }
0x243: {  	s12 =	simm.s32 @!p0 $0x0;
	p0 =	seq.s32 s4, $0x7;
	s9 =	smov.u32 s22  }
0x244: {  	s6 =	sadd.s32 s12, s6;
	s9 =	simm.s32 @!p0 $0x0  }
0x245: {  	p0 =	seq.s32 s4, $0x8;
	s12 =	smov.u32 s23;
	s6 =	sadd.s32 s9, s6  }
0x246: {  	s12 =	simm.s32 @!p0 $0x0;
	p0 =	seq.s32 s4, $0x9;
	s9 =	smov.u32 s24  }
0x247: {  	s6 =	sadd.s32 s12, s6;
	s9 =	simm.s32 @!p0 $0x0  }
0x248: {  	p0 =	seq.s32 s4, $0xA;
	s12 =	smov.u32 s25;
	s6 =	sadd.s32 s9, s6  }
0x249: {  	s12 =	simm.s32 @!p0 $0x0;
	p0 =	seq.s32 s4, $0xB;
	s9 =	smov.u32 s26  }
0x24a: {  	s6 =	sadd.s32 s12, s6;
	s9 =	simm.s32 @!p0 $0x0  }
0x24b: {  	p0 =	seq.s32 s4, $0xC;
	s12 =	smov.u32 s28;
	s6 =	sadd.s32 s9, s6  }
0x24c: {  	s12 =	simm.s32 @!p0 $0x0;
	p0 =	seq.s32 s4, $0xD;
	s9 =	smov.u32 s29  }
0x24d: {  	s6 =	sadd.s32 s12, s6;
	s9 =	simm.s32 @!p0 $0x0  }
0x24e: {  	p0 =	seq.s32 s4, $0xE;
	s12 =	smov.u32 s30;
	s6 =	sadd.s32 s9, s6  }
0x24f: {  	s12 =	simm.s32 @!p0 $0x0;
	p0 =	seq.s32 s4, $0xF;
	s9 =	smov.u32 s31  }
0x250: {  	s6 =	sadd.s32 s12, s6;
	s9 =	simm.s32 @!p0 $0x0  }
0x251: {  	s0 =	sadd.s32 $0x10, s0;
	s6 =	sadd.s32 s9, s6  }
0x252: {  	p0 =	slt.s32 s6, s0  }
.Ltmp7:
0x253: {  	_ = 	snop;
	(pc) =	sbr.rel @!p0 .LBB2_7-.Ltmp7, $2  }
0x254: {  	_ =	sdelay $0x2  }
0x255: {  	s0 =	simm.s32 $0x0  }
0x256: {  	p0 =	sle.s32 s17, s10  }
0x257: {  	p1 =	sle.s32 s15, s10;
	p2 =	sle.s32 s16, s10;
	s4 =	simm.s32 $0x1  }
0x258: {  	s6 =	simm.s32 $0x1;
	s9 =	simm.s32 $0x1;
	s12 =	sand.u32 $0x380, s0  }
0x259: {  	s4 =	simm.s32 @!p1 $0x0;
	s6 =	simm.s32 @!p2 $0x0;
	s9 =	simm.s32 @!p0 $0x0  }
0x25a: {  	p0 =	sle.s32 s18, s10;
	s4 =	sadd.s32 s6, s4;
	s6 =	simm.s32 $0x1  }
0x25b: {  	p3 =	sle.s32 s25, s10;
	s4 =	sadd.s32 s9, s4;
	s6 =	simm.s32 @!p0 $0x0  }
0x25c: {  	p1 =	sle.s32 s19, s10;
	s9 =	simm.s32 $0x1;
	s4 =	sadd.s32 s6, s4  }
0x25d: {  	s9 =	simm.s32 @!p1 $0x0;
	p1 =	sle.s32 s20, s10;
	s6 =	simm.s32 $0x1  }
0x25e: {  	s14 =	sand.u32 $0x3800, s13;
	s4 =	sadd.s32 s9, s4;
	s6 =	simm.s32 @!p1 $0x0  }
0x25f: {  	p1 =	sle.s32 s21, s10;
	s9 =	simm.s32 $0x1;
	s4 =	sadd.s32 s6, s4  }
0x260: {  	s9 =	simm.s32 @!p1 $0x0;
	p1 =	sle.s32 s22, s10;
	s6 =	simm.s32 $0x1  }
0x261: {  	p2 =	sle.s32 s23, s10;
	s4 =	sadd.s32 s9, s4;
	s6 =	simm.s32 @!p1 $0x0  }
0x262: {  	s14 =	sadd.s32 s14, s3;
	s9 =	simm.s32 $0x1;
	s4 =	sadd.s32 s6, s4  }
0x263: {  	s9 =	simm.s32 @!p2 $0x0;
	p2 =	sle.s32 s24, s10;
	s6 =	simm.s32 $0x1  }
0x264: {  	s4 =	sadd.s32 s9, s4;
	s6 =	simm.s32 @!p2 $0x0;
	s9 =	simm.s32 $0x1  }
0x265: {  	p1 =	sle.s32 s29, s10;
	s4 =	sadd.s32 s6, s4;
	s9 =	simm.s32 @!p3 $0x0  }
0x266: {  	p3 =	sle.s32 s26, s10;
	s6 =	simm.s32 $0x1;
	s4 =	sadd.s32 s9, s4  }
0x267: {  	s6 =	simm.s32 @!p3 $0x0;
	p3 =	sle.s32 s28, s10;
	s9 =	simm.s32 $0x1  }
0x268: {  	s4 =	sadd.s32 s6, s4;
	s9 =	simm.s32 @!p3 $0x0;
	s6 =	simm.s32 $0x1  }
0x269: {  	p0 =	sle.s32 s31, s10;
	s4 =	sadd.s32 s9, s4;
	s6 =	simm.s32 @!p1 $0x0  }
0x26a: {  	p2 =	sle.s32 s30, s10;
	s4 =	sadd.s32 s6, s4;
	s6 =	simm.s32 $0x1  }
0x26b: {  	s9 =	sadd.s32 s12, s14;
	s12 =	simm.s32 $0x1;
	s6 =	simm.s32 @!p2 $0x0  }
0x26c: {  	s12 =	simm.s32 @!p0 $0x0;
	v2 =	vld [tilespmem:s9+$0x0];
	s4 =	sadd.s32 s6, s4  }
0x26d: {  	s4 =	sadd.s32 s12, s4  }
0x26e: {  	s5 =	sshll.u32 s4, $0x8;
	s4 =	sshll.u32 s4, $0x7  }
0x26f: {  	s6 =	sand.u32 $0x7FFFF800, s5;
	s4 =	sand.u32 $0x380, s4  }
0x270: {  	s6 =	sor.u32 s4, s6  }
0x271: {  	[tilespmem:s6+$0x8080] =	vst.add.f32.msk $0xffff, v2  }
0x272: {  	v2 =	vld [tilespmem:s9+$0x10];
	_ =	sdelay $0x4  }
0x273: {  	[tilespmem:s6+$0x8090] =	vst.add.f32.msk $0xffff, v2  }
0x274: {  	v2 =	vld [tilespmem:s9+$0x20];
	_ =	sdelay $0x4  }
0x275: {  	[tilespmem:s6+$0x80A0] =	vst.add.f32.msk $0xffff, v2  }
0x276: {  	v2 =	vld [tilespmem:s9+$0x30];
	_ =	sdelay $0x4  }
0x277: {  	[tilespmem:s6+$0x80B0] =	vst.add.f32.msk $0xffff, v2  }
0x278: {  	v2 =	vld [tilespmem:s9+$0x40];
	_ =	sdelay $0x4  }
0x279: {  	[tilespmem:s6+$0x80C0] =	vst.add.f32.msk $0xffff, v2  }
0x27a: {  	v2 =	vld [tilespmem:s9+$0x50];
	_ =	sdelay $0x4  }
0x27b: {  	[tilespmem:s6+$0x80D0] =	vst.add.f32.msk $0xffff, v2  }
0x27c: {  	v2 =	vld [tilespmem:s9+$0x60];
	_ =	sdelay $0x4  }
0x27d: {  	[tilespmem:s6+$0x80E0] =	vst.add.f32.msk $0xffff, v2  }
0x27e: {  	v2 =	vld [tilespmem:s9+$0x70];
	_ =	sdelay $0x4  }
0x27f: {  	[tilespmem:s6+$0x80F0] =	vst.add.f32.msk $0xffff, v2  }
0x280: {  	v2 =	vld [tilespmem:s9+$0x400];
	_ =	sdelay $0x4  }
0x281: {  	[tilespmem:s6+$0x8480] =	vst.add.f32.msk $0xffff, v2  }
0x282: {  	v2 =	vld [tilespmem:s9+$0x410];
	_ =	sdelay $0x4  }
0x283: {  	[tilespmem:s6+$0x8490] =	vst.add.f32.msk $0xffff, v2  }
0x284: {  	v2 =	vld [tilespmem:s9+$0x420];
	_ =	sdelay $0x4  }
0x285: {  	[tilespmem:s6+$0x84A0] =	vst.add.f32.msk $0xffff, v2  }
0x286: {  	v2 =	vld [tilespmem:s9+$0x430];
	_ =	sdelay $0x4  }
0x287: {  	[tilespmem:s6+$0x84B0] =	vst.add.f32.msk $0xffff, v2  }
0x288: {  	v2 =	vld [tilespmem:s9+$0x440];
	_ =	sdelay $0x2  }
0x289: {  	s7 =	sadd.s32 $0x80, s0;
	s12 =	sadd.s32 $0x1, s10  }
0x28a: {  	s0 =	sand.u32 $0x380, s7;
	s14 =	sadd.s32 $0x80, s7;
	p1 =	sle.s32 s31, s12  }
0x28b: {  	p4 =	sle.s32 s17, s12;
	p3 =	sle.s32 s29, s12;
	p2 =	sle.s32 s30, s12;
	[tilespmem:s6+$0x84C0] =	vst.add.f32.msk $0xffff, v2  }
0x28c: {  	p6 =	sle.s32 s15, s12;
	p5 =	sle.s32 s16, s12;
	s4 =	sadd.s32 $0x100, s13;
	v2 =	vld [tilespmem:s9+$0x450]  }
.LBB2_9:
0x28d: {  	s5 =	simm.s32 $0x1;
	s7 =	simm.s32 $0x1  }
0x28e: {  	s5 =	simm.s32 @!p6 $0x0;
	s7 =	simm.s32 @!p5 $0x0  }
0x28f: {  	s5 =	sadd.s32 s7, s5;
	s7 =	simm.s32 $0x1  }
0x290: {  	s7 =	simm.s32 @!p4 $0x0  }
0x291: {  	p4 =	sle.s32 s18, s12;
	s5 =	sadd.s32 s7, s5;
	s7 =	simm.s32 $0x1  }
0x292: {  	s7 =	simm.s32 @!p4 $0x0  }
0x293: {  	p4 =	sle.s32 s19, s12;
	s5 =	sadd.s32 s7, s5;
	s7 =	simm.s32 $0x1  }
0x294: {  	s7 =	simm.s32 @!p4 $0x0  }
0x295: {  	p4 =	sle.s32 s20, s12;
	s5 =	sadd.s32 s7, s5;
	s7 =	simm.s32 $0x1  }
0x296: {  	s7 =	simm.s32 @!p4 $0x0  }
0x297: {  	p4 =	sle.s32 s21, s12;
	s5 =	sadd.s32 s7, s5;
	s7 =	simm.s32 $0x1  }
0x298: {  	s7 =	simm.s32 @!p4 $0x0  }
0x299: {  	p4 =	sle.s32 s22, s12;
	s5 =	sadd.s32 s7, s5;
	s7 =	simm.s32 $0x1  }
0x29a: {  	s7 =	simm.s32 @!p4 $0x0  }
0x29b: {  	p4 =	sle.s32 s23, s12;
	s5 =	sadd.s32 s7, s5;
	s7 =	simm.s32 $0x1  }
0x29c: {  	p0 =	sne.s32 s14, $0x780;
	s7 =	simm.s32 @!p4 $0x0  }
0x29d: {  	[tilespmem:s6+$0x84D0] =	vst.add.f32.msk $0xffff, v2;
	p4 =	sle.s32 s24, s12;
	s5 =	sadd.s32 s7, s5;
	s7 =	simm.s32 $0x1  }
0x29e: {  	v2 =	vld [tilespmem:s9+$0x460];
	s7 =	simm.s32 @!p4 $0x0  }
0x29f: {  	p4 =	sle.s32 s25, s12;
	s5 =	sadd.s32 s7, s5;
	s7 =	simm.s32 $0x1  }
0x2a0: {  	s7 =	simm.s32 @!p4 $0x0  }
0x2a1: {  	p4 =	sle.s32 s26, s12;
	s5 =	sadd.s32 s7, s5;
	s7 =	simm.s32 $0x1  }
0x2a2: {  	s7 =	simm.s32 @!p4 $0x0  }
0x2a3: {  	[tilespmem:s6+$0x84E0] =	vst.add.f32.msk $0xffff, v2;
	p4 =	sle.s32 s28, s12;
	s5 =	sadd.s32 s7, s5;
	s7 =	simm.s32 $0x1  }
0x2a4: {  	v2 =	vld [tilespmem:s9+$0x470];
	s7 =	simm.s32 @!p4 $0x0  }
0x2a5: {  	s5 =	sadd.s32 s7, s5;
	s7 =	simm.s32 $0x1  }
0x2a6: {  	s7 =	simm.s32 @!p3 $0x0  }
0x2a7: {  	s9 =	sand.u32 $0x3800, s4;
	s5 =	sadd.s32 s7, s5;
	s7 =	simm.s32 $0x1  }
0x2a8: {  	s9 =	sadd.s32 s9, s3;
	s7 =	simm.s32 @!p2 $0x0  }
0x2a9: {  	s9 =	sadd.s32 s0, s9;
	[tilespmem:s6+$0x84F0] =	vst.add.f32.msk $0xffff, v2;
	s0 =	sadd.s32 s7, s5;
	s5 =	simm.s32 $0x1  }
0x2aa: {  	v2 =	vld [tilespmem:s9+$0x0];
	s5 =	simm.s32 @!p1 $0x0  }
0x2ab: {  	s0 =	sadd.s32 s5, s0  }
0x2ac: {  	s5 =	sshll.u32 s0, $0x8;
	s0 =	sshll.u32 s0, $0x7  }
0x2ad: {  	s5 =	sand.u32 $0x7FFFF800, s5;
	s0 =	sand.u32 $0x380, s0  }
0x2ae: {  	s6 =	sor.u32 s0, s5  }
0x2af: {  	[tilespmem:s6+$0x8080] =	vst.add.f32.msk $0xffff, v2  }
0x2b0: {  	v2 =	vld [tilespmem:s9+$0x10];
	_ =	sdelay $0x4  }
0x2b1: {  	[tilespmem:s6+$0x8090] =	vst.add.f32.msk $0xffff, v2  }
0x2b2: {  	v2 =	vld [tilespmem:s9+$0x20];
	_ =	sdelay $0x4  }
0x2b3: {  	[tilespmem:s6+$0x80A0] =	vst.add.f32.msk $0xffff, v2  }
0x2b4: {  	v2 =	vld [tilespmem:s9+$0x30];
	_ =	sdelay $0x4  }
0x2b5: {  	[tilespmem:s6+$0x80B0] =	vst.add.f32.msk $0xffff, v2  }
0x2b6: {  	v2 =	vld [tilespmem:s9+$0x40];
	_ =	sdelay $0x4  }
0x2b7: {  	[tilespmem:s6+$0x80C0] =	vst.add.f32.msk $0xffff, v2  }
0x2b8: {  	v2 =	vld [tilespmem:s9+$0x50];
	_ =	sdelay $0x4  }
0x2b9: {  	[tilespmem:s6+$0x80D0] =	vst.add.f32.msk $0xffff, v2  }
0x2ba: {  	v2 =	vld [tilespmem:s9+$0x60];
	_ =	sdelay $0x4  }
0x2bb: {  	[tilespmem:s6+$0x80E0] =	vst.add.f32.msk $0xffff, v2  }
0x2bc: {  	v2 =	vld [tilespmem:s9+$0x70];
	_ =	sdelay $0x4  }
0x2bd: {  	[tilespmem:s6+$0x80F0] =	vst.add.f32.msk $0xffff, v2  }
0x2be: {  	v2 =	vld [tilespmem:s9+$0x400];
	_ =	sdelay $0x4  }
0x2bf: {  	[tilespmem:s6+$0x8480] =	vst.add.f32.msk $0xffff, v2  }
0x2c0: {  	v2 =	vld [tilespmem:s9+$0x410];
	_ =	sdelay $0x4  }
0x2c1: {  	[tilespmem:s6+$0x8490] =	vst.add.f32.msk $0xffff, v2  }
0x2c2: {  	v2 =	vld [tilespmem:s9+$0x420];
	_ =	sdelay $0x4  }
0x2c3: {  	[tilespmem:s6+$0x84A0] =	vst.add.f32.msk $0xffff, v2  }
0x2c4: {  	v2 =	vld [tilespmem:s9+$0x430];
	_ =	sdelay $0x4  }
0x2c5: {  	[tilespmem:s6+$0x84B0] =	vst.add.f32.msk $0xffff, v2  }
0x2c6: {  	v2 =	vld [tilespmem:s9+$0x440];
	_ =	sdelay $0x4  }
.Ltmp8:
0x2c7: {  	[tilespmem:s6+$0x84C0] =	vst.add.f32.msk $0xffff, v2;
	(pc) =	sbr.rel @p0 .LBB2_9-.Ltmp8, $4  }
0x2c8: {  	s12 =	sadd.s32 $0x1, s12;
	v2 =	vld [tilespmem:s9+$0x450]  }
0x2c9: {  	s4 =	sadd.s32 $0x100, s4;
	p1 =	sle.s32 s31, s12;
	s0 =	sand.u32 $0x380, s14  }
0x2ca: {  	p4 =	sle.s32 s17, s12;
	p3 =	sle.s32 s29, s12;
	p2 =	sle.s32 s30, s12  }
0x2cb: {  	p6 =	sle.s32 s15, s12;
	p5 =	sle.s32 s16, s12;
	s14 =	sadd.s32 $0x80, s14  }
0x2cc: {  	s5 =	simm.s32 $0x1;
	s7 =	simm.s32 $0x1;
	s14 =	simm.s32 $0x1  }
0x2cd: {  	p0 =	sle.s32 s18, s12;
	s5 =	simm.s32 @!p6 $0x0;
	s7 =	simm.s32 @!p5 $0x0  }
0x2ce: {  	s14 =	simm.s32 @!p4 $0x0;
	s5 =	sadd.s32 s7, s5;
	s7 =	simm.s32 $0x1  }
0x2cf: {  	s5 =	sadd.s32 s14, s5;
	s7 =	simm.s32 @!p0 $0x0  }
0x2d0: {  	p0 =	sle.s32 s19, s12;
	s14 =	simm.s32 $0x1;
	s5 =	sadd.s32 s7, s5  }
0x2d1: {  	[tilespmem:s6+$0x84D0] =	vst.add.f32.msk $0xffff, v2;
	s14 =	simm.s32 @!p0 $0x0;
	p0 =	sle.s32 s20, s12;
	s7 =	simm.s32 $0x1  }
0x2d2: {  	v2 =	vld [tilespmem:s9+$0x460];
	s5 =	sadd.s32 s14, s5;
	s7 =	simm.s32 @!p0 $0x0  }
0x2d3: {  	p0 =	sle.s32 s21, s12;
	s14 =	simm.s32 $0x1;
	s5 =	sadd.s32 s7, s5  }
0x2d4: {  	s14 =	simm.s32 @!p0 $0x0;
	p0 =	sle.s32 s22, s12;
	s7 =	simm.s32 $0x1  }
0x2d5: {  	s5 =	sadd.s32 s14, s5;
	s7 =	simm.s32 @!p0 $0x0  }
0x2d6: {  	p0 =	sle.s32 s23, s12;
	s14 =	simm.s32 $0x1;
	s5 =	sadd.s32 s7, s5  }
0x2d7: {  	[tilespmem:s6+$0x84E0] =	vst.add.f32.msk $0xffff, v2;
	s14 =	simm.s32 @!p0 $0x0;
	p0 =	sle.s32 s24, s12;
	s7 =	simm.s32 $0x1  }
0x2d8: {  	v2 =	vld [tilespmem:s9+$0x470];
	s9 =	simm.s32 $0x1;
	s5 =	sadd.s32 s14, s5;
	s7 =	simm.s32 @!p0 $0x0  }
0x2d9: {  	p0 =	sle.s32 s25, s12;
	s14 =	simm.s32 $0x1;
	s5 =	sadd.s32 s7, s5  }
0x2da: {  	s14 =	simm.s32 @!p0 $0x0;
	p0 =	sle.s32 s26, s12;
	s7 =	simm.s32 $0x1  }
0x2db: {  	s5 =	sadd.s32 s14, s5;
	s7 =	simm.s32 @!p0 $0x0;
	p0 =	sle.s32 s28, s12  }
0x2dc: {  	s5 =	sadd.s32 s7, s5;
	s9 =	simm.s32 @!p0 $0x0;
	s7 =	simm.s32 $0x1  }
0x2dd: {  	s4 =	sand.u32 $0x3800, s4;
	s5 =	sadd.s32 s9, s5;
	s7 =	simm.s32 @!p3 $0x0  }
0x2de: {  	s4 =	sadd.s32 s4, s3;
	s5 =	sadd.s32 s7, s5;
	s7 =	simm.s32 $0x1  }
0x2df: {  	s0 =	sadd.s32 s0, s4;
	s4 =	simm.s32 $0x1;
	[tilespmem:s6+$0x84F0] =	vst.add.f32.msk $0xffff, v2;
	s7 =	simm.s32 @!p2 $0x0  }
0x2e0: {  	s4 =	simm.s32 @!p1 $0x0;
	v2 =	vld [tilespmem:s0+$0x0];
	s5 =	sadd.s32 s7, s5  }
0x2e1: {  	s4 =	sadd.s32 s4, s5  }
0x2e2: {  	s5 =	sshll.u32 s4, $0x8;
	s4 =	sshll.u32 s4, $0x7  }
0x2e3: {  	s5 =	sand.u32 $0x7FFFF800, s5;
	s4 =	sand.u32 $0x380, s4  }
0x2e4: {  	s4 =	sor.u32 s4, s5  }
0x2e5: {  	[tilespmem:s4+$0x8080] =	vst.add.f32.msk $0xffff, v2  }
0x2e6: {  	v2 =	vld [tilespmem:s0+$0x10];
	_ =	sdelay $0x4  }
0x2e7: {  	[tilespmem:s4+$0x8090] =	vst.add.f32.msk $0xffff, v2  }
0x2e8: {  	v2 =	vld [tilespmem:s0+$0x20];
	_ =	sdelay $0x4  }
0x2e9: {  	[tilespmem:s4+$0x80A0] =	vst.add.f32.msk $0xffff, v2  }
0x2ea: {  	v2 =	vld [tilespmem:s0+$0x30];
	_ =	sdelay $0x4  }
0x2eb: {  	[tilespmem:s4+$0x80B0] =	vst.add.f32.msk $0xffff, v2  }
0x2ec: {  	v2 =	vld [tilespmem:s0+$0x40];
	_ =	sdelay $0x4  }
0x2ed: {  	[tilespmem:s4+$0x80C0] =	vst.add.f32.msk $0xffff, v2  }
0x2ee: {  	v2 =	vld [tilespmem:s0+$0x50];
	_ =	sdelay $0x4  }
0x2ef: {  	[tilespmem:s4+$0x80D0] =	vst.add.f32.msk $0xffff, v2  }
0x2f0: {  	v2 =	vld [tilespmem:s0+$0x60];
	_ =	sdelay $0x4  }
0x2f1: {  	[tilespmem:s4+$0x80E0] =	vst.add.f32.msk $0xffff, v2  }
0x2f2: {  	v2 =	vld [tilespmem:s0+$0x70];
	_ =	sdelay $0x4  }
0x2f3: {  	[tilespmem:s4+$0x80F0] =	vst.add.f32.msk $0xffff, v2  }
0x2f4: {  	v2 =	vld [tilespmem:s0+$0x400];
	_ =	sdelay $0x4  }
0x2f5: {  	[tilespmem:s4+$0x8480] =	vst.add.f32.msk $0xffff, v2  }
0x2f6: {  	v2 =	vld [tilespmem:s0+$0x410];
	_ =	sdelay $0x4  }
0x2f7: {  	[tilespmem:s4+$0x8490] =	vst.add.f32.msk $0xffff, v2  }
0x2f8: {  	v2 =	vld [tilespmem:s0+$0x420];
	_ =	sdelay $0x4  }
0x2f9: {  	[tilespmem:s4+$0x84A0] =	vst.add.f32.msk $0xffff, v2  }
0x2fa: {  	v2 =	vld [tilespmem:s0+$0x430];
	_ =	sdelay $0x4  }
0x2fb: {  	[tilespmem:s4+$0x84B0] =	vst.add.f32.msk $0xffff, v2  }
0x2fc: {  	v2 =	vld [tilespmem:s0+$0x440];
	_ =	sdelay $0x4  }
0x2fd: {  	[tilespmem:s4+$0x84C0] =	vst.add.f32.msk $0xffff, v2  }
0x2fe: {  	v2 =	vld [tilespmem:s0+$0x450];
	_ =	sdelay $0x4  }
0x2ff: {  	[tilespmem:s4+$0x84D0] =	vst.add.f32.msk $0xffff, v2  }
0x300: {  	v2 =	vld [tilespmem:s0+$0x460];
	_ =	sdelay $0x4  }
0x301: {  	[tilespmem:s4+$0x84E0] =	vst.add.f32.msk $0xffff, v2  }
0x302: {  	v2 =	vld [tilespmem:s0+$0x470]  }
.Ltmp9:
0x303: {  	_ = 	snop;
	(pc) =	sbr.rel .LBB2_11-.Ltmp9, $2  }
0x304: {  	_ =	sdelay $0x2  }
0x305: {  	[tilespmem:s4+$0x84F0] =	vst.add.f32.msk $0xffff, v2  }
.LBB2_13:
0x306: {  	_ =	sfence.sel $0x180000  }
0x307: {  	[bflag:$0x0] =	sbarrier.arrive $0xFFFF  }
0x308: {  	_ =	strace $0x90000047  }
0x309: {  	s0 =	stileid.u32;
	[bflag:$0x2] =	sbarrier.arrive $0xFFFF  }
0x30a: {  	p0 =	sne.s32 s0, $0x0;
	s0 =	rddreg [dreg:$0x3]  }
0x30b: {  	s0 =	sadd.s32 @!p0 $0x100000, s0  }
0x30c: {  	[sflag:s0] =	ssyncadd.tile.s32 @!p0 $0x1;
	_ =	shalt  }
.Lfunc_end2:
_tile_overlayer_lowered:
.L_overlay_start_2:
0x30d: {  	(tag) =	ssettag $0x2  }
0x30e: {  	s0 =	rddreg [dreg:$0x0];
	s2 =	stileid.u32  }
0x30f: {  	s1 =	rddreg [dreg:$0x1];
	p0 =	sne.s32 s2, $0x0  }
0x310: {  	s3 =	rddreg [dreg:$0x2];
	[bflag:$0x3] =	sbarrier.arrive $0xFFFF;
	s2 =	simm.s32 @!p0 $0x1C03  }
0x311: {  	[timem:s3], [sflag:s2] =	dma.local @!p0 [hbm:s0], s1  }
0x312: {  	s0 =	simm.s32 @!p0 $0x3  }
0x313: {  	_ =	swait.ge @!p0 [sflag:s0], s1  }
0x314: {  	s1 =	ssub.s32 @!p0 $0x0, s1;
	[sflag:s0] =	ssyncset.done @!p0 $0x0  }
0x315: {  	[sflag:s0] =	ssyncadd.s32 @!p0 s1  }
0x316: {  	[bflag:$0x3] =	sbarrier.arrive $0xFFFF  }
0x317: {  	_ =	shalt  }

</sc_bundles>
